<compile_context>
chip_gen: v7x
topology: tpu7x:2x2x1
jax: 0.10.2.dev20260603
libtpu: 0.0.44.dev20260713+nightly
codegen_flags: <defaults>
</compile_context>

<pallas_src>
import functools

import jax
import jax.numpy as jnp
from jax import lax
from jax.experimental import pallas as pl
from jax.experimental.pallas import tpu as pltpu
from jax.experimental.pallas import tpu_sc as plsc


def _make_gather(B, S, D, CH, NB):
    info = plsc.get_sparse_core_info()
    NC, NS = info.num_cores, info.num_subcores
    NW = NC * NS
    N = B * S
    assert N % NW == 0
    b_per_w = N // NW
    assert b_per_w % CH == 0 and S % b_per_w == 0
    w_per_b = S // b_per_w
    nch = b_per_w // CH
    mesh = plsc.VectorSubcoreMesh(core_axis_name="c", subcore_axis_name="s")

    @functools.partial(
        pl.kernel,
        mesh=mesh,
        out_type=jax.ShapeDtypeStruct((B, S, D), jnp.float32),
        scratch_types=[
            pltpu.VMEM((b_per_w,), jnp.int32),
            pltpu.VMEM((NB, CH, D), jnp.float32),
        ]
        + [pltpu.SemaphoreType.DMA] * (2 * NB),
    )
    def k(ids_hbm, table_hbm, out_hbm, idx_v, bufs, *sems):
        gsem = sems[:NB]
        wsem = sems[NB:]
        wid = lax.axis_index("s") * NC + lax.axis_index("c")
        b = wid // w_per_b
        off = (wid % w_per_b) * b_per_w
        FIRST = 2 * CH
        pltpu.sync_copy(ids_hbm.at[b, pl.ds(off, FIRST)], idx_v.at[pl.ds(0, FIRST)])

        gather_h = [None] * NB
        write_h = [None] * NB
        rest_h = None
        for c in range(nch):
            s = c % NB
            if write_h[s] is not None:
                write_h[s].wait()
            if c == 2:
                rest_h.wait()
            gather_h[s] = pltpu.async_copy(
                table_hbm.at[idx_v.at[pl.ds(c * CH, CH)]], bufs.at[s], gsem[s]
            )
            if c == 0:
                rest_h = pltpu.async_copy(
                    ids_hbm.at[b, pl.ds(off + FIRST, b_per_w - FIRST)],
                    idx_v.at[pl.ds(FIRST, b_per_w - FIRST)],
                    wsem[NB - 1],
                )
            if c >= 1:
                p = (c - 1) % NB
                gather_h[p].wait()
                write_h[p] = pltpu.async_copy(
                    bufs.at[p], out_hbm.at[b, pl.ds(off + (c - 1) * CH, CH)], wsem[p]
                )
        p = (nch - 1) % NB
        gather_h[p].wait()
        write_h[p] = pltpu.async_copy(
            bufs.at[p], out_hbm.at[b, pl.ds(off + (nch - 1) * CH, CH)], wsem[p]
        )
        for h in write_h:
            h.wait()

    return k


def kernel(input_ids, table):
    B, S = input_ids.shape
    V, D = table.shape
    return _make_gather(B, S, D, 64, 2)(input_ids, table)

# --- scband reference (transcript-rebuilt; emitter-appended) ---
"""Pipeline reference for scband-pro-gen2-embeddings-17386027614985 (READ-ONLY COPY).

The authoritative reference and input builder live on the scoring server;
editing this copy changes nothing except your own understanding.
"""

import jax, jax.numpy as jnp
import numpy as np

VOCAB = 100000
HID = 768
PAD = 0
B, S = 4, 8192

def setup_inputs(seed: int = 0) -> dict:
    key = jax.random.key(seed)
    k1, k2 = jax.random.split(key)
    input_ids = jax.random.randint(k1, (B, S), 0, VOCAB, dtype=jnp.int32)
    table = jax.random.normal(k2, (VOCAB, HID), dtype=jnp.float32) * 0.02
    # padding_idx row is zero-initialized in nn.Embedding
    table = table.at[PAD].set(0.0)
    return {"input_ids": input_ids, "table": table}

def reference(input_ids, table):
    # ProGen2Embeddings.forward with inputs_embeds=None:
    #   inputs_embeds = word_embeddings(input_ids); dropout (p=0.0 / eval -> identity)
    inputs_embeds = jnp.take(table, input_ids, axis=0)
    return inputs_embeds

if __name__ == "__main__":
    import jax
    _d = setup_inputs()
    print(jax.jit(kernel)(*tuple(_d.values())))

</pallas_src>

<mosaic_0001>
#map = affine_map<(d0, d1) -> (0, 0)>
#map1 = affine_map<(d0, d1) -> (0, 0, 0)>
module attributes {stable_mosaic.version = 14 : i64} {
  func.func @k(%arg0: i32, %arg1: i32, %arg2: memref<4x8192xi32, #tpu.memory_space<hbm>>, %arg3: memref<100000x768xf32, #tpu.memory_space<hbm>>, %arg4: memref<4x8192x768xf32, #tpu.memory_space<hbm>>, %arg5: memref<1024xi32, #tpu.memory_space<vmem>>, %arg6: memref<2x64x768xf32, #tpu.memory_space<vmem>>, %arg7: memref<!tpu.dma_semaphore, #tpu.memory_space<semaphore_mem>>, %arg8: memref<!tpu.dma_semaphore, #tpu.memory_space<semaphore_mem>>, %arg9: memref<!tpu.dma_semaphore, #tpu.memory_space<semaphore_mem>>, %arg10: memref<!tpu.dma_semaphore, #tpu.memory_space<semaphore_mem>>) attributes {dimension_semantics = [#tpu.dimension_semantics<core_parallel>, #tpu.dimension_semantics<subcore_parallel>], iteration_bounds = array<i64: 2, 16>, scalar_prefetch = 0 : i64, scratch_operands = 6 : i64, tpu.core_type = #tpu.core_type<sc_vector_subcore>, window_params = [{transform_indices = #map}, {transform_indices = #map}, {transform_indices = #map1}]} {
    %mul3A = arith.constant 2 : i32
    %mul3A_0 = arith.muli %arg1, %mul3A : i32
    %add3A = arith.addi %mul3A_0, %arg0 : i32
    %jit3A = arith.constant 8 : i32
    %div3A = arith.divsi %add3A, %jit3A : i32
    %sign3A = arith.constant 0 : i32
    %sign3A_1 = arith.cmpi sgt, %add3A, %sign3A : i32
    %sign3A_2 = arith.extui %sign3A_1 : i1 to i32
    %sign3A_3 = arith.constant 0 : i32
    %sign3A_4 = arith.cmpi slt, %add3A, %sign3A_3 : i32
    %sign3A_5 = arith.extui %sign3A_4 : i1 to i32
    %sign3A_6 = arith.subi %sign3A_2, %sign3A_5 : i32
    %sign3A_7 = arith.constant 0 : i32
    %sign3A_8 = arith.cmpi sgt, %jit3A, %sign3A_7 : i32
    %sign3A_9 = arith.extui %sign3A_8 : i1 to i32
    %sign3A_10 = arith.constant 0 : i32
    %sign3A_11 = arith.cmpi slt, %jit3A, %sign3A_10 : i32
    %sign3A_12 = arith.extui %sign3A_11 : i1 to i32
    %sign3A_13 = arith.subi %sign3A_9, %sign3A_12 : i32
    %ne3A = arith.cmpi ne, %sign3A_6, %sign3A_13 : i32
    %rem3A = arith.remsi %add3A, %jit3A : i32
    %ne3A_14 = arith.constant 0 : i32
    %ne3A_15 = arith.cmpi ne, %rem3A, %ne3A_14 : i32
    %and3A = arith.andi %ne3A, %ne3A_15 : i1
    %sub3A = arith.constant 1 : i32
    %sub3A_16 = arith.subi %div3A, %sub3A : i32
    %select_n3A = arith.select %and3A, %sub3A_16, %div3A : i32
    %jit3A_17 = arith.constant 8 : i32
    %eq3A = arith.constant 0 : i32
    %eq3A_18 = arith.cmpi eq, %jit3A_17, %eq3A : i32
    %jit3A_19 = arith.constant 1 : i32
    %select_n3A_20 = arith.select %eq3A_18, %jit3A_19, %jit3A_17 : i32
    %rem3A_21 = arith.remsi %add3A, %select_n3A_20 : i32
    %ne3A_22 = arith.constant 0 : i32
    %ne3A_23 = arith.cmpi ne, %rem3A_21, %ne3A_22 : i32
    %lt3A = arith.constant 0 : i32
    %lt3A_24 = arith.cmpi slt, %rem3A_21, %lt3A : i32
    %lt3A_25 = arith.constant 0 : i32
    %lt3A_26 = arith.cmpi slt, %select_n3A_20, %lt3A_25 : i32
    %ne3A_27 = arith.xori %lt3A_24, %lt3A_26 : i1
    %and3A_28 = arith.andi %ne3A_27, %ne3A_23 : i1
    %add3A_29 = arith.addi %rem3A_21, %select_n3A_20 : i32
    %select_n3A_30 = arith.select %and3A_28, %add3A_29, %rem3A_21 : i32
    %mul3A_31 = arith.constant 1024 : i32
    %mul3A_32 = arith.muli %select_n3A_30, %mul3A_31 : i32
    "tpu.region"() ({
      %run_scoped3A = tpu.sem_alloc : memref<!tpu.dma_semaphore, #tpu.memory_space<semaphore_mem>>
      %dma_start3A_881 = arith.constant 0 : i32
      %dma_start3A_882 = tpu.memref_slice %arg5[%dma_start3A_881] : memref<1024xi32, #tpu.memory_space<vmem>> -> memref<128xi32, #tpu.memory_space<vmem>>
      %dma_start3A_883 = tpu.memref_slice %arg2[%select_n3A, %mul3A_32] : memref<4x8192xi32, #tpu.memory_space<hbm>> -> memref<1x128xi32, #tpu.memory_space<hbm>>
      %dma_start3A_884 = tpu.memref_squeeze %dma_start3A_883 : memref<1x128xi32, #tpu.memory_space<hbm>> -> memref<128xi32, #tpu.memory_space<hbm>>
      %dma_start3A_885 = arith.constant 0 : i32
      %dma_start3A_886 = tpu.memref_slice %arg5[%dma_start3A_885] : memref<1024xi32, #tpu.memory_space<vmem>> -> memref<128xi32, #tpu.memory_space<vmem>>
      %dma_start3A_887 = tpu.memref_slice %arg2[%select_n3A, %mul3A_32] : memref<4x8192xi32, #tpu.memory_space<hbm>> -> memref<1x128xi32, #tpu.memory_space<hbm>>
      %dma_start3A_888 = tpu.memref_squeeze %dma_start3A_887 : memref<1x128xi32, #tpu.memory_space<hbm>> -> memref<128xi32, #tpu.memory_space<hbm>>
      tpu.enqueue_dma source(%dma_start3A_888 : memref<128xi32, #tpu.memory_space<hbm>>) target(%dma_start3A_886 : memref<128xi32, #tpu.memory_space<vmem>>) target_semaphore(%run_scoped3A : memref<!tpu.dma_semaphore, #tpu.memory_space<semaphore_mem>>)
      %dma_wait3A_889 = arith.constant 0 : i32
      %dma_wait3A_890 = tpu.memref_slice %arg5[%dma_wait3A_889] : memref<1024xi32, #tpu.memory_space<vmem>> -> memref<128xi32, #tpu.memory_space<vmem>>
      %dma_wait3A_891 = tpu.memref_slice %arg2[%select_n3A, %mul3A_32] : memref<4x8192xi32, #tpu.memory_space<hbm>> -> memref<1x128xi32, #tpu.memory_space<hbm>>
      %dma_wait3A_892 = tpu.memref_squeeze %dma_wait3A_891 : memref<1x128xi32, #tpu.memory_space<hbm>> -> memref<128xi32, #tpu.memory_space<hbm>>
      %dma_wait3A_893 = arith.constant 0 : i32
      %dma_wait3A_894 = tpu.memref_slice %arg5[%dma_wait3A_893] : memref<1024xi32, #tpu.memory_space<vmem>> -> memref<128xi32, #tpu.memory_space<vmem>>
      %dma_wait3A_895 = tpu.memref_slice %arg2[%select_n3A, %mul3A_32] : memref<4x8192xi32, #tpu.memory_space<hbm>> -> memref<1x128xi32, #tpu.memory_space<hbm>>
      %dma_wait3A_896 = tpu.memref_squeeze %dma_wait3A_895 : memref<1x128xi32, #tpu.memory_space<hbm>> -> memref<128xi32, #tpu.memory_space<hbm>>
      tpu.wait_dma2 semaphore(%run_scoped3A : memref<!tpu.dma_semaphore, #tpu.memory_space<semaphore_mem>>) src(%dma_wait3A_896 : memref<128xi32, #tpu.memory_space<hbm>>) dst(%dma_wait3A_894 : memref<128xi32, #tpu.memory_space<vmem>>)
      tpu.yield
    }) : () -> ()
    %dma_start3A = arith.constant 0 : i32
    %dma_start3A_33 = arith.constant 0 : i32
    %dma_start3A_34 = arith.constant 0 : i32
    %dma_start3A_35 = tpu.memref_slice %arg6[%dma_start3A, %dma_start3A_33, %dma_start3A_34] : memref<2x64x768xf32, #tpu.memory_space<vmem>> -> memref<1x64x768xf32, #tpu.memory_space<vmem>>
    %dma_start3A_36 = tpu.memref_squeeze %dma_start3A_35 : memref<1x64x768xf32, #tpu.memory_space<vmem>> -> memref<64x768xf32, #tpu.memory_space<vmem>>
    %dma_start3A_37 = arith.constant 0 : i32
    %dma_start3A_38 = tpu.memref_slice %arg5[%dma_start3A_37] : memref<1024xi32, #tpu.memory_space<vmem>> -> memref<64xi32, #tpu.memory_space<vmem>>
    %dma_start3A_39 = arith.constant 0 : i32
    %dma_start3A_40 = arith.constant 0 : i32
    %dma_start3A_41 = tpu.memref_slice %arg3[%dma_start3A_39, %dma_start3A_40] : memref<100000x768xf32, #tpu.memory_space<hbm>> -> memref<100000x768xf32, #tpu.memory_space<hbm>>
    tpu.enqueue_indirect_dma source(%dma_start3A_41 : memref<100000x768xf32, #tpu.memory_space<hbm>>) target(%dma_start3A_36 : memref<64x768xf32, #tpu.memory_space<vmem>>) offsets(%dma_start3A_38 : memref<64xi32, #tpu.memory_space<vmem>>) semaphore(%arg7 : memref<!tpu.dma_semaphore, #tpu.memory_space<semaphore_mem>>)
    %add3A_42 = arith.constant 128 : i32
    %add3A_43 = arith.addi %mul3A_32, %add3A_42 : i32
    %dma_start3A_44 = arith.constant 128 : i32
    %dma_start3A_45 = tpu.memref_slice %arg5[%dma_start3A_44] : memref<1024xi32, #tpu.memory_space<vmem>> -> memref<896xi32, #tpu.memory_space<vmem>>
    %dma_start3A_46 = tpu.memref_slice %arg2[%select_n3A, %add3A_43] : memref<4x8192xi32, #tpu.memory_space<hbm>> -> memref<1x896xi32, #tpu.memory_space<hbm>>
    %dma_start3A_47 = tpu.memref_squeeze %dma_start3A_46 : memref<1x896xi32, #tpu.memory_space<hbm>> -> memref<896xi32, #tpu.memory_space<hbm>>
    %dma_start3A_48 = arith.constant 128 : i32
    %dma_start3A_49 = tpu.memref_slice %arg5[%dma_start3A_48] : memref<1024xi32, #tpu.memory_space<vmem>> -> memref<896xi32, #tpu.memory_space<vmem>>
    %dma_start3A_50 = tpu.memref_slice %arg2[%select_n3A, %add3A_43] : memref<4x8192xi32, #tpu.memory_space<hbm>> -> memref<1x896xi32, #tpu.memory_space<hbm>>
    %dma_start3A_51 = tpu.memref_squeeze %dma_start3A_50 : memref<1x896xi32, #tpu.memory_space<hbm>> -> memref<896xi32, #tpu.memory_space<hbm>>
    tpu.enqueue_dma source(%dma_start3A_51 : memref<896xi32, #tpu.memory_space<hbm>>) target(%dma_start3A_49 : memref<896xi32, #tpu.memory_space<vmem>>) target_semaphore(%arg10 : memref<!tpu.dma_semaphore, #tpu.memory_space<semaphore_mem>>)
    %dma_start3A_52 = arith.constant 1 : i32
    %dma_start3A_53 = arith.constant 0 : i32
    %dma_start3A_54 = arith.constant 0 : i32
    %dma_start3A_55 = tpu.memref_slice %arg6[%dma_start3A_52, %dma_start3A_53, %dma_start3A_54] : memref<2x64x768xf32, #tpu.memory_space<vmem>> -> memref<1x64x768xf32, #tpu.memory_space<vmem>>
    %dma_start3A_56 = tpu.memref_squeeze %dma_start3A_55 : memref<1x64x768xf32, #tpu.memory_space<vmem>> -> memref<64x768xf32, #tpu.memory_space<vmem>>
    %dma_start3A_57 = arith.constant 64 : i32
    %dma_start3A_58 = tpu.memref_slice %arg5[%dma_start3A_57] : memref<1024xi32, #tpu.memory_space<vmem>> -> memref<64xi32, #tpu.memory_space<vmem>>
    %dma_start3A_59 = arith.constant 0 : i32
    %dma_start3A_60 = arith.constant 0 : i32
    %dma_start3A_61 = tpu.memref_slice %arg3[%dma_start3A_59, %dma_start3A_60] : memref<100000x768xf32, #tpu.memory_space<hbm>> -> memref<100000x768xf32, #tpu.memory_space<hbm>>
    tpu.enqueue_indirect_dma source(%dma_start3A_61 : memref<100000x768xf32, #tpu.memory_space<hbm>>) target(%dma_start3A_56 : memref<64x768xf32, #tpu.memory_space<vmem>>) offsets(%dma_start3A_58 : memref<64xi32, #tpu.memory_space<vmem>>) semaphore(%arg8 : memref<!tpu.dma_semaphore, #tpu.memory_space<semaphore_mem>>)
    %dma_wait3A = arith.constant 0 : i32
    %dma_wait3A_62 = arith.constant 0 : i32
    %dma_wait3A_63 = arith.constant 0 : i32
    %dma_wait3A_64 = tpu.memref_slice %arg6[%dma_wait3A, %dma_wait3A_62, %dma_wait3A_63] : memref<2x64x768xf32, #tpu.memory_space<vmem>> -> memref<1x64x768xf32, #tpu.memory_space<vmem>>
    %dma_wait3A_65 = tpu.memref_squeeze %dma_wait3A_64 : memref<1x64x768xf32, #tpu.memory_space<vmem>> -> memref<64x768xf32, #tpu.memory_space<vmem>>
    %dma_wait3A_66 = arith.constant 0 : i32
    %dma_wait3A_67 = tpu.memref_slice %arg5[%dma_wait3A_66] : memref<1024xi32, #tpu.memory_space<vmem>> -> memref<64xi32, #tpu.memory_space<vmem>>
    %dma_wait3A_68 = arith.constant 0 : i32
    %dma_wait3A_69 = arith.constant 0 : i32
    %dma_wait3A_70 = tpu.memref_slice %arg3[%dma_wait3A_68, %dma_wait3A_69] : memref<100000x768xf32, #tpu.memory_space<hbm>> -> memref<100000x768xf32, #tpu.memory_space<hbm>>
    tpu.wait_indirect_dma semaphore(%arg7 : memref<!tpu.dma_semaphore, #tpu.memory_space<semaphore_mem>>) src(%dma_wait3A_70 : memref<100000x768xf32, #tpu.memory_space<hbm>>) dst(%dma_wait3A_65 : memref<64x768xf32, #tpu.memory_space<vmem>>)
    %add3A_71 = arith.constant 0 : i32
    %add3A_72 = arith.addi %mul3A_32, %add3A_71 : i32
    %dma_start3A_73 = arith.constant 0 : i32
    %dma_start3A_74 = arith.constant 0 : i32
    %dma_start3A_75 = arith.constant 0 : i32
    %dma_start3A_76 = tpu.memref_slice %arg6[%dma_start3A_73, %dma_start3A_74, %dma_start3A_75] : memref<2x64x768xf32, #tpu.memory_space<vmem>> -> memref<1x64x768xf32, #tpu.memory_space<vmem>>
    %dma_start3A_77 = tpu.memref_squeeze %dma_start3A_76 : memref<1x64x768xf32, #tpu.memory_space<vmem>> -> memref<64x768xf32, #tpu.memory_space<vmem>>
    %dma_start3A_78 = arith.constant 0 : i32
    %dma_start3A_79 = tpu.memref_slice %arg4[%select_n3A, %add3A_72, %dma_start3A_78] : memref<4x8192x768xf32, #tpu.memory_space<hbm>> -> memref<1x64x768xf32, #tpu.memory_space<hbm>>
    %dma_start3A_80 = tpu.memref_squeeze %dma_start3A_79 : memref<1x64x768xf32, #tpu.memory_space<hbm>> -> memref<64x768xf32, #tpu.memory_space<hbm>>
    %dma_start3A_81 = arith.constant 0 : i32
    %dma_start3A_82 = tpu.memref_slice %arg4[%select_n3A, %add3A_72, %dma_start3A_81] : memref<4x8192x768xf32, #tpu.memory_space<hbm>> -> memref<1x64x768xf32, #tpu.memory_space<hbm>>
    %dma_start3A_83 = tpu.memref_squeeze %dma_start3A_82 : memref<1x64x768xf32, #tpu.memory_space<hbm>> -> memref<64x768xf32, #tpu.memory_space<hbm>>
    %dma_start3A_84 = arith.constant 0 : i32
    %dma_start3A_85 = arith.constant 0 : i32
    %dma_start3A_86 = tpu.memref_slice %arg6[%dma_start3A_73, %dma_start3A_84, %dma_start3A_85] : memref<2x64x768xf32, #tpu.memory_space<vmem>> -> memref<1x64x768xf32, #tpu.memory_space<vmem>>
    %dma_start3A_87 = tpu.memref_squeeze %dma_start3A_86 : memref<1x64x768xf32, #tpu.memory_space<vmem>> -> memref<64x768xf32, #tpu.memory_space<vmem>>
    tpu.enqueue_dma source(%dma_start3A_87 : memref<64x768xf32, #tpu.memory_space<vmem>>) target(%dma_start3A_83 : memref<64x768xf32, #tpu.memory_space<hbm>>) target_semaphore(%arg9 : memref<!tpu.dma_semaphore, #tpu.memory_space<semaphore_mem>>)
    %dma_wait3A_88 = arith.constant 0 : i32
    %dma_wait3A_89 = arith.constant 0 : i32
    %dma_wait3A_90 = arith.constant 0 : i32
    %dma_wait3A_91 = tpu.memref_slice %arg6[%dma_wait3A_88, %dma_wait3A_89, %dma_wait3A_90] : memref<2x64x768xf32, #tpu.memory_space<vmem>> -> memref<1x64x768xf32, #tpu.memory_space<vmem>>
    %dma_wait3A_92 = tpu.memref_squeeze %dma_wait3A_91 : memref<1x64x768xf32, #tpu.memory_space<vmem>> -> memref<64x768xf32, #tpu.memory_space<vmem>>
    %dma_wait3A_93 = arith.constant 0 : i32
    %dma_wait3A_94 = tpu.memref_slice %arg4[%select_n3A, %add3A_72, %dma_wait3A_93] : memref<4x8192x768xf32, #tpu.memory_space<hbm>> -> memref<1x64x768xf32, #tpu.memory_space<hbm>>
    %dma_wait3A_95 = tpu.memref_squeeze %dma_wait3A_94 : memref<1x64x768xf32, #tpu.memory_space<hbm>> -> memref<64x768xf32, #tpu.memory_space<hbm>>
    %dma_wait3A_96 = arith.constant 0 : i32
    %dma_wait3A_97 = tpu.memref_slice %arg4[%select_n3A, %add3A_72, %dma_wait3A_96] : memref<4x8192x768xf32, #tpu.memory_space<hbm>> -> memref<1x64x768xf32, #tpu.memory_space<hbm>>
    %dma_wait3A_98 = tpu.memref_squeeze %dma_wait3A_97 : memref<1x64x768xf32, #tpu.memory_space<hbm>> -> memref<64x768xf32, #tpu.memory_space<hbm>>
    %dma_wait3A_99 = arith.constant 0 : i32
    %dma_wait3A_100 = arith.constant 0 : i32
    %dma_wait3A_101 = tpu.memref_slice %arg6[%dma_wait3A_88, %dma_wait3A_99, %dma_wait3A_100] : memref<2x64x768xf32, #tpu.memory_space<vmem>> -> memref<1x64x768xf32, #tpu.memory_space<vmem>>
    %dma_wait3A_102 = tpu.memref_squeeze %dma_wait3A_101 : memref<1x64x768xf32, #tpu.memory_space<vmem>> -> memref<64x768xf32, #tpu.memory_space<vmem>>
    tpu.wait_dma2 semaphore(%arg9 : memref<!tpu.dma_semaphore, #tpu.memory_space<semaphore_mem>>) src(%dma_wait3A_102 : memref<64x768xf32, #tpu.memory_space<vmem>>) dst(%dma_wait3A_98 : memref<64x768xf32, #tpu.memory_space<hbm>>)
    %dma_wait3A_103 = arith.constant 128 : i32
    %dma_wait3A_104 = tpu.memref_slice %arg5[%dma_wait3A_103] : memref<1024xi32, #tpu.memory_space<vmem>> -> memref<896xi32, #tpu.memory_space<vmem>>
    %dma_wait3A_105 = tpu.memref_slice %arg2[%select_n3A, %add3A_43] : memref<4x8192xi32, #tpu.memory_space<hbm>> -> memref<1x896xi32, #tpu.memory_space<hbm>>
    %dma_wait3A_106 = tpu.memref_squeeze %dma_wait3A_105 : memref<1x896xi32, #tpu.memory_space<hbm>> -> memref<896xi32, #tpu.memory_space<hbm>>
    %dma_wait3A_107 = arith.constant 128 : i32
    %dma_wait3A_108 = tpu.memref_slice %arg5[%dma_wait3A_107] : memref<1024xi32, #tpu.memory_space<vmem>> -> memref<896xi32, #tpu.memory_space<vmem>>
    %dma_wait3A_109 = tpu.memref_slice %arg2[%select_n3A, %add3A_43] : memref<4x8192xi32, #tpu.memory_space<hbm>> -> memref<1x896xi32, #tpu.memory_space<hbm>>
    %dma_wait3A_110 = tpu.memref_squeeze %dma_wait3A_109 : memref<1x896xi32, #tpu.memory_space<hbm>> -> memref<896xi32, #tpu.memory_space<hbm>>
    tpu.wait_dma2 semaphore(%arg10 : memref<!tpu.dma_semaphore, #tpu.memory_space<semaphore_mem>>) src(%dma_wait3A_110 : memref<896xi32, #tpu.memory_space<hbm>>) dst(%dma_wait3A_108 : memref<896xi32, #tpu.memory_space<vmem>>)
    %dma_start3A_111 = arith.constant 0 : i32
    %dma_start3A_112 = arith.constant 0 : i32
    %dma_start3A_113 = arith.constant 0 : i32
    %dma_start3A_114 = tpu.memref_slice %arg6[%dma_start3A_111, %dma_start3A_112, %dma_start3A_113] : memref<2x64x768xf32, #tpu.memory_space<vmem>> -> memref<1x64x768xf32, #tpu.memory_space<vmem>>
    %dma_start3A_115 = tpu.memref_squeeze %dma_start3A_114 : memref<1x64x768xf32, #tpu.memory_space<vmem>> -> memref<64x768xf32, #tpu.memory_space<vmem>>
    %dma_start3A_116 = arith.constant 128 : i32
    %dma_start3A_117 = tpu.memref_slice %arg5[%dma_start3A_116] : memref<1024xi32, #tpu.memory_space<vmem>> -> memref<64xi32, #tpu.memory_space<vmem>>
    %dma_start3A_118 = arith.constant 0 : i32
    %dma_start3A_119 = arith.constant 0 : i32
    %dma_start3A_120 = tpu.memref_slice %arg3[%dma_start3A_118, %dma_start3A_119] : memref<100000x768xf32, #tpu.memory_space<hbm>> -> memref<100000x768xf32, #tpu.memory_space<hbm>>
    tpu.enqueue_indirect_dma source(%dma_start3A_120 : memref<100000x768xf32, #tpu.memory_space<hbm>>) target(%dma_start3A_115 : memref<64x768xf32, #tpu.memory_space<vmem>>) offsets(%dma_start3A_117 : memref<64xi32, #tpu.memory_space<vmem>>) semaphore(%arg7 : memref<!tpu.dma_semaphore, #tpu.memory_space<semaphore_mem>>)
    %dma_wait3A_121 = arith.constant 1 : i32
    %dma_wait3A_122 = arith.constant 0 : i32
    %dma_wait3A_123 = arith.constant 0 : i32
    %dma_wait3A_124 = tpu.memref_slice %arg6[%dma_wait3A_121, %dma_wait3A_122, %dma_wait3A_123] : memref<2x64x768xf32, #tpu.memory_space<vmem>> -> memref<1x64x768xf32, #tpu.memory_space<vmem>>
    %dma_wait3A_125 = tpu.memref_squeeze %dma_wait3A_124 : memref<1x64x768xf32, #tpu.memory_space<vmem>> -> memref<64x768xf32, #tpu.memory_space<vmem>>
    %dma_wait3A_126 = arith.constant 64 : i32
    %dma_wait3A_127 = tpu.memref_slice %arg5[%dma_wait3A_126] : memref<1024xi32, #tpu.memory_space<vmem>> -> memref<64xi32, #tpu.memory_space<vmem>>
    %dma_wait3A_128 = arith.constant 0 : i32
    %dma_wait3A_129 = arith.constant 0 : i32
    %dma_wait3A_130 = tpu.memref_slice %arg3[%dma_wait3A_128, %dma_wait3A_129] : memref<100000x768xf32, #tpu.memory_space<hbm>> -> memref<100000x768xf32, #tpu.memory_space<hbm>>
    tpu.wait_indirect_dma semaphore(%arg8 : memref<!tpu.dma_semaphore, #tpu.memory_space<semaphore_mem>>) src(%dma_wait3A_130 : memref<100000x768xf32, #tpu.memory_space<hbm>>) dst(%dma_wait3A_125 : memref<64x768xf32, #tpu.memory_space<vmem>>)
    %add3A_131 = arith.constant 64 : i32
    %add3A_132 = arith.addi %mul3A_32, %add3A_131 : i32
    %dma_start3A_133 = arith.constant 1 : i32
    %dma_start3A_134 = arith.constant 0 : i32
    %dma_start3A_135 = arith.constant 0 : i32
    %dma_start3A_136 = tpu.memref_slice %arg6[%dma_start3A_133, %dma_start3A_134, %dma_start3A_135] : memref<2x64x768xf32, #tpu.memory_space<vmem>> -> memref<1x64x768xf32, #tpu.memory_space<vmem>>
    %dma_start3A_137 = tpu.memref_squeeze %dma_start3A_136 : memref<1x64x768xf32, #tpu.memory_space<vmem>> -> memref<64x768xf32, #tpu.memory_space<vmem>>
    %dma_start3A_138 = arith.constant 0 : i32
    %dma_start3A_139 = tpu.memref_slice %arg4[%select_n3A, %add3A_132, %dma_start3A_138] : memref<4x8192x768xf32, #tpu.memory_space<hbm>> -> memref<1x64x768xf32, #tpu.memory_space<hbm>>
    %dma_start3A_140 = tpu.memref_squeeze %dma_start3A_139 : memref<1x64x768xf32, #tpu.memory_space<hbm>> -> memref<64x768xf32, #tpu.memory_space<hbm>>
    %dma_start3A_141 = arith.constant 0 : i32
    %dma_start3A_142 = tpu.memref_slice %arg4[%select_n3A, %add3A_132, %dma_start3A_141] : memref<4x8192x768xf32, #tpu.memory_space<hbm>> -> memref<1x64x768xf32, #tpu.memory_space<hbm>>
    %dma_start3A_143 = tpu.memref_squeeze %dma_start3A_142 : memref<1x64x768xf32, #tpu.memory_space<hbm>> -> memref<64x768xf32, #tpu.memory_space<hbm>>
    %dma_start3A_144 = arith.constant 0 : i32
    %dma_start3A_145 = arith.constant 0 : i32
    %dma_start3A_146 = tpu.memref_slice %arg6[%dma_start3A_133, %dma_start3A_144, %dma_start3A_145] : memref<2x64x768xf32, #tpu.memory_space<vmem>> -> memref<1x64x768xf32, #tpu.memory_space<vmem>>
    %dma_start3A_147 = tpu.memref_squeeze %dma_start3A_146 : memref<1x64x768xf32, #tpu.memory_space<vmem>> -> memref<64x768xf32, #tpu.memory_space<vmem>>
    tpu.enqueue_dma source(%dma_start3A_147 : memref<64x768xf32, #tpu.memory_space<vmem>>) target(%dma_start3A_143 : memref<64x768xf32, #tpu.memory_space<hbm>>) target_semaphore(%arg10 : memref<!tpu.dma_semaphore, #tpu.memory_space<semaphore_mem>>)
    %dma_wait3A_148 = arith.constant 1 : i32
    %dma_wait3A_149 = arith.constant 0 : i32
    %dma_wait3A_150 = arith.constant 0 : i32
    %dma_wait3A_151 = tpu.memref_slice %arg6[%dma_wait3A_148, %dma_wait3A_149, %dma_wait3A_150] : memref<2x64x768xf32, #tpu.memory_space<vmem>> -> memref<1x64x768xf32, #tpu.memory_space<vmem>>
    %dma_wait3A_152 = tpu.memref_squeeze %dma_wait3A_151 : memref<1x64x768xf32, #tpu.memory_space<vmem>> -> memref<64x768xf32, #tpu.memory_space<vmem>>
    %dma_wait3A_153 = arith.constant 0 : i32
    %dma_wait3A_154 = tpu.memref_slice %arg4[%select_n3A, %add3A_132, %dma_wait3A_153] : memref<4x8192x768xf32, #tpu.memory_space<hbm>> -> memref<1x64x768xf32, #tpu.memory_space<hbm>>
    %dma_wait3A_155 = tpu.memref_squeeze %dma_wait3A_154 : memref<1x64x768xf32, #tpu.memory_space<hbm>> -> memref<64x768xf32, #tpu.memory_space<hbm>>
    %dma_wait3A_156 = arith.constant 0 : i32
    %dma_wait3A_157 = tpu.memref_slice %arg4[%select_n3A, %add3A_132, %dma_wait3A_156] : memref<4x8192x768xf32, #tpu.memory_space<hbm>> -> memref<1x64x768xf32, #tpu.memory_space<hbm>>
    %dma_wait3A_158 = tpu.memref_squeeze %dma_wait3A_157 : memref<1x64x768xf32, #tpu.memory_space<hbm>> -> memref<64x768xf32, #tpu.memory_space<hbm>>
    %dma_wait3A_159 = arith.constant 0 : i32
    %dma_wait3A_160 = arith.constant 0 : i32
    %dma_wait3A_161 = tpu.memref_slice %arg6[%dma_wait3A_148, %dma_wait3A_159, %dma_wait3A_160] : memref<2x64x768xf32, #tpu.memory_space<vmem>> -> memref<1x64x768xf32, #tpu.memory_space<vmem>>
    %dma_wait3A_162 = tpu.memref_squeeze %dma_wait3A_161 : memref<1x64x768xf32, #tpu.memory_space<vmem>> -> memref<64x768xf32, #tpu.memory_space<vmem>>
    tpu.wait_dma2 semaphore(%arg10 : memref<!tpu.dma_semaphore, #tpu.memory_space<semaphore_mem>>) src(%dma_wait3A_162 : memref<64x768xf32, #tpu.memory_space<vmem>>) dst(%dma_wait3A_158 : memref<64x768xf32, #tpu.memory_space<hbm>>)
    %dma_start3A_163 = arith.constant 1 : i32
    %dma_start3A_164 = arith.constant 0 : i32
    %dma_start3A_165 = arith.constant 0 : i32
    %dma_start3A_166 = tpu.memref_slice %arg6[%dma_start3A_163, %dma_start3A_164, %dma_start3A_165] : memref<2x64x768xf32, #tpu.memory_space<vmem>> -> memref<1x64x768xf32, #tpu.memory_space<vmem>>
    %dma_start3A_167 = tpu.memref_squeeze %dma_start3A_166 : memref<1x64x768xf32, #tpu.memory_space<vmem>> -> memref<64x768xf32, #tpu.memory_space<vmem>>
    %dma_start3A_168 = arith.constant 192 : i32
    %dma_start3A_169 = tpu.memref_slice %arg5[%dma_start3A_168] : memref<1024xi32, #tpu.memory_space<vmem>> -> memref<64xi32, #tpu.memory_space<vmem>>
    %dma_start3A_170 = arith.constant 0 : i32
    %dma_start3A_171 = arith.constant 0 : i32
    %dma_start3A_172 = tpu.memref_slice %arg3[%dma_start3A_170, %dma_start3A_171] : memref<100000x768xf32, #tpu.memory_space<hbm>> -> memref<100000x768xf32, #tpu.memory_space<hbm>>
    tpu.enqueue_indirect_dma source(%dma_start3A_172 : memref<100000x768xf32, #tpu.memory_space<hbm>>) target(%dma_start3A_167 : memref<64x768xf32, #tpu.memory_space<vmem>>) offsets(%dma_start3A_169 : memref<64xi32, #tpu.memory_space<vmem>>) semaphore(%arg8 : memref<!tpu.dma_semaphore, #tpu.memory_space<semaphore_mem>>)
    %dma_wait3A_173 = arith.constant 0 : i32
    %dma_wait3A_174 = arith.constant 0 : i32
    %dma_wait3A_175 = arith.constant 0 : i32
    %dma_wait3A_176 = tpu.memref_slice %arg6[%dma_wait3A_173, %dma_wait3A_174, %dma_wait3A_175] : memref<2x64x768xf32, #tpu.memory_space<vmem>> -> memref<1x64x768xf32, #tpu.memory_space<vmem>>
    %dma_wait3A_177 = tpu.memref_squeeze %dma_wait3A_176 : memref<1x64x768xf32, #tpu.memory_space<vmem>> -> memref<64x768xf32, #tpu.memory_space<vmem>>
    %dma_wait3A_178 = arith.constant 128 : i32
    %dma_wait3A_179 = tpu.memref_slice %arg5[%dma_wait3A_178] : memref<1024xi32, #tpu.memory_space<vmem>> -> memref<64xi32, #tpu.memory_space<vmem>>
    %dma_wait3A_180 = arith.constant 0 : i32
    %dma_wait3A_181 = arith.constant 0 : i32
    %dma_wait3A_182 = tpu.memref_slice %arg3[%dma_wait3A_180, %dma_wait3A_181] : memref<100000x768xf32, #tpu.memory_space<hbm>> -> memref<100000x768xf32, #tpu.memory_space<hbm>>
    tpu.wait_indirect_dma semaphore(%arg7 : memref<!tpu.dma_semaphore, #tpu.memory_space<semaphore_mem>>) src(%dma_wait3A_182 : memref<100000x768xf32, #tpu.memory_space<hbm>>) dst(%dma_wait3A_177 : memref<64x768xf32, #tpu.memory_space<vmem>>)
    %add3A_183 = arith.constant 128 : i32
    %add3A_184 = arith.addi %mul3A_32, %add3A_183 : i32
    %dma_start3A_185 = arith.constant 0 : i32
    %dma_start3A_186 = arith.constant 0 : i32
    %dma_start3A_187 = arith.constant 0 : i32
    %dma_start3A_188 = tpu.memref_slice %arg6[%dma_start3A_185, %dma_start3A_186, %dma_start3A_187] : memref<2x64x768xf32, #tpu.memory_space<vmem>> -> memref<1x64x768xf32, #tpu.memory_space<vmem>>
    %dma_start3A_189 = tpu.memref_squeeze %dma_start3A_188 : memref<1x64x768xf32, #tpu.memory_space<vmem>> -> memref<64x768xf32, #tpu.memory_space<vmem>>
    %dma_start3A_190 = arith.constant 0 : i32
    %dma_start3A_191 = tpu.memref_slice %arg4[%select_n3A, %add3A_184, %dma_start3A_190] : memref<4x8192x768xf32, #tpu.memory_space<hbm>> -> memref<1x64x768xf32, #tpu.memory_space<hbm>>
    %dma_start3A_192 = tpu.memref_squeeze %dma_start3A_191 : memref<1x64x768xf32, #tpu.memory_space<hbm>> -> memref<64x768xf32, #tpu.memory_space<hbm>>
    %dma_start3A_193 = arith.constant 0 : i32
    %dma_start3A_194 = tpu.memref_slice %arg4[%select_n3A, %add3A_184, %dma_start3A_193] : memref<4x8192x768xf32, #tpu.memory_space<hbm>> -> memref<1x64x768xf32, #tpu.memory_space<hbm>>
    %dma_start3A_195 = tpu.memref_squeeze %dma_start3A_194 : memref<1x64x768xf32, #tpu.memory_space<hbm>> -> memref<64x768xf32, #tpu.memory_space<hbm>>
    %dma_start3A_196 = arith.constant 0 : i32
    %dma_start3A_197 = arith.constant 0 : i32
    %dma_start3A_198 = tpu.memref_slice %arg6[%dma_start3A_185, %dma_start3A_196, %dma_start3A_197] : memref<2x64x768xf32, #tpu.memory_space<vmem>> -> memref<1x64x768xf32, #tpu.memory_space<vmem>>
    %dma_start3A_199 = tpu.memref_squeeze %dma_start3A_198 : memref<1x64x768xf32, #tpu.memory_space<vmem>> -> memref<64x768xf32, #tpu.memory_space<vmem>>
    tpu.enqueue_dma source(%dma_start3A_199 : memref<64x768xf32, #tpu.memory_space<vmem>>) target(%dma_start3A_195 : memref<64x768xf32, #tpu.memory_space<hbm>>) target_semaphore(%arg9 : memref<!tpu.dma_semaphore, #tpu.memory_space<semaphore_mem>>)
    %dma_wait3A_200 = arith.constant 0 : i32
    %dma_wait3A_201 = arith.constant 0 : i32
    %dma_wait3A_202 = arith.constant 0 : i32
    %dma_wait3A_203 = tpu.memref_slice %arg6[%dma_wait3A_200, %dma_wait3A_201, %dma_wait3A_202] : memref<2x64x768xf32, #tpu.memory_space<vmem>> -> memref<1x64x768xf32, #tpu.memory_space<vmem>>
    %dma_wait3A_204 = tpu.memref_squeeze %dma_wait3A_203 : memref<1x64x768xf32, #tpu.memory_space<vmem>> -> memref<64x768xf32, #tpu.memory_space<vmem>>
    %dma_wait3A_205 = arith.constant 0 : i32
    %dma_wait3A_206 = tpu.memref_slice %arg4[%select_n3A, %add3A_184, %dma_wait3A_205] : memref<4x8192x768xf32, #tpu.memory_space<hbm>> -> memref<1x64x768xf32, #tpu.memory_space<hbm>>
    %dma_wait3A_207 = tpu.memref_squeeze %dma_wait3A_206 : memref<1x64x768xf32, #tpu.memory_space<hbm>> -> memref<64x768xf32, #tpu.memory_space<hbm>>
    %dma_wait3A_208 = arith.constant 0 : i32
    %dma_wait3A_209 = tpu.memref_slice %arg4[%select_n3A, %add3A_184, %dma_wait3A_208] : memref<4x8192x768xf32, #tpu.memory_space<hbm>> -> memref<1x64x768xf32, #tpu.memory_space<hbm>>
    %dma_wait3A_210 = tpu.memref_squeeze %dma_wait3A_209 : memref<1x64x768xf32, #tpu.memory_space<hbm>> -> memref<64x768xf32, #tpu.memory_space<hbm>>
    %dma_wait3A_211 = arith.constant 0 : i32
    %dma_wait3A_212 = arith.constant 0 : i32
    %dma_wait3A_213 = tpu.memref_slice %arg6[%dma_wait3A_200, %dma_wait3A_211, %dma_wait3A_212] : memref<2x64x768xf32, #tpu.memory_space<vmem>> -> memref<1x64x768xf32, #tpu.memory_space<vmem>>
    %dma_wait3A_214 = tpu.memref_squeeze %dma_wait3A_213 : memref<1x64x768xf32, #tpu.memory_space<vmem>> -> memref<64x768xf32, #tpu.memory_space<vmem>>
    tpu.wait_dma2 semaphore(%arg9 : memref<!tpu.dma_semaphore, #tpu.memory_space<semaphore_mem>>) src(%dma_wait3A_214 : memref<64x768xf32, #tpu.memory_space<vmem>>) dst(%dma_wait3A_210 : memref<64x768xf32, #tpu.memory_space<hbm>>)
    %dma_start3A_215 = arith.constant 0 : i32
    %dma_start3A_216 = arith.constant 0 : i32
    %dma_start3A_217 = arith.constant 0 : i32
    %dma_start3A_218 = tpu.memref_slice %arg6[%dma_start3A_215, %dma_start3A_216, %dma_start3A_217] : memref<2x64x768xf32, #tpu.memory_space<vmem>> -> memref<1x64x768xf32, #tpu.memory_space<vmem>>
    %dma_start3A_219 = tpu.memref_squeeze %dma_start3A_218 : memref<1x64x768xf32, #tpu.memory_space<vmem>> -> memref<64x768xf32, #tpu.memory_space<vmem>>
    %dma_start3A_220 = arith.constant 256 : i32
    %dma_start3A_221 = tpu.memref_slice %arg5[%dma_start3A_220] : memref<1024xi32, #tpu.memory_space<vmem>> -> memref<64xi32, #tpu.memory_space<vmem>>
    %dma_start3A_222 = arith.constant 0 : i32
    %dma_start3A_223 = arith.constant 0 : i32
    %dma_start3A_224 = tpu.memref_slice %arg3[%dma_start3A_222, %dma_start3A_223] : memref<100000x768xf32, #tpu.memory_space<hbm>> -> memref<100000x768xf32, #tpu.memory_space<hbm>>
    tpu.enqueue_indirect_dma source(%dma_start3A_224 : memref<100000x768xf32, #tpu.memory_space<hbm>>) target(%dma_start3A_219 : memref<64x768xf32, #tpu.memory_space<vmem>>) offsets(%dma_start3A_221 : memref<64xi32, #tpu.memory_space<vmem>>) semaphore(%arg7 : memref<!tpu.dma_semaphore, #tpu.memory_space<semaphore_mem>>)
    %dma_wait3A_225 = arith.constant 1 : i32
    %dma_wait3A_226 = arith.constant 0 : i32
    %dma_wait3A_227 = arith.constant 0 : i32
    %dma_wait3A_228 = tpu.memref_slice %arg6[%dma_wait3A_225, %dma_wait3A_226, %dma_wait3A_227] : memref<2x64x768xf32, #tpu.memory_space<vmem>> -> memref<1x64x768xf32, #tpu.memory_space<vmem>>
    %dma_wait3A_229 = tpu.memref_squeeze %dma_wait3A_228 : memref<1x64x768xf32, #tpu.memory_space<vmem>> -> memref<64x768xf32, #tpu.memory_space<vmem>>
    %dma_wait3A_230 = arith.constant 192 : i32
    %dma_wait3A_231 = tpu.memref_slice %arg5[%dma_wait3A_230] : memref<1024xi32, #tpu.memory_space<vmem>> -> memref<64xi32, #tpu.memory_space<vmem>>
    %dma_wait3A_232 = arith.constant 0 : i32
    %dma_wait3A_233 = arith.constant 0 : i32
    %dma_wait3A_234 = tpu.memref_slice %arg3[%dma_wait3A_232, %dma_wait3A_233] : memref<100000x768xf32, #tpu.memory_space<hbm>> -> memref<100000x768xf32, #tpu.memory_space<hbm>>
    tpu.wait_indirect_dma semaphore(%arg8 : memref<!tpu.dma_semaphore, #tpu.memory_space<semaphore_mem>>) src(%dma_wait3A_234 : memref<100000x768xf32, #tpu.memory_space<hbm>>) dst(%dma_wait3A_229 : memref<64x768xf32, #tpu.memory_space<vmem>>)
    %add3A_235 = arith.constant 192 : i32
    %add3A_236 = arith.addi %mul3A_32, %add3A_235 : i32
    %dma_start3A_237 = arith.constant 1 : i32
    %dma_start3A_238 = arith.constant 0 : i32
    %dma_start3A_239 = arith.constant 0 : i32
    %dma_start3A_240 = tpu.memref_slice %arg6[%dma_start3A_237, %dma_start3A_238, %dma_start3A_239] : memref<2x64x768xf32, #tpu.memory_space<vmem>> -> memref<1x64x768xf32, #tpu.memory_space<vmem>>
    %dma_start3A_241 = tpu.memref_squeeze %dma_start3A_240 : memref<1x64x768xf32, #tpu.memory_space<vmem>> -> memref<64x768xf32, #tpu.memory_space<vmem>>
    %dma_start3A_242 = arith.constant 0 : i32
    %dma_start3A_243 = tpu.memref_slice %arg4[%select_n3A, %add3A_236, %dma_start3A_242] : memref<4x8192x768xf32, #tpu.memory_space<hbm>> -> memref<1x64x768xf32, #tpu.memory_space<hbm>>
    %dma_start3A_244 = tpu.memref_squeeze %dma_start3A_243 : memref<1x64x768xf32, #tpu.memory_space<hbm>> -> memref<64x768xf32, #tpu.memory_space<hbm>>
    %dma_start3A_245 = arith.constant 0 : i32
    %dma_start3A_246 = tpu.memref_slice %arg4[%select_n3A, %add3A_236, %dma_start3A_245] : memref<4x8192x768xf32, #tpu.memory_space<hbm>> -> memref<1x64x768xf32, #tpu.memory_space<hbm>>
    %dma_start3A_247 = tpu.memref_squeeze %dma_start3A_246 : memref<1x64x768xf32, #tpu.memory_space<hbm>> -> memref<64x768xf32, #tpu.memory_space<hbm>>
    %dma_start3A_248 = arith.constant 0 : i32
    %dma_start3A_249 = arith.constant 0 : i32
    %dma_start3A_250 = tpu.memref_slice %arg6[%dma_start3A_237, %dma_start3A_248, %dma_start3A_249] : memref<2x64x768xf32, #tpu.memory_space<vmem>> -> memref<1x64x768xf32, #tpu.memory_space<vmem>>
    %dma_start3A_251 = tpu.memref_squeeze %dma_start3A_250 : memref<1x64x768xf32, #tpu.memory_space<vmem>> -> memref<64x768xf32, #tpu.memory_space<vmem>>
    tpu.enqueue_dma source(%dma_start3A_251 : memref<64x768xf32, #tpu.memory_space<vmem>>) target(%dma_start3A_247 : memref<64x768xf32, #tpu.memory_space<hbm>>) target_semaphore(%arg10 : memref<!tpu.dma_semaphore, #tpu.memory_space<semaphore_mem>>)
    %dma_wait3A_252 = arith.constant 1 : i32
    %dma_wait3A_253 = arith.constant 0 : i32
    %dma_wait3A_254 = arith.constant 0 : i32
    %dma_wait3A_255 = tpu.memref_slice %arg6[%dma_wait3A_252, %dma_wait3A_253, %dma_wait3A_254] : memref<2x64x768xf32, #tpu.memory_space<vmem>> -> memref<1x64x768xf32, #tpu.memory_space<vmem>>
    %dma_wait3A_256 = tpu.memref_squeeze %dma_wait3A_255 : memref<1x64x768xf32, #tpu.memory_space<vmem>> -> memref<64x768xf32, #tpu.memory_space<vmem>>
    %dma_wait3A_257 = arith.constant 0 : i32
    %dma_wait3A_258 = tpu.memref_slice %arg4[%select_n3A, %add3A_236, %dma_wait3A_257] : memref<4x8192x768xf32, #tpu.memory_space<hbm>> -> memref<1x64x768xf32, #tpu.memory_space<hbm>>
    %dma_wait3A_259 = tpu.memref_squeeze %dma_wait3A_258 : memref<1x64x768xf32, #tpu.memory_space<hbm>> -> memref<64x768xf32, #tpu.memory_space<hbm>>
    %dma_wait3A_260 = arith.constant 0 : i32
    %dma_wait3A_261 = tpu.memref_slice %arg4[%select_n3A, %add3A_236, %dma_wait3A_260] : memref<4x8192x768xf32, #tpu.memory_space<hbm>> -> memref<1x64x768xf32, #tpu.memory_space<hbm>>
    %dma_wait3A_262 = tpu.memref_squeeze %dma_wait3A_261 : memref<1x64x768xf32, #tpu.memory_space<hbm>> -> memref<64x768xf32, #tpu.memory_space<hbm>>
    %dma_wait3A_263 = arith.constant 0 : i32
    %dma_wait3A_264 = arith.constant 0 : i32
    %dma_wait3A_265 = tpu.memref_slice %arg6[%dma_wait3A_252, %dma_wait3A_263, %dma_wait3A_264] : memref<2x64x768xf32, #tpu.memory_space<vmem>> -> memref<1x64x768xf32, #tpu.memory_space<vmem>>
    %dma_wait3A_266 = tpu.memref_squeeze %dma_wait3A_265 : memref<1x64x768xf32, #tpu.memory_space<vmem>> -> memref<64x768xf32, #tpu.memory_space<vmem>>
    tpu.wait_dma2 semaphore(%arg10 : memref<!tpu.dma_semaphore, #tpu.memory_space<semaphore_mem>>) src(%dma_wait3A_266 : memref<64x768xf32, #tpu.memory_space<vmem>>) dst(%dma_wait3A_262 : memref<64x768xf32, #tpu.memory_space<hbm>>)
    %dma_start3A_267 = arith.constant 1 : i32
    %dma_start3A_268 = arith.constant 0 : i32
    %dma_start3A_269 = arith.constant 0 : i32
    %dma_start3A_270 = tpu.memref_slice %arg6[%dma_start3A_267, %dma_start3A_268, %dma_start3A_269] : memref<2x64x768xf32, #tpu.memory_space<vmem>> -> memref<1x64x768xf32, #tpu.memory_space<vmem>>
    %dma_start3A_271 = tpu.memref_squeeze %dma_start3A_270 : memref<1x64x768xf32, #tpu.memory_space<vmem>> -> memref<64x768xf32, #tpu.memory_space<vmem>>
    %dma_start3A_272 = arith.constant 320 : i32
    %dma_start3A_273 = tpu.memref_slice %arg5[%dma_start3A_272] : memref<1024xi32, #tpu.memory_space<vmem>> -> memref<64xi32, #tpu.memory_space<vmem>>
    %dma_start3A_274 = arith.constant 0 : i32
    %dma_start3A_275 = arith.constant 0 : i32
    %dma_start3A_276 = tpu.memref_slice %arg3[%dma_start3A_274, %dma_start3A_275] : memref<100000x768xf32, #tpu.memory_space<hbm>> -> memref<100000x768xf32, #tpu.memory_space<hbm>>
    tpu.enqueue_indirect_dma source(%dma_start3A_276 : memref<100000x768xf32, #tpu.memory_space<hbm>>) target(%dma_start3A_271 : memref<64x768xf32, #tpu.memory_space<vmem>>) offsets(%dma_start3A_273 : memref<64xi32, #tpu.memory_space<vmem>>) semaphore(%arg8 : memref<!tpu.dma_semaphore, #tpu.memory_space<semaphore_mem>>)
    %dma_wait3A_277 = arith.constant 0 : i32
    %dma_wait3A_278 = arith.constant 0 : i32
    %dma_wait3A_279 = arith.constant 0 : i32
    %dma_wait3A_280 = tpu.memref_slice %arg6[%dma_wait3A_277, %dma_wait3A_278, %dma_wait3A_279] : memref<2x64x768xf32, #tpu.memory_space<vmem>> -> memref<1x64x768xf32, #tpu.memory_space<vmem>>
    %dma_wait3A_281 = tpu.memref_squeeze %dma_wait3A_280 : memref<1x64x768xf32, #tpu.memory_space<vmem>> -> memref<64x768xf32, #tpu.memory_space<vmem>>
    %dma_wait3A_282 = arith.constant 256 : i32
    %dma_wait3A_283 = tpu.memref_slice %arg5[%dma_wait3A_282] : memref<1024xi32, #tpu.memory_space<vmem>> -> memref<64xi32, #tpu.memory_space<vmem>>
    %dma_wait3A_284 = arith.constant 0 : i32
    %dma_wait3A_285 = arith.constant 0 : i32
    %dma_wait3A_286 = tpu.memref_slice %arg3[%dma_wait3A_284, %dma_wait3A_285] : memref<100000x768xf32, #tpu.memory_space<hbm>> -> memref<100000x768xf32, #tpu.memory_space<hbm>>
    tpu.wait_indirect_dma semaphore(%arg7 : memref<!tpu.dma_semaphore, #tpu.memory_space<semaphore_mem>>) src(%dma_wait3A_286 : memref<100000x768xf32, #tpu.memory_space<hbm>>) dst(%dma_wait3A_281 : memref<64x768xf32, #tpu.memory_space<vmem>>)
    %add3A_287 = arith.constant 256 : i32
    %add3A_288 = arith.addi %mul3A_32, %add3A_287 : i32
    %dma_start3A_289 = arith.constant 0 : i32
    %dma_start3A_290 = arith.constant 0 : i32
    %dma_start3A_291 = arith.constant 0 : i32
    %dma_start3A_292 = tpu.memref_slice %arg6[%dma_start3A_289, %dma_start3A_290, %dma_start3A_291] : memref<2x64x768xf32, #tpu.memory_space<vmem>> -> memref<1x64x768xf32, #tpu.memory_space<vmem>>
    %dma_start3A_293 = tpu.memref_squeeze %dma_start3A_292 : memref<1x64x768xf32, #tpu.memory_space<vmem>> -> memref<64x768xf32, #tpu.memory_space<vmem>>
    %dma_start3A_294 = arith.constant 0 : i32
    %dma_start3A_295 = tpu.memref_slice %arg4[%select_n3A, %add3A_288, %dma_start3A_294] : memref<4x8192x768xf32, #tpu.memory_space<hbm>> -> memref<1x64x768xf32, #tpu.memory_space<hbm>>
    %dma_start3A_296 = tpu.memref_squeeze %dma_start3A_295 : memref<1x64x768xf32, #tpu.memory_space<hbm>> -> memref<64x768xf32, #tpu.memory_space<hbm>>
    %dma_start3A_297 = arith.constant 0 : i32
    %dma_start3A_298 = tpu.memref_slice %arg4[%select_n3A, %add3A_288, %dma_start3A_297] : memref<4x8192x768xf32, #tpu.memory_space<hbm>> -> memref<1x64x768xf32, #tpu.memory_space<hbm>>
    %dma_start3A_299 = tpu.memref_squeeze %dma_start3A_298 : memref<1x64x768xf32, #tpu.memory_space<hbm>> -> memref<64x768xf32, #tpu.memory_space<hbm>>
    %dma_start3A_300 = arith.constant 0 : i32
    %dma_start3A_301 = arith.constant 0 : i32
    %dma_start3A_302 = tpu.memref_slice %arg6[%dma_start3A_289, %dma_start3A_300, %dma_start3A_301] : memref<2x64x768xf32, #tpu.memory_space<vmem>> -> memref<1x64x768xf32, #tpu.memory_space<vmem>>
    %dma_start3A_303 = tpu.memref_squeeze %dma_start3A_302 : memref<1x64x768xf32, #tpu.memory_space<vmem>> -> memref<64x768xf32, #tpu.memory_space<vmem>>
    tpu.enqueue_dma source(%dma_start3A_303 : memref<64x768xf32, #tpu.memory_space<vmem>>) target(%dma_start3A_299 : memref<64x768xf32, #tpu.memory_space<hbm>>) target_semaphore(%arg9 : memref<!tpu.dma_semaphore, #tpu.memory_space<semaphore_mem>>)
    %dma_wait3A_304 = arith.constant 0 : i32
    %dma_wait3A_305 = arith.constant 0 : i32
    %dma_wait3A_306 = arith.constant 0 : i32
    %dma_wait3A_307 = tpu.memref_slice %arg6[%dma_wait3A_304, %dma_wait3A_305, %dma_wait3A_306] : memref<2x64x768xf32, #tpu.memory_space<vmem>> -> memref<1x64x768xf32, #tpu.memory_space<vmem>>
    %dma_wait3A_308 = tpu.memref_squeeze %dma_wait3A_307 : memref<1x64x768xf32, #tpu.memory_space<vmem>> -> memref<64x768xf32, #tpu.memory_space<vmem>>
    %dma_wait3A_309 = arith.constant 0 : i32
    %dma_wait3A_310 = tpu.memref_slice %arg4[%select_n3A, %add3A_288, %dma_wait3A_309] : memref<4x8192x768xf32, #tpu.memory_space<hbm>> -> memref<1x64x768xf32, #tpu.memory_space<hbm>>
    %dma_wait3A_311 = tpu.memref_squeeze %dma_wait3A_310 : memref<1x64x768xf32, #tpu.memory_space<hbm>> -> memref<64x768xf32, #tpu.memory_space<hbm>>
    %dma_wait3A_312 = arith.constant 0 : i32
    %dma_wait3A_313 = tpu.memref_slice %arg4[%select_n3A, %add3A_288, %dma_wait3A_312] : memref<4x8192x768xf32, #tpu.memory_space<hbm>> -> memref<1x64x768xf32, #tpu.memory_space<hbm>>
    %dma_wait3A_314 = tpu.memref_squeeze %dma_wait3A_313 : memref<1x64x768xf32, #tpu.memory_space<hbm>> -> memref<64x768xf32, #tpu.memory_space<hbm>>
    %dma_wait3A_315 = arith.constant 0 : i32
    %dma_wait3A_316 = arith.constant 0 : i32
    %dma_wait3A_317 = tpu.memref_slice %arg6[%dma_wait3A_304, %dma_wait3A_315, %dma_wait3A_316] : memref<2x64x768xf32, #tpu.memory_space<vmem>> -> memref<1x64x768xf32, #tpu.memory_space<vmem>>
    %dma_wait3A_318 = tpu.memref_squeeze %dma_wait3A_317 : memref<1x64x768xf32, #tpu.memory_space<vmem>> -> memref<64x768xf32, #tpu.memory_space<vmem>>
    tpu.wait_dma2 semaphore(%arg9 : memref<!tpu.dma_semaphore, #tpu.memory_space<semaphore_mem>>) src(%dma_wait3A_318 : memref<64x768xf32, #tpu.memory_space<vmem>>) dst(%dma_wait3A_314 : memref<64x768xf32, #tpu.memory_space<hbm>>)
    %dma_start3A_319 = arith.constant 0 : i32
    %dma_start3A_320 = arith.constant 0 : i32
    %dma_start3A_321 = arith.constant 0 : i32
    %dma_start3A_322 = tpu.memref_slice %arg6[%dma_start3A_319, %dma_start3A_320, %dma_start3A_321] : memref<2x64x768xf32, #tpu.memory_space<vmem>> -> memref<1x64x768xf32, #tpu.memory_space<vmem>>
    %dma_start3A_323 = tpu.memref_squeeze %dma_start3A_322 : memref<1x64x768xf32, #tpu.memory_space<vmem>> -> memref<64x768xf32, #tpu.memory_space<vmem>>
    %dma_start3A_324 = arith.constant 384 : i32
    %dma_start3A_325 = tpu.memref_slice %arg5[%dma_start3A_324] : memref<1024xi32, #tpu.memory_space<vmem>> -> memref<64xi32, #tpu.memory_space<vmem>>
    %dma_start3A_326 = arith.constant 0 : i32
    %dma_start3A_327 = arith.constant 0 : i32
    %dma_start3A_328 = tpu.memref_slice %arg3[%dma_start3A_326, %dma_start3A_327] : memref<100000x768xf32, #tpu.memory_space<hbm>> -> memref<100000x768xf32, #tpu.memory_space<hbm>>
    tpu.enqueue_indirect_dma source(%dma_start3A_328 : memref<100000x768xf32, #tpu.memory_space<hbm>>) target(%dma_start3A_323 : memref<64x768xf32, #tpu.memory_space<vmem>>) offsets(%dma_start3A_325 : memref<64xi32, #tpu.memory_space<vmem>>) semaphore(%arg7 : memref<!tpu.dma_semaphore, #tpu.memory_space<semaphore_mem>>)
    %dma_wait3A_329 = arith.constant 1 : i32
    %dma_wait3A_330 = arith.constant 0 : i32
    %dma_wait3A_331 = arith.constant 0 : i32
    %dma_wait3A_332 = tpu.memref_slice %arg6[%dma_wait3A_329, %dma_wait3A_330, %dma_wait3A_331] : memref<2x64x768xf32, #tpu.memory_space<vmem>> -> memref<1x64x768xf32, #tpu.memory_space<vmem>>
    %dma_wait3A_333 = tpu.memref_squeeze %dma_wait3A_332 : memref<1x64x768xf32, #tpu.memory_space<vmem>> -> memref<64x768xf32, #tpu.memory_space<vmem>>
    %dma_wait3A_334 = arith.constant 320 : i32
    %dma_wait3A_335 = tpu.memref_slice %arg5[%dma_wait3A_334] : memref<1024xi32, #tpu.memory_space<vmem>> -> memref<64xi32, #tpu.memory_space<vmem>>
    %dma_wait3A_336 = arith.constant 0 : i32
    %dma_wait3A_337 = arith.constant 0 : i32
    %dma_wait3A_338 = tpu.memref_slice %arg3[%dma_wait3A_336, %dma_wait3A_337] : memref<100000x768xf32, #tpu.memory_space<hbm>> -> memref<100000x768xf32, #tpu.memory_space<hbm>>
    tpu.wait_indirect_dma semaphore(%arg8 : memref<!tpu.dma_semaphore, #tpu.memory_space<semaphore_mem>>) src(%dma_wait3A_338 : memref<100000x768xf32, #tpu.memory_space<hbm>>) dst(%dma_wait3A_333 : memref<64x768xf32, #tpu.memory_space<vmem>>)
    %add3A_339 = arith.constant 320 : i32
    %add3A_340 = arith.addi %mul3A_32, %add3A_339 : i32
    %dma_start3A_341 = arith.constant 1 : i32
    %dma_start3A_342 = arith.constant 0 : i32
    %dma_start3A_343 = arith.constant 0 : i32
    %dma_start3A_344 = tpu.memref_slice %arg6[%dma_start3A_341, %dma_start3A_342, %dma_start3A_343] : memref<2x64x768xf32, #tpu.memory_space<vmem>> -> memref<1x64x768xf32, #tpu.memory_space<vmem>>
    %dma_start3A_345 = tpu.memref_squeeze %dma_start3A_344 : memref<1x64x768xf32, #tpu.memory_space<vmem>> -> memref<64x768xf32, #tpu.memory_space<vmem>>
    %dma_start3A_346 = arith.constant 0 : i32
    %dma_start3A_347 = tpu.memref_slice %arg4[%select_n3A, %add3A_340, %dma_start3A_346] : memref<4x8192x768xf32, #tpu.memory_space<hbm>> -> memref<1x64x768xf32, #tpu.memory_space<hbm>>
    %dma_start3A_348 = tpu.memref_squeeze %dma_start3A_347 : memref<1x64x768xf32, #tpu.memory_space<hbm>> -> memref<64x768xf32, #tpu.memory_space<hbm>>
    %dma_start3A_349 = arith.constant 0 : i32
    %dma_start3A_350 = tpu.memref_slice %arg4[%select_n3A, %add3A_340, %dma_start3A_349] : memref<4x8192x768xf32, #tpu.memory_space<hbm>> -> memref<1x64x768xf32, #tpu.memory_space<hbm>>
    %dma_start3A_351 = tpu.memref_squeeze %dma_start3A_350 : memref<1x64x768xf32, #tpu.memory_space<hbm>> -> memref<64x768xf32, #tpu.memory_space<hbm>>
    %dma_start3A_352 = arith.constant 0 : i32
    %dma_start3A_353 = arith.constant 0 : i32
    %dma_start3A_354 = tpu.memref_slice %arg6[%dma_start3A_341, %dma_start3A_352, %dma_start3A_353] : memref<2x64x768xf32, #tpu.memory_space<vmem>> -> memref<1x64x768xf32, #tpu.memory_space<vmem>>
    %dma_start3A_355 = tpu.memref_squeeze %dma_start3A_354 : memref<1x64x768xf32, #tpu.memory_space<vmem>> -> memref<64x768xf32, #tpu.memory_space<vmem>>
    tpu.enqueue_dma source(%dma_start3A_355 : memref<64x768xf32, #tpu.memory_space<vmem>>) target(%dma_start3A_351 : memref<64x768xf32, #tpu.memory_space<hbm>>) target_semaphore(%arg10 : memref<!tpu.dma_semaphore, #tpu.memory_space<semaphore_mem>>)
    %dma_wait3A_356 = arith.constant 1 : i32
    %dma_wait3A_357 = arith.constant 0 : i32
    %dma_wait3A_358 = arith.constant 0 : i32
    %dma_wait3A_359 = tpu.memref_slice %arg6[%dma_wait3A_356, %dma_wait3A_357, %dma_wait3A_358] : memref<2x64x768xf32, #tpu.memory_space<vmem>> -> memref<1x64x768xf32, #tpu.memory_space<vmem>>
    %dma_wait3A_360 = tpu.memref_squeeze %dma_wait3A_359 : memref<1x64x768xf32, #tpu.memory_space<vmem>> -> memref<64x768xf32, #tpu.memory_space<vmem>>
    %dma_wait3A_361 = arith.constant 0 : i32
    %dma_wait3A_362 = tpu.memref_slice %arg4[%select_n3A, %add3A_340, %dma_wait3A_361] : memref<4x8192x768xf32, #tpu.memory_space<hbm>> -> memref<1x64x768xf32, #tpu.memory_space<hbm>>
    %dma_wait3A_363 = tpu.memref_squeeze %dma_wait3A_362 : memref<1x64x768xf32, #tpu.memory_space<hbm>> -> memref<64x768xf32, #tpu.memory_space<hbm>>
    %dma_wait3A_364 = arith.constant 0 : i32
    %dma_wait3A_365 = tpu.memref_slice %arg4[%select_n3A, %add3A_340, %dma_wait3A_364] : memref<4x8192x768xf32, #tpu.memory_space<hbm>> -> memref<1x64x768xf32, #tpu.memory_space<hbm>>
    %dma_wait3A_366 = tpu.memref_squeeze %dma_wait3A_365 : memref<1x64x768xf32, #tpu.memory_space<hbm>> -> memref<64x768xf32, #tpu.memory_space<hbm>>
    %dma_wait3A_367 = arith.constant 0 : i32
    %dma_wait3A_368 = arith.constant 0 : i32
    %dma_wait3A_369 = tpu.memref_slice %arg6[%dma_wait3A_356, %dma_wait3A_367, %dma_wait3A_368] : memref<2x64x768xf32, #tpu.memory_space<vmem>> -> memref<1x64x768xf32, #tpu.memory_space<vmem>>
    %dma_wait3A_370 = tpu.memref_squeeze %dma_wait3A_369 : memref<1x64x768xf32, #tpu.memory_space<vmem>> -> memref<64x768xf32, #tpu.memory_space<vmem>>
    tpu.wait_dma2 semaphore(%arg10 : memref<!tpu.dma_semaphore, #tpu.memory_space<semaphore_mem>>) src(%dma_wait3A_370 : memref<64x768xf32, #tpu.memory_space<vmem>>) dst(%dma_wait3A_366 : memref<64x768xf32, #tpu.memory_space<hbm>>)
    %dma_start3A_371 = arith.constant 1 : i32
    %dma_start3A_372 = arith.constant 0 : i32
    %dma_start3A_373 = arith.constant 0 : i32
    %dma_start3A_374 = tpu.memref_slice %arg6[%dma_start3A_371, %dma_start3A_372, %dma_start3A_373] : memref<2x64x768xf32, #tpu.memory_space<vmem>> -> memref<1x64x768xf32, #tpu.memory_space<vmem>>
    %dma_start3A_375 = tpu.memref_squeeze %dma_start3A_374 : memref<1x64x768xf32, #tpu.memory_space<vmem>> -> memref<64x768xf32, #tpu.memory_space<vmem>>
    %dma_start3A_376 = arith.constant 448 : i32
    %dma_start3A_377 = tpu.memref_slice %arg5[%dma_start3A_376] : memref<1024xi32, #tpu.memory_space<vmem>> -> memref<64xi32, #tpu.memory_space<vmem>>
    %dma_start3A_378 = arith.constant 0 : i32
    %dma_start3A_379 = arith.constant 0 : i32
    %dma_start3A_380 = tpu.memref_slice %arg3[%dma_start3A_378, %dma_start3A_379] : memref<100000x768xf32, #tpu.memory_space<hbm>> -> memref<100000x768xf32, #tpu.memory_space<hbm>>
    tpu.enqueue_indirect_dma source(%dma_start3A_380 : memref<100000x768xf32, #tpu.memory_space<hbm>>) target(%dma_start3A_375 : memref<64x768xf32, #tpu.memory_space<vmem>>) offsets(%dma_start3A_377 : memref<64xi32, #tpu.memory_space<vmem>>) semaphore(%arg8 : memref<!tpu.dma_semaphore, #tpu.memory_space<semaphore_mem>>)
    %dma_wait3A_381 = arith.constant 0 : i32
    %dma_wait3A_382 = arith.constant 0 : i32
    %dma_wait3A_383 = arith.constant 0 : i32
    %dma_wait3A_384 = tpu.memref_slice %arg6[%dma_wait3A_381, %dma_wait3A_382, %dma_wait3A_383] : memref<2x64x768xf32, #tpu.memory_space<vmem>> -> memref<1x64x768xf32, #tpu.memory_space<vmem>>
    %dma_wait3A_385 = tpu.memref_squeeze %dma_wait3A_384 : memref<1x64x768xf32, #tpu.memory_space<vmem>> -> memref<64x768xf32, #tpu.memory_space<vmem>>
    %dma_wait3A_386 = arith.constant 384 : i32
    %dma_wait3A_387 = tpu.memref_slice %arg5[%dma_wait3A_386] : memref<1024xi32, #tpu.memory_space<vmem>> -> memref<64xi32, #tpu.memory_space<vmem>>
    %dma_wait3A_388 = arith.constant 0 : i32
    %dma_wait3A_389 = arith.constant 0 : i32
    %dma_wait3A_390 = tpu.memref_slice %arg3[%dma_wait3A_388, %dma_wait3A_389] : memref<100000x768xf32, #tpu.memory_space<hbm>> -> memref<100000x768xf32, #tpu.memory_space<hbm>>
    tpu.wait_indirect_dma semaphore(%arg7 : memref<!tpu.dma_semaphore, #tpu.memory_space<semaphore_mem>>) src(%dma_wait3A_390 : memref<100000x768xf32, #tpu.memory_space<hbm>>) dst(%dma_wait3A_385 : memref<64x768xf32, #tpu.memory_space<vmem>>)
    %add3A_391 = arith.constant 384 : i32
    %add3A_392 = arith.addi %mul3A_32, %add3A_391 : i32
    %dma_start3A_393 = arith.constant 0 : i32
    %dma_start3A_394 = arith.constant 0 : i32
    %dma_start3A_395 = arith.constant 0 : i32
    %dma_start3A_396 = tpu.memref_slice %arg6[%dma_start3A_393, %dma_start3A_394, %dma_start3A_395] : memref<2x64x768xf32, #tpu.memory_space<vmem>> -> memref<1x64x768xf32, #tpu.memory_space<vmem>>
    %dma_start3A_397 = tpu.memref_squeeze %dma_start3A_396 : memref<1x64x768xf32, #tpu.memory_space<vmem>> -> memref<64x768xf32, #tpu.memory_space<vmem>>
    %dma_start3A_398 = arith.constant 0 : i32
    %dma_start3A_399 = tpu.memref_slice %arg4[%select_n3A, %add3A_392, %dma_start3A_398] : memref<4x8192x768xf32, #tpu.memory_space<hbm>> -> memref<1x64x768xf32, #tpu.memory_space<hbm>>
    %dma_start3A_400 = tpu.memref_squeeze %dma_start3A_399 : memref<1x64x768xf32, #tpu.memory_space<hbm>> -> memref<64x768xf32, #tpu.memory_space<hbm>>
    %dma_start3A_401 = arith.constant 0 : i32
    %dma_start3A_402 = tpu.memref_slice %arg4[%select_n3A, %add3A_392, %dma_start3A_401] : memref<4x8192x768xf32, #tpu.memory_space<hbm>> -> memref<1x64x768xf32, #tpu.memory_space<hbm>>
    %dma_start3A_403 = tpu.memref_squeeze %dma_start3A_402 : memref<1x64x768xf32, #tpu.memory_space<hbm>> -> memref<64x768xf32, #tpu.memory_space<hbm>>
    %dma_start3A_404 = arith.constant 0 : i32
    %dma_start3A_405 = arith.constant 0 : i32
    %dma_start3A_406 = tpu.memref_slice %arg6[%dma_start3A_393, %dma_start3A_404, %dma_start3A_405] : memref<2x64x768xf32, #tpu.memory_space<vmem>> -> memref<1x64x768xf32, #tpu.memory_space<vmem>>
    %dma_start3A_407 = tpu.memref_squeeze %dma_start3A_406 : memref<1x64x768xf32, #tpu.memory_space<vmem>> -> memref<64x768xf32, #tpu.memory_space<vmem>>
    tpu.enqueue_dma source(%dma_start3A_407 : memref<64x768xf32, #tpu.memory_space<vmem>>) target(%dma_start3A_403 : memref<64x768xf32, #tpu.memory_space<hbm>>) target_semaphore(%arg9 : memref<!tpu.dma_semaphore, #tpu.memory_space<semaphore_mem>>)
    %dma_wait3A_408 = arith.constant 0 : i32
    %dma_wait3A_409 = arith.constant 0 : i32
    %dma_wait3A_410 = arith.constant 0 : i32
    %dma_wait3A_411 = tpu.memref_slice %arg6[%dma_wait3A_408, %dma_wait3A_409, %dma_wait3A_410] : memref<2x64x768xf32, #tpu.memory_space<vmem>> -> memref<1x64x768xf32, #tpu.memory_space<vmem>>
    %dma_wait3A_412 = tpu.memref_squeeze %dma_wait3A_411 : memref<1x64x768xf32, #tpu.memory_space<vmem>> -> memref<64x768xf32, #tpu.memory_space<vmem>>
    %dma_wait3A_413 = arith.constant 0 : i32
    %dma_wait3A_414 = tpu.memref_slice %arg4[%select_n3A, %add3A_392, %dma_wait3A_413] : memref<4x8192x768xf32, #tpu.memory_space<hbm>> -> memref<1x64x768xf32, #tpu.memory_space<hbm>>
    %dma_wait3A_415 = tpu.memref_squeeze %dma_wait3A_414 : memref<1x64x768xf32, #tpu.memory_space<hbm>> -> memref<64x768xf32, #tpu.memory_space<hbm>>
    %dma_wait3A_416 = arith.constant 0 : i32
    %dma_wait3A_417 = tpu.memref_slice %arg4[%select_n3A, %add3A_392, %dma_wait3A_416] : memref<4x8192x768xf32, #tpu.memory_space<hbm>> -> memref<1x64x768xf32, #tpu.memory_space<hbm>>
    %dma_wait3A_418 = tpu.memref_squeeze %dma_wait3A_417 : memref<1x64x768xf32, #tpu.memory_space<hbm>> -> memref<64x768xf32, #tpu.memory_space<hbm>>
    %dma_wait3A_419 = arith.constant 0 : i32
    %dma_wait3A_420 = arith.constant 0 : i32
    %dma_wait3A_421 = tpu.memref_slice %arg6[%dma_wait3A_408, %dma_wait3A_419, %dma_wait3A_420] : memref<2x64x768xf32, #tpu.memory_space<vmem>> -> memref<1x64x768xf32, #tpu.memory_space<vmem>>
    %dma_wait3A_422 = tpu.memref_squeeze %dma_wait3A_421 : memref<1x64x768xf32, #tpu.memory_space<vmem>> -> memref<64x768xf32, #tpu.memory_space<vmem>>
    tpu.wait_dma2 semaphore(%arg9 : memref<!tpu.dma_semaphore, #tpu.memory_space<semaphore_mem>>) src(%dma_wait3A_422 : memref<64x768xf32, #tpu.memory_space<vmem>>) dst(%dma_wait3A_418 : memref<64x768xf32, #tpu.memory_space<hbm>>)
    %dma_start3A_423 = arith.constant 0 : i32
    %dma_start3A_424 = arith.constant 0 : i32
    %dma_start3A_425 = arith.constant 0 : i32
    %dma_start3A_426 = tpu.memref_slice %arg6[%dma_start3A_423, %dma_start3A_424, %dma_start3A_425] : memref<2x64x768xf32, #tpu.memory_space<vmem>> -> memref<1x64x768xf32, #tpu.memory_space<vmem>>
    %dma_start3A_427 = tpu.memref_squeeze %dma_start3A_426 : memref<1x64x768xf32, #tpu.memory_space<vmem>> -> memref<64x768xf32, #tpu.memory_space<vmem>>
    %dma_start3A_428 = arith.constant 512 : i32
    %dma_start3A_429 = tpu.memref_slice %arg5[%dma_start3A_428] : memref<1024xi32, #tpu.memory_space<vmem>> -> memref<64xi32, #tpu.memory_space<vmem>>
    %dma_start3A_430 = arith.constant 0 : i32
    %dma_start3A_431 = arith.constant 0 : i32
    %dma_start3A_432 = tpu.memref_slice %arg3[%dma_start3A_430, %dma_start3A_431] : memref<100000x768xf32, #tpu.memory_space<hbm>> -> memref<100000x768xf32, #tpu.memory_space<hbm>>
    tpu.enqueue_indirect_dma source(%dma_start3A_432 : memref<100000x768xf32, #tpu.memory_space<hbm>>) target(%dma_start3A_427 : memref<64x768xf32, #tpu.memory_space<vmem>>) offsets(%dma_start3A_429 : memref<64xi32, #tpu.memory_space<vmem>>) semaphore(%arg7 : memref<!tpu.dma_semaphore, #tpu.memory_space<semaphore_mem>>)
    %dma_wait3A_433 = arith.constant 1 : i32
    %dma_wait3A_434 = arith.constant 0 : i32
    %dma_wait3A_435 = arith.constant 0 : i32
    %dma_wait3A_436 = tpu.memref_slice %arg6[%dma_wait3A_433, %dma_wait3A_434, %dma_wait3A_435] : memref<2x64x768xf32, #tpu.memory_space<vmem>> -> memref<1x64x768xf32, #tpu.memory_space<vmem>>
    %dma_wait3A_437 = tpu.memref_squeeze %dma_wait3A_436 : memref<1x64x768xf32, #tpu.memory_space<vmem>> -> memref<64x768xf32, #tpu.memory_space<vmem>>
    %dma_wait3A_438 = arith.constant 448 : i32
    %dma_wait3A_439 = tpu.memref_slice %arg5[%dma_wait3A_438] : memref<1024xi32, #tpu.memory_space<vmem>> -> memref<64xi32, #tpu.memory_space<vmem>>
    %dma_wait3A_440 = arith.constant 0 : i32
    %dma_wait3A_441 = arith.constant 0 : i32
    %dma_wait3A_442 = tpu.memref_slice %arg3[%dma_wait3A_440, %dma_wait3A_441] : memref<100000x768xf32, #tpu.memory_space<hbm>> -> memref<100000x768xf32, #tpu.memory_space<hbm>>
    tpu.wait_indirect_dma semaphore(%arg8 : memref<!tpu.dma_semaphore, #tpu.memory_space<semaphore_mem>>) src(%dma_wait3A_442 : memref<100000x768xf32, #tpu.memory_space<hbm>>) dst(%dma_wait3A_437 : memref<64x768xf32, #tpu.memory_space<vmem>>)
    %add3A_443 = arith.constant 448 : i32
    %add3A_444 = arith.addi %mul3A_32, %add3A_443 : i32
    %dma_start3A_445 = arith.constant 1 : i32
    %dma_start3A_446 = arith.constant 0 : i32
    %dma_start3A_447 = arith.constant 0 : i32
    %dma_start3A_448 = tpu.memref_slice %arg6[%dma_start3A_445, %dma_start3A_446, %dma_start3A_447] : memref<2x64x768xf32, #tpu.memory_space<vmem>> -> memref<1x64x768xf32, #tpu.memory_space<vmem>>
    %dma_start3A_449 = tpu.memref_squeeze %dma_start3A_448 : memref<1x64x768xf32, #tpu.memory_space<vmem>> -> memref<64x768xf32, #tpu.memory_space<vmem>>
    %dma_start3A_450 = arith.constant 0 : i32
    %dma_start3A_451 = tpu.memref_slice %arg4[%select_n3A, %add3A_444, %dma_start3A_450] : memref<4x8192x768xf32, #tpu.memory_space<hbm>> -> memref<1x64x768xf32, #tpu.memory_space<hbm>>
    %dma_start3A_452 = tpu.memref_squeeze %dma_start3A_451 : memref<1x64x768xf32, #tpu.memory_space<hbm>> -> memref<64x768xf32, #tpu.memory_space<hbm>>
    %dma_start3A_453 = arith.constant 0 : i32
    %dma_start3A_454 = tpu.memref_slice %arg4[%select_n3A, %add3A_444, %dma_start3A_453] : memref<4x8192x768xf32, #tpu.memory_space<hbm>> -> memref<1x64x768xf32, #tpu.memory_space<hbm>>
    %dma_start3A_455 = tpu.memref_squeeze %dma_start3A_454 : memref<1x64x768xf32, #tpu.memory_space<hbm>> -> memref<64x768xf32, #tpu.memory_space<hbm>>
    %dma_start3A_456 = arith.constant 0 : i32
    %dma_start3A_457 = arith.constant 0 : i32
    %dma_start3A_458 = tpu.memref_slice %arg6[%dma_start3A_445, %dma_start3A_456, %dma_start3A_457] : memref<2x64x768xf32, #tpu.memory_space<vmem>> -> memref<1x64x768xf32, #tpu.memory_space<vmem>>
    %dma_start3A_459 = tpu.memref_squeeze %dma_start3A_458 : memref<1x64x768xf32, #tpu.memory_space<vmem>> -> memref<64x768xf32, #tpu.memory_space<vmem>>
    tpu.enqueue_dma source(%dma_start3A_459 : memref<64x768xf32, #tpu.memory_space<vmem>>) target(%dma_start3A_455 : memref<64x768xf32, #tpu.memory_space<hbm>>) target_semaphore(%arg10 : memref<!tpu.dma_semaphore, #tpu.memory_space<semaphore_mem>>)
    %dma_wait3A_460 = arith.constant 1 : i32
    %dma_wait3A_461 = arith.constant 0 : i32
    %dma_wait3A_462 = arith.constant 0 : i32
    %dma_wait3A_463 = tpu.memref_slice %arg6[%dma_wait3A_460, %dma_wait3A_461, %dma_wait3A_462] : memref<2x64x768xf32, #tpu.memory_space<vmem>> -> memref<1x64x768xf32, #tpu.memory_space<vmem>>
    %dma_wait3A_464 = tpu.memref_squeeze %dma_wait3A_463 : memref<1x64x768xf32, #tpu.memory_space<vmem>> -> memref<64x768xf32, #tpu.memory_space<vmem>>
    %dma_wait3A_465 = arith.constant 0 : i32
    %dma_wait3A_466 = tpu.memref_slice %arg4[%select_n3A, %add3A_444, %dma_wait3A_465] : memref<4x8192x768xf32, #tpu.memory_space<hbm>> -> memref<1x64x768xf32, #tpu.memory_space<hbm>>
    %dma_wait3A_467 = tpu.memref_squeeze %dma_wait3A_466 : memref<1x64x768xf32, #tpu.memory_space<hbm>> -> memref<64x768xf32, #tpu.memory_space<hbm>>
    %dma_wait3A_468 = arith.constant 0 : i32
    %dma_wait3A_469 = tpu.memref_slice %arg4[%select_n3A, %add3A_444, %dma_wait3A_468] : memref<4x8192x768xf32, #tpu.memory_space<hbm>> -> memref<1x64x768xf32, #tpu.memory_space<hbm>>
    %dma_wait3A_470 = tpu.memref_squeeze %dma_wait3A_469 : memref<1x64x768xf32, #tpu.memory_space<hbm>> -> memref<64x768xf32, #tpu.memory_space<hbm>>
    %dma_wait3A_471 = arith.constant 0 : i32
    %dma_wait3A_472 = arith.constant 0 : i32
    %dma_wait3A_473 = tpu.memref_slice %arg6[%dma_wait3A_460, %dma_wait3A_471, %dma_wait3A_472] : memref<2x64x768xf32, #tpu.memory_space<vmem>> -> memref<1x64x768xf32, #tpu.memory_space<vmem>>
    %dma_wait3A_474 = tpu.memref_squeeze %dma_wait3A_473 : memref<1x64x768xf32, #tpu.memory_space<vmem>> -> memref<64x768xf32, #tpu.memory_space<vmem>>
    tpu.wait_dma2 semaphore(%arg10 : memref<!tpu.dma_semaphore, #tpu.memory_space<semaphore_mem>>) src(%dma_wait3A_474 : memref<64x768xf32, #tpu.memory_space<vmem>>) dst(%dma_wait3A_470 : memref<64x768xf32, #tpu.memory_space<hbm>>)
    %dma_start3A_475 = arith.constant 1 : i32
    %dma_start3A_476 = arith.constant 0 : i32
    %dma_start3A_477 = arith.constant 0 : i32
    %dma_start3A_478 = tpu.memref_slice %arg6[%dma_start3A_475, %dma_start3A_476, %dma_start3A_477] : memref<2x64x768xf32, #tpu.memory_space<vmem>> -> memref<1x64x768xf32, #tpu.memory_space<vmem>>
    %dma_start3A_479 = tpu.memref_squeeze %dma_start3A_478 : memref<1x64x768xf32, #tpu.memory_space<vmem>> -> memref<64x768xf32, #tpu.memory_space<vmem>>
    %dma_start3A_480 = arith.constant 576 : i32
    %dma_start3A_481 = tpu.memref_slice %arg5[%dma_start3A_480] : memref<1024xi32, #tpu.memory_space<vmem>> -> memref<64xi32, #tpu.memory_space<vmem>>
    %dma_start3A_482 = arith.constant 0 : i32
    %dma_start3A_483 = arith.constant 0 : i32
    %dma_start3A_484 = tpu.memref_slice %arg3[%dma_start3A_482, %dma_start3A_483] : memref<100000x768xf32, #tpu.memory_space<hbm>> -> memref<100000x768xf32, #tpu.memory_space<hbm>>
    tpu.enqueue_indirect_dma source(%dma_start3A_484 : memref<100000x768xf32, #tpu.memory_space<hbm>>) target(%dma_start3A_479 : memref<64x768xf32, #tpu.memory_space<vmem>>) offsets(%dma_start3A_481 : memref<64xi32, #tpu.memory_space<vmem>>) semaphore(%arg8 : memref<!tpu.dma_semaphore, #tpu.memory_space<semaphore_mem>>)
    %dma_wait3A_485 = arith.constant 0 : i32
    %dma_wait3A_486 = arith.constant 0 : i32
    %dma_wait3A_487 = arith.constant 0 : i32
    %dma_wait3A_488 = tpu.memref_slice %arg6[%dma_wait3A_485, %dma_wait3A_486, %dma_wait3A_487] : memref<2x64x768xf32, #tpu.memory_space<vmem>> -> memref<1x64x768xf32, #tpu.memory_space<vmem>>
    %dma_wait3A_489 = tpu.memref_squeeze %dma_wait3A_488 : memref<1x64x768xf32, #tpu.memory_space<vmem>> -> memref<64x768xf32, #tpu.memory_space<vmem>>
    %dma_wait3A_490 = arith.constant 512 : i32
    %dma_wait3A_491 = tpu.memref_slice %arg5[%dma_wait3A_490] : memref<1024xi32, #tpu.memory_space<vmem>> -> memref<64xi32, #tpu.memory_space<vmem>>
    %dma_wait3A_492 = arith.constant 0 : i32
    %dma_wait3A_493 = arith.constant 0 : i32
    %dma_wait3A_494 = tpu.memref_slice %arg3[%dma_wait3A_492, %dma_wait3A_493] : memref<100000x768xf32, #tpu.memory_space<hbm>> -> memref<100000x768xf32, #tpu.memory_space<hbm>>
    tpu.wait_indirect_dma semaphore(%arg7 : memref<!tpu.dma_semaphore, #tpu.memory_space<semaphore_mem>>) src(%dma_wait3A_494 : memref<100000x768xf32, #tpu.memory_space<hbm>>) dst(%dma_wait3A_489 : memref<64x768xf32, #tpu.memory_space<vmem>>)
    %add3A_495 = arith.constant 512 : i32
    %add3A_496 = arith.addi %mul3A_32, %add3A_495 : i32
    %dma_start3A_497 = arith.constant 0 : i32
    %dma_start3A_498 = arith.constant 0 : i32
    %dma_start3A_499 = arith.constant 0 : i32
    %dma_start3A_500 = tpu.memref_slice %arg6[%dma_start3A_497, %dma_start3A_498, %dma_start3A_499] : memref<2x64x768xf32, #tpu.memory_space<vmem>> -> memref<1x64x768xf32, #tpu.memory_space<vmem>>
    %dma_start3A_501 = tpu.memref_squeeze %dma_start3A_500 : memref<1x64x768xf32, #tpu.memory_space<vmem>> -> memref<64x768xf32, #tpu.memory_space<vmem>>
    %dma_start3A_502 = arith.constant 0 : i32
    %dma_start3A_503 = tpu.memref_slice %arg4[%select_n3A, %add3A_496, %dma_start3A_502] : memref<4x8192x768xf32, #tpu.memory_space<hbm>> -> memref<1x64x768xf32, #tpu.memory_space<hbm>>
    %dma_start3A_504 = tpu.memref_squeeze %dma_start3A_503 : memref<1x64x768xf32, #tpu.memory_space<hbm>> -> memref<64x768xf32, #tpu.memory_space<hbm>>
    %dma_start3A_505 = arith.constant 0 : i32
    %dma_start3A_506 = tpu.memref_slice %arg4[%select_n3A, %add3A_496, %dma_start3A_505] : memref<4x8192x768xf32, #tpu.memory_space<hbm>> -> memref<1x64x768xf32, #tpu.memory_space<hbm>>
    %dma_start3A_507 = tpu.memref_squeeze %dma_start3A_506 : memref<1x64x768xf32, #tpu.memory_space<hbm>> -> memref<64x768xf32, #tpu.memory_space<hbm>>
    %dma_start3A_508 = arith.constant 0 : i32
    %dma_start3A_509 = arith.constant 0 : i32
    %dma_start3A_510 = tpu.memref_slice %arg6[%dma_start3A_497, %dma_start3A_508, %dma_start3A_509] : memref<2x64x768xf32, #tpu.memory_space<vmem>> -> memref<1x64x768xf32, #tpu.memory_space<vmem>>
    %dma_start3A_511 = tpu.memref_squeeze %dma_start3A_510 : memref<1x64x768xf32, #tpu.memory_space<vmem>> -> memref<64x768xf32, #tpu.memory_space<vmem>>
    tpu.enqueue_dma source(%dma_start3A_511 : memref<64x768xf32, #tpu.memory_space<vmem>>) target(%dma_start3A_507 : memref<64x768xf32, #tpu.memory_space<hbm>>) target_semaphore(%arg9 : memref<!tpu.dma_semaphore, #tpu.memory_space<semaphore_mem>>)
    %dma_wait3A_512 = arith.constant 0 : i32
    %dma_wait3A_513 = arith.constant 0 : i32
    %dma_wait3A_514 = arith.constant 0 : i32
    %dma_wait3A_515 = tpu.memref_slice %arg6[%dma_wait3A_512, %dma_wait3A_513, %dma_wait3A_514] : memref<2x64x768xf32, #tpu.memory_space<vmem>> -> memref<1x64x768xf32, #tpu.memory_space<vmem>>
    %dma_wait3A_516 = tpu.memref_squeeze %dma_wait3A_515 : memref<1x64x768xf32, #tpu.memory_space<vmem>> -> memref<64x768xf32, #tpu.memory_space<vmem>>
    %dma_wait3A_517 = arith.constant 0 : i32
    %dma_wait3A_518 = tpu.memref_slice %arg4[%select_n3A, %add3A_496, %dma_wait3A_517] : memref<4x8192x768xf32, #tpu.memory_space<hbm>> -> memref<1x64x768xf32, #tpu.memory_space<hbm>>
    %dma_wait3A_519 = tpu.memref_squeeze %dma_wait3A_518 : memref<1x64x768xf32, #tpu.memory_space<hbm>> -> memref<64x768xf32, #tpu.memory_space<hbm>>
    %dma_wait3A_520 = arith.constant 0 : i32
    %dma_wait3A_521 = tpu.memref_slice %arg4[%select_n3A, %add3A_496, %dma_wait3A_520] : memref<4x8192x768xf32, #tpu.memory_space<hbm>> -> memref<1x64x768xf32, #tpu.memory_space<hbm>>
    %dma_wait3A_522 = tpu.memref_squeeze %dma_wait3A_521 : memref<1x64x768xf32, #tpu.memory_space<hbm>> -> memref<64x768xf32, #tpu.memory_space<hbm>>
    %dma_wait3A_523 = arith.constant 0 : i32
    %dma_wait3A_524 = arith.constant 0 : i32
    %dma_wait3A_525 = tpu.memref_slice %arg6[%dma_wait3A_512, %dma_wait3A_523, %dma_wait3A_524] : memref<2x64x768xf32, #tpu.memory_space<vmem>> -> memref<1x64x768xf32, #tpu.memory_space<vmem>>
    %dma_wait3A_526 = tpu.memref_squeeze %dma_wait3A_525 : memref<1x64x768xf32, #tpu.memory_space<vmem>> -> memref<64x768xf32, #tpu.memory_space<vmem>>
    tpu.wait_dma2 semaphore(%arg9 : memref<!tpu.dma_semaphore, #tpu.memory_space<semaphore_mem>>) src(%dma_wait3A_526 : memref<64x768xf32, #tpu.memory_space<vmem>>) dst(%dma_wait3A_522 : memref<64x768xf32, #tpu.memory_space<hbm>>)
    %dma_start3A_527 = arith.constant 0 : i32
    %dma_start3A_528 = arith.constant 0 : i32
    %dma_start3A_529 = arith.constant 0 : i32
    %dma_start3A_530 = tpu.memref_slice %arg6[%dma_start3A_527, %dma_start3A_528, %dma_start3A_529] : memref<2x64x768xf32, #tpu.memory_space<vmem>> -> memref<1x64x768xf32, #tpu.memory_space<vmem>>
    %dma_start3A_531 = tpu.memref_squeeze %dma_start3A_530 : memref<1x64x768xf32, #tpu.memory_space<vmem>> -> memref<64x768xf32, #tpu.memory_space<vmem>>
    %dma_start3A_532 = arith.constant 640 : i32
    %dma_start3A_533 = tpu.memref_slice %arg5[%dma_start3A_532] : memref<1024xi32, #tpu.memory_space<vmem>> -> memref<64xi32, #tpu.memory_space<vmem>>
    %dma_start3A_534 = arith.constant 0 : i32
    %dma_start3A_535 = arith.constant 0 : i32
    %dma_start3A_536 = tpu.memref_slice %arg3[%dma_start3A_534, %dma_start3A_535] : memref<100000x768xf32, #tpu.memory_space<hbm>> -> memref<100000x768xf32, #tpu.memory_space<hbm>>
    tpu.enqueue_indirect_dma source(%dma_start3A_536 : memref<100000x768xf32, #tpu.memory_space<hbm>>) target(%dma_start3A_531 : memref<64x768xf32, #tpu.memory_space<vmem>>) offsets(%dma_start3A_533 : memref<64xi32, #tpu.memory_space<vmem>>) semaphore(%arg7 : memref<!tpu.dma_semaphore, #tpu.memory_space<semaphore_mem>>)
    %dma_wait3A_537 = arith.constant 1 : i32
    %dma_wait3A_538 = arith.constant 0 : i32
    %dma_wait3A_539 = arith.constant 0 : i32
    %dma_wait3A_540 = tpu.memref_slice %arg6[%dma_wait3A_537, %dma_wait3A_538, %dma_wait3A_539] : memref<2x64x768xf32, #tpu.memory_space<vmem>> -> memref<1x64x768xf32, #tpu.memory_space<vmem>>
    %dma_wait3A_541 = tpu.memref_squeeze %dma_wait3A_540 : memref<1x64x768xf32, #tpu.memory_space<vmem>> -> memref<64x768xf32, #tpu.memory_space<vmem>>
    %dma_wait3A_542 = arith.constant 576 : i32
    %dma_wait3A_543 = tpu.memref_slice %arg5[%dma_wait3A_542] : memref<1024xi32, #tpu.memory_space<vmem>> -> memref<64xi32, #tpu.memory_space<vmem>>
    %dma_wait3A_544 = arith.constant 0 : i32
    %dma_wait3A_545 = arith.constant 0 : i32
    %dma_wait3A_546 = tpu.memref_slice %arg3[%dma_wait3A_544, %dma_wait3A_545] : memref<100000x768xf32, #tpu.memory_space<hbm>> -> memref<100000x768xf32, #tpu.memory_space<hbm>>
    tpu.wait_indirect_dma semaphore(%arg8 : memref<!tpu.dma_semaphore, #tpu.memory_space<semaphore_mem>>) src(%dma_wait3A_546 : memref<100000x768xf32, #tpu.memory_space<hbm>>) dst(%dma_wait3A_541 : memref<64x768xf32, #tpu.memory_space<vmem>>)
    %add3A_547 = arith.constant 576 : i32
    %add3A_548 = arith.addi %mul3A_32, %add3A_547 : i32
    %dma_start3A_549 = arith.constant 1 : i32
    %dma_start3A_550 = arith.constant 0 : i32
    %dma_start3A_551 = arith.constant 0 : i32
    %dma_start3A_552 = tpu.memref_slice %arg6[%dma_start3A_549, %dma_start3A_550, %dma_start3A_551] : memref<2x64x768xf32, #tpu.memory_space<vmem>> -> memref<1x64x768xf32, #tpu.memory_space<vmem>>
    %dma_start3A_553 = tpu.memref_squeeze %dma_start3A_552 : memref<1x64x768xf32, #tpu.memory_space<vmem>> -> memref<64x768xf32, #tpu.memory_space<vmem>>
    %dma_start3A_554 = arith.constant 0 : i32
    %dma_start3A_555 = tpu.memref_slice %arg4[%select_n3A, %add3A_548, %dma_start3A_554] : memref<4x8192x768xf32, #tpu.memory_space<hbm>> -> memref<1x64x768xf32, #tpu.memory_space<hbm>>
    %dma_start3A_556 = tpu.memref_squeeze %dma_start3A_555 : memref<1x64x768xf32, #tpu.memory_space<hbm>> -> memref<64x768xf32, #tpu.memory_space<hbm>>
    %dma_start3A_557 = arith.constant 0 : i32
    %dma_start3A_558 = tpu.memref_slice %arg4[%select_n3A, %add3A_548, %dma_start3A_557] : memref<4x8192x768xf32, #tpu.memory_space<hbm>> -> memref<1x64x768xf32, #tpu.memory_space<hbm>>
    %dma_start3A_559 = tpu.memref_squeeze %dma_start3A_558 : memref<1x64x768xf32, #tpu.memory_space<hbm>> -> memref<64x768xf32, #tpu.memory_space<hbm>>
    %dma_start3A_560 = arith.constant 0 : i32
    %dma_start3A_561 = arith.constant 0 : i32
    %dma_start3A_562 = tpu.memref_slice %arg6[%dma_start3A_549, %dma_start3A_560, %dma_start3A_561] : memref<2x64x768xf32, #tpu.memory_space<vmem>> -> memref<1x64x768xf32, #tpu.memory_space<vmem>>
    %dma_start3A_563 = tpu.memref_squeeze %dma_start3A_562 : memref<1x64x768xf32, #tpu.memory_space<vmem>> -> memref<64x768xf32, #tpu.memory_space<vmem>>
    tpu.enqueue_dma source(%dma_start3A_563 : memref<64x768xf32, #tpu.memory_space<vmem>>) target(%dma_start3A_559 : memref<64x768xf32, #tpu.memory_space<hbm>>) target_semaphore(%arg10 : memref<!tpu.dma_semaphore, #tpu.memory_space<semaphore_mem>>)
    %dma_wait3A_564 = arith.constant 1 : i32
    %dma_wait3A_565 = arith.constant 0 : i32
    %dma_wait3A_566 = arith.constant 0 : i32
    %dma_wait3A_567 = tpu.memref_slice %arg6[%dma_wait3A_564, %dma_wait3A_565, %dma_wait3A_566] : memref<2x64x768xf32, #tpu.memory_space<vmem>> -> memref<1x64x768xf32, #tpu.memory_space<vmem>>
    %dma_wait3A_568 = tpu.memref_squeeze %dma_wait3A_567 : memref<1x64x768xf32, #tpu.memory_space<vmem>> -> memref<64x768xf32, #tpu.memory_space<vmem>>
    %dma_wait3A_569 = arith.constant 0 : i32
    %dma_wait3A_570 = tpu.memref_slice %arg4[%select_n3A, %add3A_548, %dma_wait3A_569] : memref<4x8192x768xf32, #tpu.memory_space<hbm>> -> memref<1x64x768xf32, #tpu.memory_space<hbm>>
    %dma_wait3A_571 = tpu.memref_squeeze %dma_wait3A_570 : memref<1x64x768xf32, #tpu.memory_space<hbm>> -> memref<64x768xf32, #tpu.memory_space<hbm>>
    %dma_wait3A_572 = arith.constant 0 : i32
    %dma_wait3A_573 = tpu.memref_slice %arg4[%select_n3A, %add3A_548, %dma_wait3A_572] : memref<4x8192x768xf32, #tpu.memory_space<hbm>> -> memref<1x64x768xf32, #tpu.memory_space<hbm>>
    %dma_wait3A_574 = tpu.memref_squeeze %dma_wait3A_573 : memref<1x64x768xf32, #tpu.memory_space<hbm>> -> memref<64x768xf32, #tpu.memory_space<hbm>>
    %dma_wait3A_575 = arith.constant 0 : i32
    %dma_wait3A_576 = arith.constant 0 : i32
    %dma_wait3A_577 = tpu.memref_slice %arg6[%dma_wait3A_564, %dma_wait3A_575, %dma_wait3A_576] : memref<2x64x768xf32, #tpu.memory_space<vmem>> -> memref<1x64x768xf32, #tpu.memory_space<vmem>>
    %dma_wait3A_578 = tpu.memref_squeeze %dma_wait3A_577 : memref<1x64x768xf32, #tpu.memory_space<vmem>> -> memref<64x768xf32, #tpu.memory_space<vmem>>
    tpu.wait_dma2 semaphore(%arg10 : memref<!tpu.dma_semaphore, #tpu.memory_space<semaphore_mem>>) src(%dma_wait3A_578 : memref<64x768xf32, #tpu.memory_space<vmem>>) dst(%dma_wait3A_574 : memref<64x768xf32, #tpu.memory_space<hbm>>)
    %dma_start3A_579 = arith.constant 1 : i32
    %dma_start3A_580 = arith.constant 0 : i32
    %dma_start3A_581 = arith.constant 0 : i32
    %dma_start3A_582 = tpu.memref_slice %arg6[%dma_start3A_579, %dma_start3A_580, %dma_start3A_581] : memref<2x64x768xf32, #tpu.memory_space<vmem>> -> memref<1x64x768xf32, #tpu.memory_space<vmem>>
    %dma_start3A_583 = tpu.memref_squeeze %dma_start3A_582 : memref<1x64x768xf32, #tpu.memory_space<vmem>> -> memref<64x768xf32, #tpu.memory_space<vmem>>
    %dma_start3A_584 = arith.constant 704 : i32
    %dma_start3A_585 = tpu.memref_slice %arg5[%dma_start3A_584] : memref<1024xi32, #tpu.memory_space<vmem>> -> memref<64xi32, #tpu.memory_space<vmem>>
    %dma_start3A_586 = arith.constant 0 : i32
    %dma_start3A_587 = arith.constant 0 : i32
    %dma_start3A_588 = tpu.memref_slice %arg3[%dma_start3A_586, %dma_start3A_587] : memref<100000x768xf32, #tpu.memory_space<hbm>> -> memref<100000x768xf32, #tpu.memory_space<hbm>>
    tpu.enqueue_indirect_dma source(%dma_start3A_588 : memref<100000x768xf32, #tpu.memory_space<hbm>>) target(%dma_start3A_583 : memref<64x768xf32, #tpu.memory_space<vmem>>) offsets(%dma_start3A_585 : memref<64xi32, #tpu.memory_space<vmem>>) semaphore(%arg8 : memref<!tpu.dma_semaphore, #tpu.memory_space<semaphore_mem>>)
    %dma_wait3A_589 = arith.constant 0 : i32
    %dma_wait3A_590 = arith.constant 0 : i32
    %dma_wait3A_591 = arith.constant 0 : i32
    %dma_wait3A_592 = tpu.memref_slice %arg6[%dma_wait3A_589, %dma_wait3A_590, %dma_wait3A_591] : memref<2x64x768xf32, #tpu.memory_space<vmem>> -> memref<1x64x768xf32, #tpu.memory_space<vmem>>
    %dma_wait3A_593 = tpu.memref_squeeze %dma_wait3A_592 : memref<1x64x768xf32, #tpu.memory_space<vmem>> -> memref<64x768xf32, #tpu.memory_space<vmem>>
    %dma_wait3A_594 = arith.constant 640 : i32
    %dma_wait3A_595 = tpu.memref_slice %arg5[%dma_wait3A_594] : memref<1024xi32, #tpu.memory_space<vmem>> -> memref<64xi32, #tpu.memory_space<vmem>>
    %dma_wait3A_596 = arith.constant 0 : i32
    %dma_wait3A_597 = arith.constant 0 : i32
    %dma_wait3A_598 = tpu.memref_slice %arg3[%dma_wait3A_596, %dma_wait3A_597] : memref<100000x768xf32, #tpu.memory_space<hbm>> -> memref<100000x768xf32, #tpu.memory_space<hbm>>
    tpu.wait_indirect_dma semaphore(%arg7 : memref<!tpu.dma_semaphore, #tpu.memory_space<semaphore_mem>>) src(%dma_wait3A_598 : memref<100000x768xf32, #tpu.memory_space<hbm>>) dst(%dma_wait3A_593 : memref<64x768xf32, #tpu.memory_space<vmem>>)
    %add3A_599 = arith.constant 640 : i32
    %add3A_600 = arith.addi %mul3A_32, %add3A_599 : i32
    %dma_start3A_601 = arith.constant 0 : i32
    %dma_start3A_602 = arith.constant 0 : i32
    %dma_start3A_603 = arith.constant 0 : i32
    %dma_start3A_604 = tpu.memref_slice %arg6[%dma_start3A_601, %dma_start3A_602, %dma_start3A_603] : memref<2x64x768xf32, #tpu.memory_space<vmem>> -> memref<1x64x768xf32, #tpu.memory_space<vmem>>
    %dma_start3A_605 = tpu.memref_squeeze %dma_start3A_604 : memref<1x64x768xf32, #tpu.memory_space<vmem>> -> memref<64x768xf32, #tpu.memory_space<vmem>>
    %dma_start3A_606 = arith.constant 0 : i32
    %dma_start3A_607 = tpu.memref_slice %arg4[%select_n3A, %add3A_600, %dma_start3A_606] : memref<4x8192x768xf32, #tpu.memory_space<hbm>> -> memref<1x64x768xf32, #tpu.memory_space<hbm>>
    %dma_start3A_608 = tpu.memref_squeeze %dma_start3A_607 : memref<1x64x768xf32, #tpu.memory_space<hbm>> -> memref<64x768xf32, #tpu.memory_space<hbm>>
    %dma_start3A_609 = arith.constant 0 : i32
    %dma_start3A_610 = tpu.memref_slice %arg4[%select_n3A, %add3A_600, %dma_start3A_609] : memref<4x8192x768xf32, #tpu.memory_space<hbm>> -> memref<1x64x768xf32, #tpu.memory_space<hbm>>
    %dma_start3A_611 = tpu.memref_squeeze %dma_start3A_610 : memref<1x64x768xf32, #tpu.memory_space<hbm>> -> memref<64x768xf32, #tpu.memory_space<hbm>>
    %dma_start3A_612 = arith.constant 0 : i32
    %dma_start3A_613 = arith.constant 0 : i32
    %dma_start3A_614 = tpu.memref_slice %arg6[%dma_start3A_601, %dma_start3A_612, %dma_start3A_613] : memref<2x64x768xf32, #tpu.memory_space<vmem>> -> memref<1x64x768xf32, #tpu.memory_space<vmem>>
    %dma_start3A_615 = tpu.memref_squeeze %dma_start3A_614 : memref<1x64x768xf32, #tpu.memory_space<vmem>> -> memref<64x768xf32, #tpu.memory_space<vmem>>
    tpu.enqueue_dma source(%dma_start3A_615 : memref<64x768xf32, #tpu.memory_space<vmem>>) target(%dma_start3A_611 : memref<64x768xf32, #tpu.memory_space<hbm>>) target_semaphore(%arg9 : memref<!tpu.dma_semaphore, #tpu.memory_space<semaphore_mem>>)
    %dma_wait3A_616 = arith.constant 0 : i32
    %dma_wait3A_617 = arith.constant 0 : i32
    %dma_wait3A_618 = arith.constant 0 : i32
    %dma_wait3A_619 = tpu.memref_slice %arg6[%dma_wait3A_616, %dma_wait3A_617, %dma_wait3A_618] : memref<2x64x768xf32, #tpu.memory_space<vmem>> -> memref<1x64x768xf32, #tpu.memory_space<vmem>>
    %dma_wait3A_620 = tpu.memref_squeeze %dma_wait3A_619 : memref<1x64x768xf32, #tpu.memory_space<vmem>> -> memref<64x768xf32, #tpu.memory_space<vmem>>
    %dma_wait3A_621 = arith.constant 0 : i32
    %dma_wait3A_622 = tpu.memref_slice %arg4[%select_n3A, %add3A_600, %dma_wait3A_621] : memref<4x8192x768xf32, #tpu.memory_space<hbm>> -> memref<1x64x768xf32, #tpu.memory_space<hbm>>
    %dma_wait3A_623 = tpu.memref_squeeze %dma_wait3A_622 : memref<1x64x768xf32, #tpu.memory_space<hbm>> -> memref<64x768xf32, #tpu.memory_space<hbm>>
    %dma_wait3A_624 = arith.constant 0 : i32
    %dma_wait3A_625 = tpu.memref_slice %arg4[%select_n3A, %add3A_600, %dma_wait3A_624] : memref<4x8192x768xf32, #tpu.memory_space<hbm>> -> memref<1x64x768xf32, #tpu.memory_space<hbm>>
    %dma_wait3A_626 = tpu.memref_squeeze %dma_wait3A_625 : memref<1x64x768xf32, #tpu.memory_space<hbm>> -> memref<64x768xf32, #tpu.memory_space<hbm>>
    %dma_wait3A_627 = arith.constant 0 : i32
    %dma_wait3A_628 = arith.constant 0 : i32
    %dma_wait3A_629 = tpu.memref_slice %arg6[%dma_wait3A_616, %dma_wait3A_627, %dma_wait3A_628] : memref<2x64x768xf32, #tpu.memory_space<vmem>> -> memref<1x64x768xf32, #tpu.memory_space<vmem>>
    %dma_wait3A_630 = tpu.memref_squeeze %dma_wait3A_629 : memref<1x64x768xf32, #tpu.memory_space<vmem>> -> memref<64x768xf32, #tpu.memory_space<vmem>>
    tpu.wait_dma2 semaphore(%arg9 : memref<!tpu.dma_semaphore, #tpu.memory_space<semaphore_mem>>) src(%dma_wait3A_630 : memref<64x768xf32, #tpu.memory_space<vmem>>) dst(%dma_wait3A_626 : memref<64x768xf32, #tpu.memory_space<hbm>>)
    %dma_start3A_631 = arith.constant 0 : i32
    %dma_start3A_632 = arith.constant 0 : i32
    %dma_start3A_633 = arith.constant 0 : i32
    %dma_start3A_634 = tpu.memref_slice %arg6[%dma_start3A_631, %dma_start3A_632, %dma_start3A_633] : memref<2x64x768xf32, #tpu.memory_space<vmem>> -> memref<1x64x768xf32, #tpu.memory_space<vmem>>
    %dma_start3A_635 = tpu.memref_squeeze %dma_start3A_634 : memref<1x64x768xf32, #tpu.memory_space<vmem>> -> memref<64x768xf32, #tpu.memory_space<vmem>>
    %dma_start3A_636 = arith.constant 768 : i32
    %dma_start3A_637 = tpu.memref_slice %arg5[%dma_start3A_636] : memref<1024xi32, #tpu.memory_space<vmem>> -> memref<64xi32, #tpu.memory_space<vmem>>
    %dma_start3A_638 = arith.constant 0 : i32
    %dma_start3A_639 = arith.constant 0 : i32
    %dma_start3A_640 = tpu.memref_slice %arg3[%dma_start3A_638, %dma_start3A_639] : memref<100000x768xf32, #tpu.memory_space<hbm>> -> memref<100000x768xf32, #tpu.memory_space<hbm>>
    tpu.enqueue_indirect_dma source(%dma_start3A_640 : memref<100000x768xf32, #tpu.memory_space<hbm>>) target(%dma_start3A_635 : memref<64x768xf32, #tpu.memory_space<vmem>>) offsets(%dma_start3A_637 : memref<64xi32, #tpu.memory_space<vmem>>) semaphore(%arg7 : memref<!tpu.dma_semaphore, #tpu.memory_space<semaphore_mem>>)
    %dma_wait3A_641 = arith.constant 1 : i32
    %dma_wait3A_642 = arith.constant 0 : i32
    %dma_wait3A_643 = arith.constant 0 : i32
    %dma_wait3A_644 = tpu.memref_slice %arg6[%dma_wait3A_641, %dma_wait3A_642, %dma_wait3A_643] : memref<2x64x768xf32, #tpu.memory_space<vmem>> -> memref<1x64x768xf32, #tpu.memory_space<vmem>>
    %dma_wait3A_645 = tpu.memref_squeeze %dma_wait3A_644 : memref<1x64x768xf32, #tpu.memory_space<vmem>> -> memref<64x768xf32, #tpu.memory_space<vmem>>
    %dma_wait3A_646 = arith.constant 704 : i32
    %dma_wait3A_647 = tpu.memref_slice %arg5[%dma_wait3A_646] : memref<1024xi32, #tpu.memory_space<vmem>> -> memref<64xi32, #tpu.memory_space<vmem>>
    %dma_wait3A_648 = arith.constant 0 : i32
    %dma_wait3A_649 = arith.constant 0 : i32
    %dma_wait3A_650 = tpu.memref_slice %arg3[%dma_wait3A_648, %dma_wait3A_649] : memref<100000x768xf32, #tpu.memory_space<hbm>> -> memref<100000x768xf32, #tpu.memory_space<hbm>>
    tpu.wait_indirect_dma semaphore(%arg8 : memref<!tpu.dma_semaphore, #tpu.memory_space<semaphore_mem>>) src(%dma_wait3A_650 : memref<100000x768xf32, #tpu.memory_space<hbm>>) dst(%dma_wait3A_645 : memref<64x768xf32, #tpu.memory_space<vmem>>)
    %add3A_651 = arith.constant 704 : i32
    %add3A_652 = arith.addi %mul3A_32, %add3A_651 : i32
    %dma_start3A_653 = arith.constant 1 : i32
    %dma_start3A_654 = arith.constant 0 : i32
    %dma_start3A_655 = arith.constant 0 : i32
    %dma_start3A_656 = tpu.memref_slice %arg6[%dma_start3A_653, %dma_start3A_654, %dma_start3A_655] : memref<2x64x768xf32, #tpu.memory_space<vmem>> -> memref<1x64x768xf32, #tpu.memory_space<vmem>>
    %dma_start3A_657 = tpu.memref_squeeze %dma_start3A_656 : memref<1x64x768xf32, #tpu.memory_space<vmem>> -> memref<64x768xf32, #tpu.memory_space<vmem>>
    %dma_start3A_658 = arith.constant 0 : i32
    %dma_start3A_659 = tpu.memref_slice %arg4[%select_n3A, %add3A_652, %dma_start3A_658] : memref<4x8192x768xf32, #tpu.memory_space<hbm>> -> memref<1x64x768xf32, #tpu.memory_space<hbm>>
    %dma_start3A_660 = tpu.memref_squeeze %dma_start3A_659 : memref<1x64x768xf32, #tpu.memory_space<hbm>> -> memref<64x768xf32, #tpu.memory_space<hbm>>
    %dma_start3A_661 = arith.constant 0 : i32
    %dma_start3A_662 = tpu.memref_slice %arg4[%select_n3A, %add3A_652, %dma_start3A_661] : memref<4x8192x768xf32, #tpu.memory_space<hbm>> -> memref<1x64x768xf32, #tpu.memory_space<hbm>>
    %dma_start3A_663 = tpu.memref_squeeze %dma_start3A_662 : memref<1x64x768xf32, #tpu.memory_space<hbm>> -> memref<64x768xf32, #tpu.memory_space<hbm>>
    %dma_start3A_664 = arith.constant 0 : i32
    %dma_start3A_665 = arith.constant 0 : i32
    %dma_start3A_666 = tpu.memref_slice %arg6[%dma_start3A_653, %dma_start3A_664, %dma_start3A_665] : memref<2x64x768xf32, #tpu.memory_space<vmem>> -> memref<1x64x768xf32, #tpu.memory_space<vmem>>
    %dma_start3A_667 = tpu.memref_squeeze %dma_start3A_666 : memref<1x64x768xf32, #tpu.memory_space<vmem>> -> memref<64x768xf32, #tpu.memory_space<vmem>>
    tpu.enqueue_dma source(%dma_start3A_667 : memref<64x768xf32, #tpu.memory_space<vmem>>) target(%dma_start3A_663 : memref<64x768xf32, #tpu.memory_space<hbm>>) target_semaphore(%arg10 : memref<!tpu.dma_semaphore, #tpu.memory_space<semaphore_mem>>)
    %dma_wait3A_668 = arith.constant 1 : i32
    %dma_wait3A_669 = arith.constant 0 : i32
    %dma_wait3A_670 = arith.constant 0 : i32
    %dma_wait3A_671 = tpu.memref_slice %arg6[%dma_wait3A_668, %dma_wait3A_669, %dma_wait3A_670] : memref<2x64x768xf32, #tpu.memory_space<vmem>> -> memref<1x64x768xf32, #tpu.memory_space<vmem>>
    %dma_wait3A_672 = tpu.memref_squeeze %dma_wait3A_671 : memref<1x64x768xf32, #tpu.memory_space<vmem>> -> memref<64x768xf32, #tpu.memory_space<vmem>>
    %dma_wait3A_673 = arith.constant 0 : i32
    %dma_wait3A_674 = tpu.memref_slice %arg4[%select_n3A, %add3A_652, %dma_wait3A_673] : memref<4x8192x768xf32, #tpu.memory_space<hbm>> -> memref<1x64x768xf32, #tpu.memory_space<hbm>>
    %dma_wait3A_675 = tpu.memref_squeeze %dma_wait3A_674 : memref<1x64x768xf32, #tpu.memory_space<hbm>> -> memref<64x768xf32, #tpu.memory_space<hbm>>
    %dma_wait3A_676 = arith.constant 0 : i32
    %dma_wait3A_677 = tpu.memref_slice %arg4[%select_n3A, %add3A_652, %dma_wait3A_676] : memref<4x8192x768xf32, #tpu.memory_space<hbm>> -> memref<1x64x768xf32, #tpu.memory_space<hbm>>
    %dma_wait3A_678 = tpu.memref_squeeze %dma_wait3A_677 : memref<1x64x768xf32, #tpu.memory_space<hbm>> -> memref<64x768xf32, #tpu.memory_space<hbm>>
    %dma_wait3A_679 = arith.constant 0 : i32
    %dma_wait3A_680 = arith.constant 0 : i32
    %dma_wait3A_681 = tpu.memref_slice %arg6[%dma_wait3A_668, %dma_wait3A_679, %dma_wait3A_680] : memref<2x64x768xf32, #tpu.memory_space<vmem>> -> memref<1x64x768xf32, #tpu.memory_space<vmem>>
    %dma_wait3A_682 = tpu.memref_squeeze %dma_wait3A_681 : memref<1x64x768xf32, #tpu.memory_space<vmem>> -> memref<64x768xf32, #tpu.memory_space<vmem>>
    tpu.wait_dma2 semaphore(%arg10 : memref<!tpu.dma_semaphore, #tpu.memory_space<semaphore_mem>>) src(%dma_wait3A_682 : memref<64x768xf32, #tpu.memory_space<vmem>>) dst(%dma_wait3A_678 : memref<64x768xf32, #tpu.memory_space<hbm>>)
    %dma_start3A_683 = arith.constant 1 : i32
    %dma_start3A_684 = arith.constant 0 : i32
    %dma_start3A_685 = arith.constant 0 : i32
    %dma_start3A_686 = tpu.memref_slice %arg6[%dma_start3A_683, %dma_start3A_684, %dma_start3A_685] : memref<2x64x768xf32, #tpu.memory_space<vmem>> -> memref<1x64x768xf32, #tpu.memory_space<vmem>>
    %dma_start3A_687 = tpu.memref_squeeze %dma_start3A_686 : memref<1x64x768xf32, #tpu.memory_space<vmem>> -> memref<64x768xf32, #tpu.memory_space<vmem>>
    %dma_start3A_688 = arith.constant 832 : i32
    %dma_start3A_689 = tpu.memref_slice %arg5[%dma_start3A_688] : memref<1024xi32, #tpu.memory_space<vmem>> -> memref<64xi32, #tpu.memory_space<vmem>>
    %dma_start3A_690 = arith.constant 0 : i32
    %dma_start3A_691 = arith.constant 0 : i32
    %dma_start3A_692 = tpu.memref_slice %arg3[%dma_start3A_690, %dma_start3A_691] : memref<100000x768xf32, #tpu.memory_space<hbm>> -> memref<100000x768xf32, #tpu.memory_space<hbm>>
    tpu.enqueue_indirect_dma source(%dma_start3A_692 : memref<100000x768xf32, #tpu.memory_space<hbm>>) target(%dma_start3A_687 : memref<64x768xf32, #tpu.memory_space<vmem>>) offsets(%dma_start3A_689 : memref<64xi32, #tpu.memory_space<vmem>>) semaphore(%arg8 : memref<!tpu.dma_semaphore, #tpu.memory_space<semaphore_mem>>)
    %dma_wait3A_693 = arith.constant 0 : i32
    %dma_wait3A_694 = arith.constant 0 : i32
    %dma_wait3A_695 = arith.constant 0 : i32
    %dma_wait3A_696 = tpu.memref_slice %arg6[%dma_wait3A_693, %dma_wait3A_694, %dma_wait3A_695] : memref<2x64x768xf32, #tpu.memory_space<vmem>> -> memref<1x64x768xf32, #tpu.memory_space<vmem>>
    %dma_wait3A_697 = tpu.memref_squeeze %dma_wait3A_696 : memref<1x64x768xf32, #tpu.memory_space<vmem>> -> memref<64x768xf32, #tpu.memory_space<vmem>>
    %dma_wait3A_698 = arith.constant 768 : i32
    %dma_wait3A_699 = tpu.memref_slice %arg5[%dma_wait3A_698] : memref<1024xi32, #tpu.memory_space<vmem>> -> memref<64xi32, #tpu.memory_space<vmem>>
    %dma_wait3A_700 = arith.constant 0 : i32
    %dma_wait3A_701 = arith.constant 0 : i32
    %dma_wait3A_702 = tpu.memref_slice %arg3[%dma_wait3A_700, %dma_wait3A_701] : memref<100000x768xf32, #tpu.memory_space<hbm>> -> memref<100000x768xf32, #tpu.memory_space<hbm>>
    tpu.wait_indirect_dma semaphore(%arg7 : memref<!tpu.dma_semaphore, #tpu.memory_space<semaphore_mem>>) src(%dma_wait3A_702 : memref<100000x768xf32, #tpu.memory_space<hbm>>) dst(%dma_wait3A_697 : memref<64x768xf32, #tpu.memory_space<vmem>>)
    %add3A_703 = arith.constant 768 : i32
    %add3A_704 = arith.addi %mul3A_32, %add3A_703 : i32
    %dma_start3A_705 = arith.constant 0 : i32
    %dma_start3A_706 = arith.constant 0 : i32
    %dma_start3A_707 = arith.constant 0 : i32
    %dma_start3A_708 = tpu.memref_slice %arg6[%dma_start3A_705, %dma_start3A_706, %dma_start3A_707] : memref<2x64x768xf32, #tpu.memory_space<vmem>> -> memref<1x64x768xf32, #tpu.memory_space<vmem>>
    %dma_start3A_709 = tpu.memref_squeeze %dma_start3A_708 : memref<1x64x768xf32, #tpu.memory_space<vmem>> -> memref<64x768xf32, #tpu.memory_space<vmem>>
    %dma_start3A_710 = arith.constant 0 : i32
    %dma_start3A_711 = tpu.memref_slice %arg4[%select_n3A, %add3A_704, %dma_start3A_710] : memref<4x8192x768xf32, #tpu.memory_space<hbm>> -> memref<1x64x768xf32, #tpu.memory_space<hbm>>
    %dma_start3A_712 = tpu.memref_squeeze %dma_start3A_711 : memref<1x64x768xf32, #tpu.memory_space<hbm>> -> memref<64x768xf32, #tpu.memory_space<hbm>>
    %dma_start3A_713 = arith.constant 0 : i32
    %dma_start3A_714 = tpu.memref_slice %arg4[%select_n3A, %add3A_704, %dma_start3A_713] : memref<4x8192x768xf32, #tpu.memory_space<hbm>> -> memref<1x64x768xf32, #tpu.memory_space<hbm>>
    %dma_start3A_715 = tpu.memref_squeeze %dma_start3A_714 : memref<1x64x768xf32, #tpu.memory_space<hbm>> -> memref<64x768xf32, #tpu.memory_space<hbm>>
    %dma_start3A_716 = arith.constant 0 : i32
    %dma_start3A_717 = arith.constant 0 : i32
    %dma_start3A_718 = tpu.memref_slice %arg6[%dma_start3A_705, %dma_start3A_716, %dma_start3A_717] : memref<2x64x768xf32, #tpu.memory_space<vmem>> -> memref<1x64x768xf32, #tpu.memory_space<vmem>>
    %dma_start3A_719 = tpu.memref_squeeze %dma_start3A_718 : memref<1x64x768xf32, #tpu.memory_space<vmem>> -> memref<64x768xf32, #tpu.memory_space<vmem>>
    tpu.enqueue_dma source(%dma_start3A_719 : memref<64x768xf32, #tpu.memory_space<vmem>>) target(%dma_start3A_715 : memref<64x768xf32, #tpu.memory_space<hbm>>) target_semaphore(%arg9 : memref<!tpu.dma_semaphore, #tpu.memory_space<semaphore_mem>>)
    %dma_wait3A_720 = arith.constant 0 : i32
    %dma_wait3A_721 = arith.constant 0 : i32
    %dma_wait3A_722 = arith.constant 0 : i32
    %dma_wait3A_723 = tpu.memref_slice %arg6[%dma_wait3A_720, %dma_wait3A_721, %dma_wait3A_722] : memref<2x64x768xf32, #tpu.memory_space<vmem>> -> memref<1x64x768xf32, #tpu.memory_space<vmem>>
    %dma_wait3A_724 = tpu.memref_squeeze %dma_wait3A_723 : memref<1x64x768xf32, #tpu.memory_space<vmem>> -> memref<64x768xf32, #tpu.memory_space<vmem>>
    %dma_wait3A_725 = arith.constant 0 : i32
    %dma_wait3A_726 = tpu.memref_slice %arg4[%select_n3A, %add3A_704, %dma_wait3A_725] : memref<4x8192x768xf32, #tpu.memory_space<hbm>> -> memref<1x64x768xf32, #tpu.memory_space<hbm>>
    %dma_wait3A_727 = tpu.memref_squeeze %dma_wait3A_726 : memref<1x64x768xf32, #tpu.memory_space<hbm>> -> memref<64x768xf32, #tpu.memory_space<hbm>>
    %dma_wait3A_728 = arith.constant 0 : i32
    %dma_wait3A_729 = tpu.memref_slice %arg4[%select_n3A, %add3A_704, %dma_wait3A_728] : memref<4x8192x768xf32, #tpu.memory_space<hbm>> -> memref<1x64x768xf32, #tpu.memory_space<hbm>>
    %dma_wait3A_730 = tpu.memref_squeeze %dma_wait3A_729 : memref<1x64x768xf32, #tpu.memory_space<hbm>> -> memref<64x768xf32, #tpu.memory_space<hbm>>
    %dma_wait3A_731 = arith.constant 0 : i32
    %dma_wait3A_732 = arith.constant 0 : i32
    %dma_wait3A_733 = tpu.memref_slice %arg6[%dma_wait3A_720, %dma_wait3A_731, %dma_wait3A_732] : memref<2x64x768xf32, #tpu.memory_space<vmem>> -> memref<1x64x768xf32, #tpu.memory_space<vmem>>
    %dma_wait3A_734 = tpu.memref_squeeze %dma_wait3A_733 : memref<1x64x768xf32, #tpu.memory_space<vmem>> -> memref<64x768xf32, #tpu.memory_space<vmem>>
    tpu.wait_dma2 semaphore(%arg9 : memref<!tpu.dma_semaphore, #tpu.memory_space<semaphore_mem>>) src(%dma_wait3A_734 : memref<64x768xf32, #tpu.memory_space<vmem>>) dst(%dma_wait3A_730 : memref<64x768xf32, #tpu.memory_space<hbm>>)
    %dma_start3A_735 = arith.constant 0 : i32
    %dma_start3A_736 = arith.constant 0 : i32
    %dma_start3A_737 = arith.constant 0 : i32
    %dma_start3A_738 = tpu.memref_slice %arg6[%dma_start3A_735, %dma_start3A_736, %dma_start3A_737] : memref<2x64x768xf32, #tpu.memory_space<vmem>> -> memref<1x64x768xf32, #tpu.memory_space<vmem>>
    %dma_start3A_739 = tpu.memref_squeeze %dma_start3A_738 : memref<1x64x768xf32, #tpu.memory_space<vmem>> -> memref<64x768xf32, #tpu.memory_space<vmem>>
    %dma_start3A_740 = arith.constant 896 : i32
    %dma_start3A_741 = tpu.memref_slice %arg5[%dma_start3A_740] : memref<1024xi32, #tpu.memory_space<vmem>> -> memref<64xi32, #tpu.memory_space<vmem>>
    %dma_start3A_742 = arith.constant 0 : i32
    %dma_start3A_743 = arith.constant 0 : i32
    %dma_start3A_744 = tpu.memref_slice %arg3[%dma_start3A_742, %dma_start3A_743] : memref<100000x768xf32, #tpu.memory_space<hbm>> -> memref<100000x768xf32, #tpu.memory_space<hbm>>
    tpu.enqueue_indirect_dma source(%dma_start3A_744 : memref<100000x768xf32, #tpu.memory_space<hbm>>) target(%dma_start3A_739 : memref<64x768xf32, #tpu.memory_space<vmem>>) offsets(%dma_start3A_741 : memref<64xi32, #tpu.memory_space<vmem>>) semaphore(%arg7 : memref<!tpu.dma_semaphore, #tpu.memory_space<semaphore_mem>>)
    %dma_wait3A_745 = arith.constant 1 : i32
    %dma_wait3A_746 = arith.constant 0 : i32
    %dma_wait3A_747 = arith.constant 0 : i32
    %dma_wait3A_748 = tpu.memref_slice %arg6[%dma_wait3A_745, %dma_wait3A_746, %dma_wait3A_747] : memref<2x64x768xf32, #tpu.memory_space<vmem>> -> memref<1x64x768xf32, #tpu.memory_space<vmem>>
    %dma_wait3A_749 = tpu.memref_squeeze %dma_wait3A_748 : memref<1x64x768xf32, #tpu.memory_space<vmem>> -> memref<64x768xf32, #tpu.memory_space<vmem>>
    %dma_wait3A_750 = arith.constant 832 : i32
    %dma_wait3A_751 = tpu.memref_slice %arg5[%dma_wait3A_750] : memref<1024xi32, #tpu.memory_space<vmem>> -> memref<64xi32, #tpu.memory_space<vmem>>
    %dma_wait3A_752 = arith.constant 0 : i32
    %dma_wait3A_753 = arith.constant 0 : i32
    %dma_wait3A_754 = tpu.memref_slice %arg3[%dma_wait3A_752, %dma_wait3A_753] : memref<100000x768xf32, #tpu.memory_space<hbm>> -> memref<100000x768xf32, #tpu.memory_space<hbm>>
    tpu.wait_indirect_dma semaphore(%arg8 : memref<!tpu.dma_semaphore, #tpu.memory_space<semaphore_mem>>) src(%dma_wait3A_754 : memref<100000x768xf32, #tpu.memory_space<hbm>>) dst(%dma_wait3A_749 : memref<64x768xf32, #tpu.memory_space<vmem>>)
    %add3A_755 = arith.constant 832 : i32
    %add3A_756 = arith.addi %mul3A_32, %add3A_755 : i32
    %dma_start3A_757 = arith.constant 1 : i32
    %dma_start3A_758 = arith.constant 0 : i32
    %dma_start3A_759 = arith.constant 0 : i32
    %dma_start3A_760 = tpu.memref_slice %arg6[%dma_start3A_757, %dma_start3A_758, %dma_start3A_759] : memref<2x64x768xf32, #tpu.memory_space<vmem>> -> memref<1x64x768xf32, #tpu.memory_space<vmem>>
    %dma_start3A_761 = tpu.memref_squeeze %dma_start3A_760 : memref<1x64x768xf32, #tpu.memory_space<vmem>> -> memref<64x768xf32, #tpu.memory_space<vmem>>
    %dma_start3A_762 = arith.constant 0 : i32
    %dma_start3A_763 = tpu.memref_slice %arg4[%select_n3A, %add3A_756, %dma_start3A_762] : memref<4x8192x768xf32, #tpu.memory_space<hbm>> -> memref<1x64x768xf32, #tpu.memory_space<hbm>>
    %dma_start3A_764 = tpu.memref_squeeze %dma_start3A_763 : memref<1x64x768xf32, #tpu.memory_space<hbm>> -> memref<64x768xf32, #tpu.memory_space<hbm>>
    %dma_start3A_765 = arith.constant 0 : i32
    %dma_start3A_766 = tpu.memref_slice %arg4[%select_n3A, %add3A_756, %dma_start3A_765] : memref<4x8192x768xf32, #tpu.memory_space<hbm>> -> memref<1x64x768xf32, #tpu.memory_space<hbm>>
    %dma_start3A_767 = tpu.memref_squeeze %dma_start3A_766 : memref<1x64x768xf32, #tpu.memory_space<hbm>> -> memref<64x768xf32, #tpu.memory_space<hbm>>
    %dma_start3A_768 = arith.constant 0 : i32
    %dma_start3A_769 = arith.constant 0 : i32
    %dma_start3A_770 = tpu.memref_slice %arg6[%dma_start3A_757, %dma_start3A_768, %dma_start3A_769] : memref<2x64x768xf32, #tpu.memory_space<vmem>> -> memref<1x64x768xf32, #tpu.memory_space<vmem>>
    %dma_start3A_771 = tpu.memref_squeeze %dma_start3A_770 : memref<1x64x768xf32, #tpu.memory_space<vmem>> -> memref<64x768xf32, #tpu.memory_space<vmem>>
    tpu.enqueue_dma source(%dma_start3A_771 : memref<64x768xf32, #tpu.memory_space<vmem>>) target(%dma_start3A_767 : memref<64x768xf32, #tpu.memory_space<hbm>>) target_semaphore(%arg10 : memref<!tpu.dma_semaphore, #tpu.memory_space<semaphore_mem>>)
    %dma_wait3A_772 = arith.constant 1 : i32
    %dma_wait3A_773 = arith.constant 0 : i32
    %dma_wait3A_774 = arith.constant 0 : i32
    %dma_wait3A_775 = tpu.memref_slice %arg6[%dma_wait3A_772, %dma_wait3A_773, %dma_wait3A_774] : memref<2x64x768xf32, #tpu.memory_space<vmem>> -> memref<1x64x768xf32, #tpu.memory_space<vmem>>
    %dma_wait3A_776 = tpu.memref_squeeze %dma_wait3A_775 : memref<1x64x768xf32, #tpu.memory_space<vmem>> -> memref<64x768xf32, #tpu.memory_space<vmem>>
    %dma_wait3A_777 = arith.constant 0 : i32
    %dma_wait3A_778 = tpu.memref_slice %arg4[%select_n3A, %add3A_756, %dma_wait3A_777] : memref<4x8192x768xf32, #tpu.memory_space<hbm>> -> memref<1x64x768xf32, #tpu.memory_space<hbm>>
    %dma_wait3A_779 = tpu.memref_squeeze %dma_wait3A_778 : memref<1x64x768xf32, #tpu.memory_space<hbm>> -> memref<64x768xf32, #tpu.memory_space<hbm>>
    %dma_wait3A_780 = arith.constant 0 : i32
    %dma_wait3A_781 = tpu.memref_slice %arg4[%select_n3A, %add3A_756, %dma_wait3A_780] : memref<4x8192x768xf32, #tpu.memory_space<hbm>> -> memref<1x64x768xf32, #tpu.memory_space<hbm>>
    %dma_wait3A_782 = tpu.memref_squeeze %dma_wait3A_781 : memref<1x64x768xf32, #tpu.memory_space<hbm>> -> memref<64x768xf32, #tpu.memory_space<hbm>>
    %dma_wait3A_783 = arith.constant 0 : i32
    %dma_wait3A_784 = arith.constant 0 : i32
    %dma_wait3A_785 = tpu.memref_slice %arg6[%dma_wait3A_772, %dma_wait3A_783, %dma_wait3A_784] : memref<2x64x768xf32, #tpu.memory_space<vmem>> -> memref<1x64x768xf32, #tpu.memory_space<vmem>>
    %dma_wait3A_786 = tpu.memref_squeeze %dma_wait3A_785 : memref<1x64x768xf32, #tpu.memory_space<vmem>> -> memref<64x768xf32, #tpu.memory_space<vmem>>
    tpu.wait_dma2 semaphore(%arg10 : memref<!tpu.dma_semaphore, #tpu.memory_space<semaphore_mem>>) src(%dma_wait3A_786 : memref<64x768xf32, #tpu.memory_space<vmem>>) dst(%dma_wait3A_782 : memref<64x768xf32, #tpu.memory_space<hbm>>)
    %dma_start3A_787 = arith.constant 1 : i32
    %dma_start3A_788 = arith.constant 0 : i32
    %dma_start3A_789 = arith.constant 0 : i32
    %dma_start3A_790 = tpu.memref_slice %arg6[%dma_start3A_787, %dma_start3A_788, %dma_start3A_789] : memref<2x64x768xf32, #tpu.memory_space<vmem>> -> memref<1x64x768xf32, #tpu.memory_space<vmem>>
    %dma_start3A_791 = tpu.memref_squeeze %dma_start3A_790 : memref<1x64x768xf32, #tpu.memory_space<vmem>> -> memref<64x768xf32, #tpu.memory_space<vmem>>
    %dma_start3A_792 = arith.constant 960 : i32
    %dma_start3A_793 = tpu.memref_slice %arg5[%dma_start3A_792] : memref<1024xi32, #tpu.memory_space<vmem>> -> memref<64xi32, #tpu.memory_space<vmem>>
    %dma_start3A_794 = arith.constant 0 : i32
    %dma_start3A_795 = arith.constant 0 : i32
    %dma_start3A_796 = tpu.memref_slice %arg3[%dma_start3A_794, %dma_start3A_795] : memref<100000x768xf32, #tpu.memory_space<hbm>> -> memref<100000x768xf32, #tpu.memory_space<hbm>>
    tpu.enqueue_indirect_dma source(%dma_start3A_796 : memref<100000x768xf32, #tpu.memory_space<hbm>>) target(%dma_start3A_791 : memref<64x768xf32, #tpu.memory_space<vmem>>) offsets(%dma_start3A_793 : memref<64xi32, #tpu.memory_space<vmem>>) semaphore(%arg8 : memref<!tpu.dma_semaphore, #tpu.memory_space<semaphore_mem>>)
    %dma_wait3A_797 = arith.constant 0 : i32
    %dma_wait3A_798 = arith.constant 0 : i32
    %dma_wait3A_799 = arith.constant 0 : i32
    %dma_wait3A_800 = tpu.memref_slice %arg6[%dma_wait3A_797, %dma_wait3A_798, %dma_wait3A_799] : memref<2x64x768xf32, #tpu.memory_space<vmem>> -> memref<1x64x768xf32, #tpu.memory_space<vmem>>
    %dma_wait3A_801 = tpu.memref_squeeze %dma_wait3A_800 : memref<1x64x768xf32, #tpu.memory_space<vmem>> -> memref<64x768xf32, #tpu.memory_space<vmem>>
    %dma_wait3A_802 = arith.constant 896 : i32
    %dma_wait3A_803 = tpu.memref_slice %arg5[%dma_wait3A_802] : memref<1024xi32, #tpu.memory_space<vmem>> -> memref<64xi32, #tpu.memory_space<vmem>>
    %dma_wait3A_804 = arith.constant 0 : i32
    %dma_wait3A_805 = arith.constant 0 : i32
    %dma_wait3A_806 = tpu.memref_slice %arg3[%dma_wait3A_804, %dma_wait3A_805] : memref<100000x768xf32, #tpu.memory_space<hbm>> -> memref<100000x768xf32, #tpu.memory_space<hbm>>
    tpu.wait_indirect_dma semaphore(%arg7 : memref<!tpu.dma_semaphore, #tpu.memory_space<semaphore_mem>>) src(%dma_wait3A_806 : memref<100000x768xf32, #tpu.memory_space<hbm>>) dst(%dma_wait3A_801 : memref<64x768xf32, #tpu.memory_space<vmem>>)
    %add3A_807 = arith.constant 896 : i32
    %add3A_808 = arith.addi %mul3A_32, %add3A_807 : i32
    %dma_start3A_809 = arith.constant 0 : i32
    %dma_start3A_810 = arith.constant 0 : i32
    %dma_start3A_811 = arith.constant 0 : i32
    %dma_start3A_812 = tpu.memref_slice %arg6[%dma_start3A_809, %dma_start3A_810, %dma_start3A_811] : memref<2x64x768xf32, #tpu.memory_space<vmem>> -> memref<1x64x768xf32, #tpu.memory_space<vmem>>
    %dma_start3A_813 = tpu.memref_squeeze %dma_start3A_812 : memref<1x64x768xf32, #tpu.memory_space<vmem>> -> memref<64x768xf32, #tpu.memory_space<vmem>>
    %dma_start3A_814 = arith.constant 0 : i32
    %dma_start3A_815 = tpu.memref_slice %arg4[%select_n3A, %add3A_808, %dma_start3A_814] : memref<4x8192x768xf32, #tpu.memory_space<hbm>> -> memref<1x64x768xf32, #tpu.memory_space<hbm>>
    %dma_start3A_816 = tpu.memref_squeeze %dma_start3A_815 : memref<1x64x768xf32, #tpu.memory_space<hbm>> -> memref<64x768xf32, #tpu.memory_space<hbm>>
    %dma_start3A_817 = arith.constant 0 : i32
    %dma_start3A_818 = tpu.memref_slice %arg4[%select_n3A, %add3A_808, %dma_start3A_817] : memref<4x8192x768xf32, #tpu.memory_space<hbm>> -> memref<1x64x768xf32, #tpu.memory_space<hbm>>
    %dma_start3A_819 = tpu.memref_squeeze %dma_start3A_818 : memref<1x64x768xf32, #tpu.memory_space<hbm>> -> memref<64x768xf32, #tpu.memory_space<hbm>>
    %dma_start3A_820 = arith.constant 0 : i32
    %dma_start3A_821 = arith.constant 0 : i32
    %dma_start3A_822 = tpu.memref_slice %arg6[%dma_start3A_809, %dma_start3A_820, %dma_start3A_821] : memref<2x64x768xf32, #tpu.memory_space<vmem>> -> memref<1x64x768xf32, #tpu.memory_space<vmem>>
    %dma_start3A_823 = tpu.memref_squeeze %dma_start3A_822 : memref<1x64x768xf32, #tpu.memory_space<vmem>> -> memref<64x768xf32, #tpu.memory_space<vmem>>
    tpu.enqueue_dma source(%dma_start3A_823 : memref<64x768xf32, #tpu.memory_space<vmem>>) target(%dma_start3A_819 : memref<64x768xf32, #tpu.memory_space<hbm>>) target_semaphore(%arg9 : memref<!tpu.dma_semaphore, #tpu.memory_space<semaphore_mem>>)
    %dma_wait3A_824 = arith.constant 1 : i32
    %dma_wait3A_825 = arith.constant 0 : i32
    %dma_wait3A_826 = arith.constant 0 : i32
    %dma_wait3A_827 = tpu.memref_slice %arg6[%dma_wait3A_824, %dma_wait3A_825, %dma_wait3A_826] : memref<2x64x768xf32, #tpu.memory_space<vmem>> -> memref<1x64x768xf32, #tpu.memory_space<vmem>>
    %dma_wait3A_828 = tpu.memref_squeeze %dma_wait3A_827 : memref<1x64x768xf32, #tpu.memory_space<vmem>> -> memref<64x768xf32, #tpu.memory_space<vmem>>
    %dma_wait3A_829 = arith.constant 960 : i32
    %dma_wait3A_830 = tpu.memref_slice %arg5[%dma_wait3A_829] : memref<1024xi32, #tpu.memory_space<vmem>> -> memref<64xi32, #tpu.memory_space<vmem>>
    %dma_wait3A_831 = arith.constant 0 : i32
    %dma_wait3A_832 = arith.constant 0 : i32
    %dma_wait3A_833 = tpu.memref_slice %arg3[%dma_wait3A_831, %dma_wait3A_832] : memref<100000x768xf32, #tpu.memory_space<hbm>> -> memref<100000x768xf32, #tpu.memory_space<hbm>>
    tpu.wait_indirect_dma semaphore(%arg8 : memref<!tpu.dma_semaphore, #tpu.memory_space<semaphore_mem>>) src(%dma_wait3A_833 : memref<100000x768xf32, #tpu.memory_space<hbm>>) dst(%dma_wait3A_828 : memref<64x768xf32, #tpu.memory_space<vmem>>)
    %add3A_834 = arith.constant 960 : i32
    %add3A_835 = arith.addi %mul3A_32, %add3A_834 : i32
    %dma_start3A_836 = arith.constant 1 : i32
    %dma_start3A_837 = arith.constant 0 : i32
    %dma_start3A_838 = arith.constant 0 : i32
    %dma_start3A_839 = tpu.memref_slice %arg6[%dma_start3A_836, %dma_start3A_837, %dma_start3A_838] : memref<2x64x768xf32, #tpu.memory_space<vmem>> -> memref<1x64x768xf32, #tpu.memory_space<vmem>>
    %dma_start3A_840 = tpu.memref_squeeze %dma_start3A_839 : memref<1x64x768xf32, #tpu.memory_space<vmem>> -> memref<64x768xf32, #tpu.memory_space<vmem>>
    %dma_start3A_841 = arith.constant 0 : i32
    %dma_start3A_842 = tpu.memref_slice %arg4[%select_n3A, %add3A_835, %dma_start3A_841] : memref<4x8192x768xf32, #tpu.memory_space<hbm>> -> memref<1x64x768xf32, #tpu.memory_space<hbm>>
    %dma_start3A_843 = tpu.memref_squeeze %dma_start3A_842 : memref<1x64x768xf32, #tpu.memory_space<hbm>> -> memref<64x768xf32, #tpu.memory_space<hbm>>
    %dma_start3A_844 = arith.constant 0 : i32
    %dma_start3A_845 = tpu.memref_slice %arg4[%select_n3A, %add3A_835, %dma_start3A_844] : memref<4x8192x768xf32, #tpu.memory_space<hbm>> -> memref<1x64x768xf32, #tpu.memory_space<hbm>>
    %dma_start3A_846 = tpu.memref_squeeze %dma_start3A_845 : memref<1x64x768xf32, #tpu.memory_space<hbm>> -> memref<64x768xf32, #tpu.memory_space<hbm>>
    %dma_start3A_847 = arith.constant 0 : i32
    %dma_start3A_848 = arith.constant 0 : i32
    %dma_start3A_849 = tpu.memref_slice %arg6[%dma_start3A_836, %dma_start3A_847, %dma_start3A_848] : memref<2x64x768xf32, #tpu.memory_space<vmem>> -> memref<1x64x768xf32, #tpu.memory_space<vmem>>
    %dma_start3A_850 = tpu.memref_squeeze %dma_start3A_849 : memref<1x64x768xf32, #tpu.memory_space<vmem>> -> memref<64x768xf32, #tpu.memory_space<vmem>>
    tpu.enqueue_dma source(%dma_start3A_850 : memref<64x768xf32, #tpu.memory_space<vmem>>) target(%dma_start3A_846 : memref<64x768xf32, #tpu.memory_space<hbm>>) target_semaphore(%arg10 : memref<!tpu.dma_semaphore, #tpu.memory_space<semaphore_mem>>)
    %dma_wait3A_851 = arith.constant 0 : i32
    %dma_wait3A_852 = arith.constant 0 : i32
    %dma_wait3A_853 = arith.constant 0 : i32
    %dma_wait3A_854 = tpu.memref_slice %arg6[%dma_wait3A_851, %dma_wait3A_852, %dma_wait3A_853] : memref<2x64x768xf32, #tpu.memory_space<vmem>> -> memref<1x64x768xf32, #tpu.memory_space<vmem>>
    %dma_wait3A_855 = tpu.memref_squeeze %dma_wait3A_854 : memref<1x64x768xf32, #tpu.memory_space<vmem>> -> memref<64x768xf32, #tpu.memory_space<vmem>>
    %dma_wait3A_856 = arith.constant 0 : i32
    %dma_wait3A_857 = tpu.memref_slice %arg4[%select_n3A, %add3A_808, %dma_wait3A_856] : memref<4x8192x768xf32, #tpu.memory_space<hbm>> -> memref<1x64x768xf32, #tpu.memory_space<hbm>>
    %dma_wait3A_858 = tpu.memref_squeeze %dma_wait3A_857 : memref<1x64x768xf32, #tpu.memory_space<hbm>> -> memref<64x768xf32, #tpu.memory_space<hbm>>
    %dma_wait3A_859 = arith.constant 0 : i32
    %dma_wait3A_860 = tpu.memref_slice %arg4[%select_n3A, %add3A_808, %dma_wait3A_859] : memref<4x8192x768xf32, #tpu.memory_space<hbm>> -> memref<1x64x768xf32, #tpu.memory_space<hbm>>
    %dma_wait3A_861 = tpu.memref_squeeze %dma_wait3A_860 : memref<1x64x768xf32, #tpu.memory_space<hbm>> -> memref<64x768xf32, #tpu.memory_space<hbm>>
    %dma_wait3A_862 = arith.constant 0 : i32
    %dma_wait3A_863 = arith.constant 0 : i32
    %dma_wait3A_864 = tpu.memref_slice %arg6[%dma_wait3A_851, %dma_wait3A_862, %dma_wait3A_863] : memref<2x64x768xf32, #tpu.memory_space<vmem>> -> memref<1x64x768xf32, #tpu.memory_space<vmem>>
    %dma_wait3A_865 = tpu.memref_squeeze %dma_wait3A_864 : memref<1x64x768xf32, #tpu.memory_space<vmem>> -> memref<64x768xf32, #tpu.memory_space<vmem>>
    tpu.wait_dma2 semaphore(%arg9 : memref<!tpu.dma_semaphore, #tpu.memory_space<semaphore_mem>>) src(%dma_wait3A_865 : memref<64x768xf32, #tpu.memory_space<vmem>>) dst(%dma_wait3A_861 : memref<64x768xf32, #tpu.memory_space<hbm>>)
    %dma_wait3A_866 = arith.constant 1 : i32
    %dma_wait3A_867 = arith.constant 0 : i32
    %dma_wait3A_868 = arith.constant 0 : i32
    %dma_wait3A_869 = tpu.memref_slice %arg6[%dma_wait3A_866, %dma_wait3A_867, %dma_wait3A_868] : memref<2x64x768xf32, #tpu.memory_space<vmem>> -> memref<1x64x768xf32, #tpu.memory_space<vmem>>
    %dma_wait3A_870 = tpu.memref_squeeze %dma_wait3A_869 : memref<1x64x768xf32, #tpu.memory_space<vmem>> -> memref<64x768xf32, #tpu.memory_space<vmem>>
    %dma_wait3A_871 = arith.constant 0 : i32
    %dma_wait3A_872 = tpu.memref_slice %arg4[%select_n3A, %add3A_835, %dma_wait3A_871] : memref<4x8192x768xf32, #tpu.memory_space<hbm>> -> memref<1x64x768xf32, #tpu.memory_space<hbm>>
    %dma_wait3A_873 = tpu.memref_squeeze %dma_wait3A_872 : memref<1x64x768xf32, #tpu.memory_space<hbm>> -> memref<64x768xf32, #tpu.memory_space<hbm>>
    %dma_wait3A_874 = arith.constant 0 : i32
    %dma_wait3A_875 = tpu.memref_slice %arg4[%select_n3A, %add3A_835, %dma_wait3A_874] : memref<4x8192x768xf32, #tpu.memory_space<hbm>> -> memref<1x64x768xf32, #tpu.memory_space<hbm>>
    %dma_wait3A_876 = tpu.memref_squeeze %dma_wait3A_875 : memref<1x64x768xf32, #tpu.memory_space<hbm>> -> memref<64x768xf32, #tpu.memory_space<hbm>>
    %dma_wait3A_877 = arith.constant 0 : i32
    %dma_wait3A_878 = arith.constant 0 : i32
    %dma_wait3A_879 = tpu.memref_slice %arg6[%dma_wait3A_866, %dma_wait3A_877, %dma_wait3A_878] : memref<2x64x768xf32, #tpu.memory_space<vmem>> -> memref<1x64x768xf32, #tpu.memory_space<vmem>>
    %dma_wait3A_880 = tpu.memref_squeeze %dma_wait3A_879 : memref<1x64x768xf32, #tpu.memory_space<vmem>> -> memref<64x768xf32, #tpu.memory_space<vmem>>
    tpu.wait_dma2 semaphore(%arg10 : memref<!tpu.dma_semaphore, #tpu.memory_space<semaphore_mem>>) src(%dma_wait3A_880 : memref<64x768xf32, #tpu.memory_space<vmem>>) dst(%dma_wait3A_876 : memref<64x768xf32, #tpu.memory_space<hbm>>)
    return
  }
}

</mosaic_0001>

<sc_bundles>
// kernel: kernel.3.cloned.1.call-start
scs
__scs_entry_jumppad:
0x0: {  	(pc) =	sbr.rel $0x88, $3  }
0x1: {  	(tag) =	ssettag $0x0;
	lr =	simm.s32 $0x1  }
0x2: {  	[smem:$0x3F9F] =	sst lr;
	_ =	strace $0xD0000000  }
0x3: {  	_ = 	snop  }
0x4: {  	_ = 	snop  }
0x5: {  	_ = 	snop  }
0x6: {  	_ = 	snop  }
0x7: {  	_ = 	snop  }
__scs_overlays_trampoline_lowered:
0x8: {  	[smem:$0x3FAE] =	sst s0  }
0x9: {  	[smem:$0x3FAF] =	sst s1  }
0xa: {  	[smem:$0x3FB0] =	sst s2  }
0xb: {  	[smem:$0x3FB1] =	sst s3  }
0xc: {  	[smem:$0x3FB2] =	sst s4  }
0xd: {  	[smem:$0x3FB3] =	sst s5  }
0xe: {  	[smem:$0x3FB4] =	sst s6  }
0xf: {  	[smem:$0x3FB5] =	sst s7  }
0x10: {  	[smem:$0x3FB6] =	sst s8  }
0x11: {  	[smem:$0x3FB7] =	sst s9;
	s0 =	simm.s32 @!p0 $0x0  }
0x12: {  	s1 =	sld [smem:$0x3F9D];
	s0 =	simm.s32 @p0 $0x1  }
0x13: {  	[smem:$0x3FB8] =	sst s0;
	s0 =	simm.s32 @!p1 $0x0  }
0x14: {  	s2 =	sld [smem:$0x3F9C];
	s0 =	simm.s32 @p1 $0x1  }
0x15: {  	[smem:$0x3FB9] =	sst s0;
	s0 =	simm.s32 @!p2 $0x0  }
0x16: {  	s3 =	sld [smem:$0x3FDB];
	s0 =	simm.s32 @p2 $0x1  }
0x17: {  	s4 =	simm.s32 $0x1BF5;
	[smem:$0x3FBB] =	sst s0  }
0x18: {  	s0 =	sld [smem:$0x3F9E];
	_ =	swait.ge [sflag:s4], $0x0  }
0x19: {  	s7 =	sld [smem:$0x3F9F]  }
0x1a: {  	s8 =	sadd.s32 $0xFFFFE003, lr  }
0x1b: {  	s9 =	sadd.s32 $0xFFFFFEF7, lr;
	s5 =	simm.s32 $0xFFFFFFFF;
	p2 =	slt.u32 s8, $0xFFFFF086  }
0x1c: {  	p1 =	slt.u32 s9, $0xF7A;
	s5 =	simm.s32 @!p2 $0x0  }
0x1d: {  	s5 =	simm.s32 @p1 $0x1;
	p0 =	seq.s32 s7, s2  }
0x1e: {  	s7 =	smul.u32 @!p0 $0xF7A, s2;
	p2 =	seq.s32 @!p0 s5, $0x0  }
0x1f: {  	s9 =	smul.u32 $0xF7A, s1;
	s8 =	simm.s32 @!p0 $0x1BF5;
	p2 =	por !p2, p0  }
0x20: {  	[sflag:s8] =	ssyncset.s32 @!p0 $0xFFFFF086;
	s6 =	sadd.s32 @!p0 s3, s7;
	s7 =	simm.s32 @!p0 $0x108  }
0x21: {  	s3 =	sadd.s32 s3, s9;
	s6 =	sadd.s32 @!p0 $0x88, s6;
	s7 =	simm.s32 @p2 $0x1082  }
0x22: {  	[simem:s7], [sflag:s8] =	dma.local @!p0 [hbm:s6], $0xF7A  }
0x23: {  	s9 =	sor.u32 $0xD0000000, s2;
	s6 =	simm.s32 $0x108;
	_ =	swait.ge @!p0 [sflag:s8], $0x0  }
0x24: {  	s3 =	sadd.s32 $0x88, s3;
	s6 =	simm.s32 @!p1 $0x1082;
	[sflag:s4] =	ssyncset.s32 $0xFFFFF086  }
0x25: {  	[simem:s6], [sflag:s4] =	dma.local [hbm:s3], $0xF7A  }
0x26: {  	[smem:$0x3F9F] =	sst s1;
	(tag) =	ssettag s2;
	_ =	strace s9  }
0x27: {  	s1 =	sld [smem:$0x3FAF]  }
0x28: {  	s2 =	sld [smem:$0x3FB0]  }
0x29: {  	s4 =	sld [smem:$0x3FB2]  }
0x2a: {  	p0 =	seq.s32 s5, $0x0;
	s5 =	sld [smem:$0x3FB3]  }
0x2b: {  	s6 =	sld [smem:$0x3FB4]  }
0x2c: {  	s7 =	sld [smem:$0x3FB5]  }
0x2d: {  	s3 =	simm.s32 $0x108;
	s8 =	sld [smem:$0x3FB6]  }
0x2e: {  	s3 =	simm.s32 @!p0 $0x1082;
	s9 =	sld [smem:$0x3FB7]  }
0x2f: {  	lr =	sadd.s32 s0, s3;
	s0 =	sld [smem:$0x3FAE]  }
0x30: {  	s3 =	sld [smem:$0x3FB1]  }
0x31: {  	[smem:$0x3FBA] =	sst s10  }
0x32: {  	s10 =	sld [smem:$0x3FB8];
	_ =	sdelay $0x3  }
0x33: {  	p0 =	seq.s32 s10, $0x1;
	s10 =	sld [smem:$0x3FBA];
	_ =	sdelay $0x3  }
0x34: {  	[smem:$0x3FBA] =	sst s10  }
0x35: {  	s10 =	sld [smem:$0x3FB9];
	_ =	sdelay $0x3  }
0x36: {  	p1 =	seq.s32 s10, $0x1;
	s10 =	sld [smem:$0x3FBA];
	_ =	sdelay $0x3  }
0x37: {  	[smem:$0x3FBA] =	sst s10  }
0x38: {  	s10 =	sld [smem:$0x3FBB]  }
0x39: {  	_ = 	snop;
	(pc) =	sbr.ind lr, $3  }
0x3a: {  	_ = 	snop  }
0x3b: {  	_ = 	snop  }
0x3c: {  	p2 =	seq.s32 s10, $0x1;
	s10 =	sld [smem:$0x3FBA]  }
0x3d: {  	_ =	shalt  }
0x3e: {  	_ =	shalt  }
0x3f: {  	_ =	shalt  }
0x40: {  	_ =	shalt  }
0x41: {  	_ =	shalt  }
0x42: {  	_ =	shalt  }
0x43: {  	_ =	shalt  }
0x44: {  	_ =	shalt  }
0x45: {  	_ =	shalt  }
0x46: {  	_ =	shalt  }
0x47: {  	_ =	shalt  }
0x48: {  	_ =	shalt  }
0x49: {  	_ =	shalt  }
0x4a: {  	_ =	shalt  }
0x4b: {  	_ =	shalt  }
0x4c: {  	_ =	shalt  }
0x4d: {  	_ =	shalt  }
0x4e: {  	_ =	shalt  }
0x4f: {  	_ =	shalt  }
0x50: {  	_ =	shalt  }
0x51: {  	_ =	shalt  }
0x52: {  	_ =	shalt  }
0x53: {  	_ =	shalt  }
0x54: {  	_ =	shalt  }
0x55: {  	_ =	shalt  }
0x56: {  	_ =	shalt  }
0x57: {  	_ =	shalt  }
0x58: {  	_ =	shalt  }
0x59: {  	_ =	shalt  }
0x5a: {  	_ =	shalt  }
0x5b: {  	_ =	shalt  }
0x5c: {  	_ =	shalt  }
0x5d: {  	_ =	shalt  }
0x5e: {  	_ =	shalt  }
0x5f: {  	_ =	shalt  }
0x60: {  	_ =	shalt  }
0x61: {  	_ =	shalt  }
0x62: {  	_ =	shalt  }
0x63: {  	_ =	shalt  }
0x64: {  	_ =	shalt  }
0x65: {  	_ =	shalt  }
0x66: {  	_ =	shalt  }
0x67: {  	_ =	shalt  }
0x68: {  	_ =	shalt  }
0x69: {  	_ =	shalt  }
0x6a: {  	_ =	shalt  }
0x6b: {  	_ =	shalt  }
0x6c: {  	_ =	shalt  }
0x6d: {  	_ =	shalt  }
0x6e: {  	_ =	shalt  }
0x6f: {  	_ =	shalt  }
0x70: {  	_ =	shalt  }
0x71: {  	_ =	shalt  }
0x72: {  	_ =	shalt  }
0x73: {  	_ =	shalt  }
0x74: {  	_ =	shalt  }
0x75: {  	_ =	shalt  }
0x76: {  	_ =	shalt  }
0x77: {  	_ =	shalt  }
0x78: {  	_ =	shalt  }
0x79: {  	_ =	shalt  }
0x7a: {  	_ =	shalt  }
0x7b: {  	_ =	shalt  }
0x7c: {  	_ =	shalt  }
0x7d: {  	_ =	shalt  }
0x7e: {  	_ =	shalt  }
0x7f: {  	_ =	shalt  }
0x80: {  	_ =	shalt  }
0x81: {  	_ =	shalt  }
0x82: {  	_ =	shalt  }
0x83: {  	_ =	shalt  }
0x84: {  	_ =	shalt  }
0x85: {  	_ =	shalt  }
0x86: {  	_ =	shalt  }
0x87: {  	_ =	shalt  }
.Lfunc_end0:
.L_simem_size_0:
called_computation_lowered:
.L_overlay_start_0:
0x88: {  	s2 =	sld [smem:$0x3FD9]  }
0x89: {  	s3 =	sld [smem:$0x3FFE];
	_ =	sdelay $0x1  }
0x8a: {  	s1 =	srdreg.scid  }
0x8b: {  	s0 =	sand.u32 $0x1, s1  }
0x8c: {  	s18 =	sshll.u32 s0, $0xA;
	s2 =	sadd.s32 s3, s2  }
0x8d: {  	s2 =	sadd.s32 s2, s18  }
0x8e: {  	[smem:$0x3FC6] =	sst s2  }
0x8f: {  	_ = 	snop  }
0x90: {  	s2 =	sld [smem:$0x3FC9]  }
0x91: {  	s19 =	sld [smem:$0x3FC8]  }
0x92: {  	s4 =	sld [smem:$0x3FD0];
	(tm) =	ssettm $0x1  }
0x93: {  	s5 =	sld [smem:$0x3FFB];
	_ =	sdelay $0x3  }
0x94: {  	_ =	strace s5  }
0x95: {  	s5 =	sld [smem:$0x3FFC];
	_ =	sdelay $0x3  }
0x96: {  	_ =	strace s5  }
0x97: {  	s5 =	sld [smem:$0x3FFD];
	_ =	sdelay $0x3  }
0x98: {  	_ =	strace s5  }
0x99: {  	_ =	strace $0x8FFFFFFF  }
0x9a: {  	s20 =	sld [smem:$0x3FDB];
	_ =	sdelay $0x1  }
0x9b: {  	s6 =	simm.s32 $_scs_section_size  }
0x9c: {  	s7 =	simm.s32 $_size__tile_overlayer_lowered;
	s8 =	simm.s32 $_tile_overlayer_lowered  }
0x9d: {  	s23 =	simm.s32 $0x1BFF;
	s22 =	sshll.u32 s8, $0x1;
	s5 =	sadd.s32 s6, s20  }
0x9e: {  	s9 =	simm.s32 $0x0;
	s21 =	sshll.u32 s7, $0x1;
	s7 =	sadd.s32 s22, s5  }
0x9f: {  	[timem:s9], [sflag:s23] =	dma.local [hbm:s7], s21  }
0xa0: {  	_ =	swait.ge [sflag:s23], s21  }
0xa1: {  	s6 =	ssub.s32 $0x0, s21;
	[sflag:s23] =	ssyncset.done $0x0  }
0xa2: {  	[sflag:s23] =	ssyncadd.s32 s6;
	_ =	sdelay $0x1  }
0xa3: {  	s24 =	simm.s32 $0x1B8B  }
0xa4: {  	_ =	swait.ge [sflag:s24], $0x1  }
0xa5: {  	[sflag:s24] =	ssyncset.done $0x0  }
0xa6: {  	s25 =	simm.s32 $0x1B8E;
	[sflag:s24] =	ssyncadd.s32 $0xFFFFFFFF  }
0xa7: {  	s26 =	simm.s32 $execute0_lowered;
	[smem:$0x3FD2] =	sst s25  }
0xa8: {  	s6 =	sshll.u32 s26, $0x1;
	_ =	strace $0x80000046;
	[dreg:$0x1] =	wrdreg $0xFFFFFFFF  }
0xa9: {  	s28 =	simm.s32 $_size_execute0_lowered;
	s5 =	sadd.s32 s5, s6;
	[dreg:$0x0] =	wrdreg $0x0  }
0xaa: {  	s6 =	sshll.u32 s28, $0x1;
	[dreg:$0x2] =	wrdreg s5  }
0xab: {  	[dreg:$0x3] =	wrdreg s6  }
0xac: {  	[dreg:$0x4] =	wrdreg $0xC0  }
0xad: {  	_ =	task [dreg:s9], $0x5FFFF  }
0xae: {  	[dreg:$0x1] =	wrdreg $0xFFFFFFFF  }
0xaf: {  	[dreg:$0x0] =	wrdreg $0x60  }
0xb0: {  	[dreg:$0x2] =	wrdreg s2  }
0xb1: {  	[dreg:$0x3] =	wrdreg s19  }
0xb2: {  	[dreg:$0x4] =	wrdreg s4  }
0xb3: {  	[dreg:$0x5] =	wrdreg $0x9  }
0xb4: {  	_ =	task.clear_ibuf [dreg:s9], $0x6FFFF;
	_ =	strace $0x90000046  }
0xb5: {  	s29 =	simm.s32 $0x9;
	_ =	strace $0x80000048  }
0xb6: {  	_ =	swait.ge [sflag:s29], $0x1  }
0xb7: {  	[sflag:s29] =	ssyncadd.s32 $0xFFFFFFFF  }
0xb8: {  	_ =	strace $0x90000048  }
0xb9: {  	_ =	sfence  }
0xba: {  	s30 =	sld [smem:$0x0];
	_ =	sdelay $0x2  }
0xbb: {  	s31 =	sshll.u32 s1, $0xD;
	s1 =	sshrl.u32 s1, $0x2  }
0xbc: {  	s3 =	sand.u32 $0x4000, s31;
	s1 =	sadd.s32 s1, s30  }
0xbd: {  	s0 =	sor.u32 s3, s0;
	s1 =	sshll.u32 s1, $0x11  }
0xbe: {  	s0 =	sor.u32 s1, s0  }
0xbf: {  	s0 =	sadd.s32 $0x8F2B, s0  }
0xc0: {  	[sflag:s0] =	ssyncadd.remote.s32 $0x1  }
0xc1: {  	_ =	sfence.sel $0xFFFF  }
0xc2: {  	[dreg:$0x0] =	wrdreg $0xFFFFFFFF;
	(pc) =	sbr.abs _section_cstart, $3  }
0xc3: {  	[dreg:$0x1] =	wrdreg $0xFFFFFFFF  }
0xc4: {  	_ =	task.clear_ibuf [dreg:s9], $0x2FFFF;
	_ =	strace $0x9FFFFFFF  }
0xc5: {  	(tm) =	ssettm $0x7FFFFFFF  }
tec
execute0_lowered:
.L_overlay_start_1:
0x0: {  	(tag) =	ssettag $0x1  }
0x1: {  	s0 =	rddreg [dreg:$0x0]  }
0x2: {  	s2 =	rddreg [dreg:$0x1]  }
0x3: {  	s1 =	rddreg [dreg:$0x2];
	s6 =	stileid.u32  }
0x4: {  	s4 =	srdreg.scid;
	s3 =	simm.s32 $0x0;
	s30 =	simm.s32 $0x200  }
0x5: {  	s5 =	sshll.u32 s6, $0x1;
	s4 =	sand.u32 $0x1, s4;
	[smem:$0x7FF] =	sst s3  }
0x6: {  	s6 =	sshrl.u32 s6, $0x2;
	s5 =	sand.u32 $0x6, s5;
	_ =	strace $0x80000047  }
0x7: {  	s8 =	sshll.u32 s6, $0x7;
	s6 =	smul.u32 $0x600000, s6;
	s5 =	sor.u32 s4, s5  }
0x8: {  	s7 =	sshll.u32 s5, $0xC;
	s9 =	sshll.u32 s5, $0xA;
	s5 =	smul.u32 $0xC0000, s5  }
0x9: {  	[dreg:$0x15] =	wrdreg s30;
	s7 =	sor.u32 s8, s7;
	s9 =	sor.u32 $0x80, s9  }
0xa: {  	s7 =	sshrl.u32 s7, $0x3;
	s10 =	sshll.u32 s9, $0x2;
	s5 =	sadd.s32 s6, s5  }
0xb: {  	s7 =	sadd.s32 s0, s7;
	s8 =	sor.u32 s8, s10;
	s5 =	sshrl.u32 s5, $0x3  }
0xc: {  	[dreg:$0x4] =	wrdreg s7;
	s10 =	sshrl.u32 s8, $0x3;
	s11 =	sadd.s32 s1, s5  }
0xd: {  	s0 =	sadd.s32 s0, s10;
	[dreg:$0x16] =	wrdreg s11  }
0xe: {  	s13 =	sadd.s32 $0x1800, s11;
	[dreg:$0x5] =	wrdreg s0  }
0xf: {  	s15 =	sadd.s32 $0x4800, s11;
	[dreg:$0x6] =	wrdreg s13  }
0x10: {  	s16 =	sadd.s32 $0x6000, s11;
	[dreg:$0x8] =	wrdreg s15  }
0x11: {  	s17 =	sadd.s32 $0x7800, s11;
	[dreg:$0x9] =	wrdreg s16  }
0x12: {  	s31 =	simm.s32 $0x400;
	s18 =	sadd.s32 $0x9000, s11;
	[dreg:$0xa] =	wrdreg s17  }
0x13: {  	s25 =	ssub.s32 $0x2, s4;
	s19 =	sadd.s32 $0xA800, s11;
	[dreg:$0xb] =	wrdreg s18  }
0x14: {  	s4 =	sshrl.u32 s25, $0x1;
	s20 =	sadd.s32 $0xC000, s11;
	[dreg:$0xc] =	wrdreg s19  }
0x15: {  	s9 =	sshrl.u32 s9, $0x3;
	s21 =	sadd.s32 $0xD800, s11;
	[dreg:$0xd] =	wrdreg s20  }
0x16: {  	s9 =	smul.u32 $0x1800, s9;
	s22 =	sadd.s32 $0xF000, s11;
	[dreg:$0xe] =	wrdreg s21  }
0x17: {  	s8 =	simm.s32 $0x3;
	s23 =	sadd.s32 $0x10800, s11;
	[dreg:$0xf] =	wrdreg s22  }
0x18: {  	s12 =	sadd.s32 s6, s9;
	s24 =	sadd.s32 $0x12000, s11;
	[dreg:$0x10] =	wrdreg s23  }
0x19: {  	s26 =	sadd.s32 $0x13800, s11;
	s28 =	sadd.s32 $0x15000, s11;
	[dreg:$0x11] =	wrdreg s24  }
0x1a: {  	s29 =	sadd.s32 $0x16800, s11;
	s6 =	sadd.s32 $0x200, s2;
	[dreg:$0x12] =	wrdreg s26  }
0x1b: {  	s10 =	simm.s32 $0x4;
	s5 =	sshrl.u32 s12, $0x3;
	[dreg:$0x13] =	wrdreg s28  }
0x1c: {  	v2 =	vlaneseq.u32;
	s11 =	simm.s32 $0x2;
	[dreg:$0x14] =	wrdreg s29;
	s14 =	sadd.s32 s1, s5  }
0x1d: {  	vm0 =	vmmov $0xffff;
	v1 =	vshrl.u32 v2, $0x3;
	s1 =	ssub.s32 s25, s4;
	s5 =	sadd.s32 $0x100, s2;
	s4 =	simm.s32 $0xC400  }
0x1e: {  	v0 =	vand.u32 $0x7, v2;
	v2 =	vor.u32 $0x8, v2;
	v1 =	vmul.u32 $0x8, v1;
	[dreg:$0x7] =	wrdreg s14;
	s7 =	smax.u32 s1, $0x1;
	s1 =	simm.s32 $0x1  }
.LBB2_1:
0x1f: {  	[dreg:$0x17] =	wrdreg s7  }
0x20: {  	s12 =	rddreg [dreg:$0x4];
	s23 =	simm.s32 $0x5  }
0x21: {  	[tilespmem:s3], [sflag:$0x5] =	stream.linear.gather [hbm4b:s12+s3], $0x80, $0x38;
	[tilespmem:$0x18400] =	vst v63  }
0x22: {  	_ =	swait.ge [sflag:s23], $0x80  }
0x23: {  	[sflag:s23] =	ssyncset.done $0x0  }
0x24: {  	[sflag:s23] =	ssyncadd.s32 $0xFFFFFF80  }
0x25: {  	v3 =	vld [tilespmem:$0x0];
	_ =	sdelay $0x4  }
0x26: {  	v4 =	vshrl.u32 v3, $0x3  }
0x27: {  	v4 =	vmul.u32 $0x30, v4  }
0x28: {  	v3 =	vand.u32 $0x7, v3  }
0x29: {  	v3 =	vor.u32 v3, v4  }
0x2a: {  	v4 =	vperm.xlane v3, v0;
	_ =	sdelay $0x1  }
0x2b: {  	v4 =	vadd.s32 v1, v4;
	_ =	sdelay $0x3  }
0x2c: {  	v3 =	vperm.xlane v3, v2  }
0x2d: {  	[tilespmem:s31], [sflag:$0x1] =	stream.indirect_vreg.gather [hbm4b:s2+s3], $0x80, v4, vm0, $0xb8;
	[tilespmem:$0x18400] =	vst v63  }
0x2e: {  	s0 =	simm.s32 $0xC00;
	v3 =	vadd.s32 v1, v3  }
0x2f: {  	[tilespmem:s0], [sflag:$0x1] =	stream.indirect_vreg.gather [hbm4b:s5+s3], $0x80, v4, vm0, $0xb8;
	[tilespmem:$0x18400] =	vst v63  }
0x30: {  	s24 =	simm.s32 $0x1400  }
0x31: {  	[tilespmem:s24], [sflag:$0x1] =	stream.indirect_vreg.gather [hbm4b:s6+s3], $0x80, v4, vm0, $0xb8;
	[tilespmem:$0x18400] =	vst v63  }
0x32: {  	s25 =	simm.s32 $0x1C00  }
0x33: {  	[tilespmem:s25], [sflag:$0x1] =	stream.indirect_vreg.gather [hbm4b:s2+s3], $0x80, v3, vm0, $0xb8;
	[tilespmem:$0x18400] =	vst v63  }
0x34: {  	s28 =	simm.s32 $0x2400  }
0x35: {  	[tilespmem:s28], [sflag:$0x1] =	stream.indirect_vreg.gather [hbm4b:s5+s3], $0x80, v3, vm0, $0xb8;
	[tilespmem:$0x18400] =	vst v63  }
0x36: {  	s29 =	simm.s32 $0x2C00  }
0x37: {  	[tilespmem:s29], [sflag:$0x1] =	stream.indirect_vreg.gather [hbm4b:s6+s3], $0x80, v3, vm0, $0xb8;
	[tilespmem:$0x18400] =	vst v63  }
0x38: {  	v3 =	vld [tilespmem:$0x10];
	_ =	sdelay $0x4  }
0x39: {  	v57 =	vshrl.u32 v3, $0x3  }
0x3a: {  	v4 =	vmul.u32 $0x30, v57  }
0x3b: {  	v3 =	vand.u32 $0x7, v3  }
0x3c: {  	v3 =	vor.u32 v3, v4  }
0x3d: {  	v4 =	vperm.xlane v3, v0;
	_ =	sdelay $0x1  }
0x3e: {  	v4 =	vadd.s32 v1, v4;
	_ =	sdelay $0x3  }
0x3f: {  	s30 =	simm.s32 $0x3400;
	v3 =	vperm.xlane v3, v2  }
0x40: {  	[tilespmem:s30], [sflag:$0x1] =	stream.indirect_vreg.gather [hbm4b:s2+s3], $0x80, v4, vm0, $0xb8;
	[tilespmem:$0x18400] =	vst v63  }
0x41: {  	s7 =	simm.s32 $0x3C00;
	v3 =	vadd.s32 v1, v3  }
0x42: {  	[tilespmem:s7], [sflag:$0x1] =	stream.indirect_vreg.gather [hbm4b:s5+s3], $0x80, v4, vm0, $0xb8;
	[tilespmem:$0x18400] =	vst v63  }
0x43: {  	s9 =	simm.s32 $0x4400  }
0x44: {  	[tilespmem:s9], [sflag:$0x1] =	stream.indirect_vreg.gather [hbm4b:s6+s3], $0x80, v4, vm0, $0xb8;
	[tilespmem:$0x18400] =	vst v63  }
0x45: {  	s12 =	simm.s32 $0x4C00  }
0x46: {  	[tilespmem:s12], [sflag:$0x1] =	stream.indirect_vreg.gather [hbm4b:s2+s3], $0x80, v3, vm0, $0xb8;
	[tilespmem:$0x18400] =	vst v63  }
0x47: {  	s13 =	simm.s32 $0x5400  }
0x48: {  	[tilespmem:s13], [sflag:$0x1] =	stream.indirect_vreg.gather [hbm4b:s5+s3], $0x80, v3, vm0, $0xb8;
	[tilespmem:$0x18400] =	vst v63  }
0x49: {  	s14 =	simm.s32 $0x5C00  }
0x4a: {  	[tilespmem:s14], [sflag:$0x1] =	stream.indirect_vreg.gather [hbm4b:s6+s3], $0x80, v3, vm0, $0xb8;
	[tilespmem:$0x18400] =	vst v63  }
0x4b: {  	v3 =	vld [tilespmem:$0x20];
	_ =	sdelay $0x4  }
0x4c: {  	v58 =	vshrl.u32 v3, $0x3  }
0x4d: {  	v4 =	vmul.u32 $0x30, v58  }
0x4e: {  	v3 =	vand.u32 $0x7, v3  }
0x4f: {  	v3 =	vor.u32 v3, v4  }
0x50: {  	v4 =	vperm.xlane v3, v0;
	_ =	sdelay $0x1  }
0x51: {  	v4 =	vadd.s32 v1, v4;
	_ =	sdelay $0x3  }
0x52: {  	s15 =	simm.s32 $0x6400;
	v3 =	vperm.xlane v3, v2  }
0x53: {  	[tilespmem:s15], [sflag:$0x1] =	stream.indirect_vreg.gather [hbm4b:s2+s3], $0x80, v4, vm0, $0xb8;
	[tilespmem:$0x18400] =	vst v63  }
0x54: {  	s18 =	simm.s32 $0x6C00;
	v3 =	vadd.s32 v1, v3  }
0x55: {  	[tilespmem:s18], [sflag:$0x1] =	stream.indirect_vreg.gather [hbm4b:s5+s3], $0x80, v4, vm0, $0xb8;
	[tilespmem:$0x18400] =	vst v63  }
0x56: {  	s19 =	simm.s32 $0x7400  }
0x57: {  	[tilespmem:s19], [sflag:$0x1] =	stream.indirect_vreg.gather [hbm4b:s6+s3], $0x80, v4, vm0, $0xb8;
	[tilespmem:$0x18400] =	vst v63  }
0x58: {  	s22 =	simm.s32 $0x7C00  }
0x59: {  	[tilespmem:s22], [sflag:$0x1] =	stream.indirect_vreg.gather [hbm4b:s2+s3], $0x80, v3, vm0, $0xb8;
	[tilespmem:$0x18400] =	vst v63  }
0x5a: {  	s23 =	simm.s32 $0x8400  }
0x5b: {  	[tilespmem:s23], [sflag:$0x1] =	stream.indirect_vreg.gather [hbm4b:s5+s3], $0x80, v3, vm0, $0xb8;
	[tilespmem:$0x18400] =	vst v63  }
0x5c: {  	s24 =	simm.s32 $0x8C00  }
0x5d: {  	[tilespmem:s24], [sflag:$0x1] =	stream.indirect_vreg.gather [hbm4b:s6+s3], $0x80, v3, vm0, $0xb8;
	[tilespmem:$0x18400] =	vst v63  }
0x5e: {  	v3 =	vld [tilespmem:$0x30];
	_ =	sdelay $0x4  }
0x5f: {  	v59 =	vshrl.u32 v3, $0x3  }
0x60: {  	v4 =	vmul.u32 $0x30, v59  }
0x61: {  	v3 =	vand.u32 $0x7, v3  }
0x62: {  	v3 =	vor.u32 v3, v4  }
0x63: {  	v4 =	vperm.xlane v3, v0;
	_ =	sdelay $0x1  }
0x64: {  	v4 =	vadd.s32 v1, v4;
	_ =	sdelay $0x3  }
0x65: {  	s25 =	simm.s32 $0x9400;
	v3 =	vperm.xlane v3, v2  }
0x66: {  	[tilespmem:s25], [sflag:$0x1] =	stream.indirect_vreg.gather [hbm4b:s2+s3], $0x80, v4, vm0, $0xb8;
	[tilespmem:$0x18400] =	vst v63  }
0x67: {  	s28 =	simm.s32 $0x9C00;
	v3 =	vadd.s32 v1, v3  }
0x68: {  	[tilespmem:s28], [sflag:$0x1] =	stream.indirect_vreg.gather [hbm4b:s5+s3], $0x80, v4, vm0, $0xb8;
	[tilespmem:$0x18400] =	vst v63  }
0x69: {  	s29 =	simm.s32 $0xA400  }
0x6a: {  	[tilespmem:s29], [sflag:$0x1] =	stream.indirect_vreg.gather [hbm4b:s6+s3], $0x80, v4, vm0, $0xb8;
	[tilespmem:$0x18400] =	vst v63  }
0x6b: {  	s30 =	simm.s32 $0xAC00  }
0x6c: {  	[tilespmem:s30], [sflag:$0x1] =	stream.indirect_vreg.gather [hbm4b:s2+s3], $0x80, v3, vm0, $0xb8;
	[tilespmem:$0x18400] =	vst v63  }
0x6d: {  	s7 =	simm.s32 $0xB400  }
0x6e: {  	[tilespmem:s7], [sflag:$0x1] =	stream.indirect_vreg.gather [hbm4b:s5+s3], $0x80, v3, vm0, $0xb8;
	[tilespmem:$0x18400] =	vst v63  }
0x6f: {  	s9 =	rddreg [dreg:$0x5];
	s15 =	simm.s32 $0xBC00  }
0x70: {  	[tilespmem:s15], [sflag:$0x1] =	stream.indirect_vreg.gather [hbm4b:s6+s3], $0x80, v3, vm0, $0xb8;
	[tilespmem:$0x18400] =	vst v63  }
0x71: {  	s13 =	rddreg [dreg:$0x15];
	s14 =	simm.s32 $0x80  }
0x72: {  	[tilespmem:s14], [sflag:$0x4] =	stream.strided.gather [hbm4b:s9+s14], $0x380, s13, s14, $0x38;
	[tilespmem:$0x18400] =	vst v63  }
0x73: {  	v3 =	vld [tilespmem:$0x40];
	_ =	sdelay $0x4  }
0x74: {  	v60 =	vshrl.u32 v3, $0x3  }
0x75: {  	v4 =	vmul.u32 $0x30, v60  }
0x76: {  	v3 =	vand.u32 $0x7, v3  }
0x77: {  	v3 =	vor.u32 v3, v4  }
0x78: {  	v4 =	vperm.xlane v3, v0;
	_ =	sdelay $0x1  }
0x79: {  	v4 =	vadd.s32 v1, v4;
	_ =	sdelay $0x3  }
0x7a: {  	v3 =	vperm.xlane v3, v2  }
0x7b: {  	[tilespmem:s4], [sflag:$0x2] =	stream.indirect_vreg.gather [hbm4b:s2+s3], $0x80, v4, vm0, $0xb8;
	[tilespmem:$0x18400] =	vst v63  }
0x7c: {  	s18 =	simm.s32 $0xCC00;
	v3 =	vadd.s32 v1, v3  }
0x7d: {  	[tilespmem:s18], [sflag:$0x2] =	stream.indirect_vreg.gather [hbm4b:s5+s3], $0x80, v4, vm0, $0xb8;
	[tilespmem:$0x18400] =	vst v63  }
0x7e: {  	s19 =	simm.s32 $0xD400  }
0x7f: {  	[tilespmem:s19], [sflag:$0x2] =	stream.indirect_vreg.gather [hbm4b:s6+s3], $0x80, v4, vm0, $0xb8;
	[tilespmem:$0x18400] =	vst v63  }
0x80: {  	s22 =	simm.s32 $0xDC00  }
0x81: {  	[tilespmem:s22], [sflag:$0x2] =	stream.indirect_vreg.gather [hbm4b:s2+s3], $0x80, v3, vm0, $0xb8;
	[tilespmem:$0x18400] =	vst v63  }
0x82: {  	s23 =	simm.s32 $0xE400  }
0x83: {  	[tilespmem:s23], [sflag:$0x2] =	stream.indirect_vreg.gather [hbm4b:s5+s3], $0x80, v3, vm0, $0xb8;
	[tilespmem:$0x18400] =	vst v63  }
0x84: {  	s28 =	simm.s32 $0xEC00  }
0x85: {  	[tilespmem:s28], [sflag:$0x2] =	stream.indirect_vreg.gather [hbm4b:s6+s3], $0x80, v3, vm0, $0xb8;
	[tilespmem:$0x18400] =	vst v63  }
0x86: {  	v3 =	vld [tilespmem:$0x50];
	_ =	sdelay $0x4  }
0x87: {  	v61 =	vshrl.u32 v3, $0x3  }
0x88: {  	v4 =	vmul.u32 $0x30, v61  }
0x89: {  	v3 =	vand.u32 $0x7, v3  }
0x8a: {  	v3 =	vor.u32 v3, v4  }
0x8b: {  	v4 =	vperm.xlane v3, v0;
	_ =	sdelay $0x1  }
0x8c: {  	v4 =	vadd.s32 v1, v4;
	_ =	sdelay $0x3  }
0x8d: {  	s29 =	simm.s32 $0xF400;
	v3 =	vperm.xlane v3, v2  }
0x8e: {  	[tilespmem:s29], [sflag:$0x2] =	stream.indirect_vreg.gather [hbm4b:s2+s3], $0x80, v4, vm0, $0xb8;
	[tilespmem:$0x18400] =	vst v63  }
0x8f: {  	s30 =	simm.s32 $0xFC00;
	v3 =	vadd.s32 v1, v3  }
0x90: {  	[tilespmem:s30], [sflag:$0x2] =	stream.indirect_vreg.gather [hbm4b:s5+s3], $0x80, v4, vm0, $0xb8;
	[tilespmem:$0x18400] =	vst v63  }
0x91: {  	s0 =	simm.s32 $0x10400  }
0x92: {  	[tilespmem:s0], [sflag:$0x2] =	stream.indirect_vreg.gather [hbm4b:s6+s3], $0x80, v4, vm0, $0xb8;
	[tilespmem:$0x18400] =	vst v63  }
0x93: {  	s9 =	simm.s32 $0x10C00  }
0x94: {  	[tilespmem:s9], [sflag:$0x2] =	stream.indirect_vreg.gather [hbm4b:s2+s3], $0x80, v3, vm0, $0xb8;
	[tilespmem:$0x18400] =	vst v63  }
0x95: {  	s15 =	simm.s32 $0x11400  }
0x96: {  	[tilespmem:s15], [sflag:$0x2] =	stream.indirect_vreg.gather [hbm4b:s5+s3], $0x80, v3, vm0, $0xb8;
	[tilespmem:$0x18400] =	vst v63  }
0x97: {  	s18 =	simm.s32 $0x11C00  }
0x98: {  	[tilespmem:s18], [sflag:$0x2] =	stream.indirect_vreg.gather [hbm4b:s6+s3], $0x80, v3, vm0, $0xb8;
	[tilespmem:$0x18400] =	vst v63  }
0x99: {  	v3 =	vld [tilespmem:$0x60];
	_ =	sdelay $0x4  }
0x9a: {  	v62 =	vshrl.u32 v3, $0x3  }
0x9b: {  	v4 =	vmul.u32 $0x30, v62  }
0x9c: {  	v3 =	vand.u32 $0x7, v3  }
0x9d: {  	v3 =	vor.u32 v3, v4  }
0x9e: {  	v4 =	vperm.xlane v3, v0;
	_ =	sdelay $0x1  }
0x9f: {  	v4 =	vadd.s32 v1, v4;
	_ =	sdelay $0x3  }
0xa0: {  	s19 =	simm.s32 $0x12400;
	v3 =	vperm.xlane v3, v2  }
0xa1: {  	[tilespmem:s19], [sflag:$0x2] =	stream.indirect_vreg.gather [hbm4b:s2+s3], $0x80, v4, vm0, $0xb8;
	[tilespmem:$0x18400] =	vst v63  }
0xa2: {  	s22 =	simm.s32 $0x12C00;
	v3 =	vadd.s32 v1, v3  }
0xa3: {  	[tilespmem:s22], [sflag:$0x2] =	stream.indirect_vreg.gather [hbm4b:s5+s3], $0x80, v4, vm0, $0xb8;
	[tilespmem:$0x18400] =	vst v63  }
0xa4: {  	s23 =	simm.s32 $0x13400  }
0xa5: {  	[tilespmem:s23], [sflag:$0x2] =	stream.indirect_vreg.gather [hbm4b:s6+s3], $0x80, v4, vm0, $0xb8;
	[tilespmem:$0x18400] =	vst v63  }
0xa6: {  	s28 =	simm.s32 $0x13C00  }
0xa7: {  	[tilespmem:s28], [sflag:$0x2] =	stream.indirect_vreg.gather [hbm4b:s2+s3], $0x80, v3, vm0, $0xb8;
	[tilespmem:$0x18400] =	vst v63  }
0xa8: {  	s29 =	simm.s32 $0x14400  }
0xa9: {  	[tilespmem:s29], [sflag:$0x2] =	stream.indirect_vreg.gather [hbm4b:s5+s3], $0x80, v3, vm0, $0xb8;
	[tilespmem:$0x18400] =	vst v63  }
0xaa: {  	s30 =	simm.s32 $0x14C00  }
0xab: {  	[tilespmem:s30], [sflag:$0x2] =	stream.indirect_vreg.gather [hbm4b:s6+s3], $0x80, v3, vm0, $0xb8;
	[tilespmem:$0x18400] =	vst v63  }
0xac: {  	v3 =	vld [tilespmem:$0x70];
	_ =	sdelay $0x4  }
0xad: {  	v63 =	vshrl.u32 v3, $0x3  }
0xae: {  	v4 =	vmul.u32 $0x30, v63  }
0xaf: {  	v3 =	vand.u32 $0x7, v3  }
0xb0: {  	v3 =	vor.u32 v3, v4  }
0xb1: {  	v4 =	vperm.xlane v3, v0;
	_ =	sdelay $0x1  }
0xb2: {  	v4 =	vadd.s32 v1, v4;
	_ =	sdelay $0x3  }
0xb3: {  	s0 =	simm.s32 $0x15400;
	v3 =	vperm.xlane v3, v2  }
0xb4: {  	[tilespmem:s0], [sflag:$0x2] =	stream.indirect_vreg.gather [hbm4b:s2+s3], $0x80, v4, vm0, $0xb8;
	[tilespmem:$0x18400] =	vst v63  }
0xb5: {  	s9 =	simm.s32 $0x15C00;
	v3 =	vadd.s32 v1, v3  }
0xb6: {  	[tilespmem:s9], [sflag:$0x2] =	stream.indirect_vreg.gather [hbm4b:s5+s3], $0x80, v4, vm0, $0xb8;
	[tilespmem:$0x18400] =	vst v63  }
0xb7: {  	s15 =	simm.s32 $0x16400  }
0xb8: {  	[tilespmem:s15], [sflag:$0x2] =	stream.indirect_vreg.gather [hbm4b:s6+s3], $0x80, v4, vm0, $0xb8;
	[tilespmem:$0x18400] =	vst v63  }
0xb9: {  	s18 =	simm.s32 $0x16C00  }
0xba: {  	[tilespmem:s18], [sflag:$0x2] =	stream.indirect_vreg.gather [hbm4b:s2+s3], $0x80, v3, vm0, $0xb8;
	[tilespmem:$0x18400] =	vst v63  }
0xbb: {  	s19 =	simm.s32 $0x17400  }
0xbc: {  	[tilespmem:s19], [sflag:$0x2] =	stream.indirect_vreg.gather [hbm4b:s5+s3], $0x80, v3, vm0, $0xb8;
	[tilespmem:$0x18400] =	vst v63  }
0xbd: {  	s22 =	simm.s32 $0x17C00  }
0xbe: {  	[tilespmem:s22], [sflag:$0x2] =	stream.indirect_vreg.gather [hbm4b:s6+s3], $0x80, v3, vm0, $0xb8;
	[tilespmem:$0x18400] =	vst v63  }
0xbf: {  	_ =	swait.ge [sflag:s1], $0xC000  }
0xc0: {  	[sflag:s1] =	ssyncset.done $0x0  }
0xc1: {  	s23 =	rddreg [dreg:$0x16];
	[sflag:s1] =	ssyncadd.s32 $0xFFFF4000  }
0xc2: {  	[hbm4b:s23+s3] =	stream.linear.scatter [tilespmem:s31], [sflag:$0x3], $0xC000, $0x38;
	[tilespmem:$0x18400] =	vst v63  }
0xc3: {  	_ =	swait.ge [sflag:s8], $0xC000  }
0xc4: {  	[sflag:s8] =	ssyncset.done $0x0  }
0xc5: {  	[sflag:s8] =	ssyncadd.s32 $0xFFFF4000  }
0xc6: {  	_ =	swait.ge [sflag:s10], $0x380  }
0xc7: {  	[sflag:s10] =	ssyncset.done $0x0  }
0xc8: {  	[sflag:s10] =	ssyncadd.s32 $0xFFFFFC80  }
0xc9: {  	v3 =	vld [tilespmem:$0x80];
	_ =	sdelay $0x4  }
0xca: {  	v8 =	vshrl.u32 v3, $0x3  }
0xcb: {  	v4 =	vmul.u32 $0x30, v8  }
0xcc: {  	v3 =	vand.u32 $0x7, v3  }
0xcd: {  	v3 =	vor.u32 v3, v4  }
0xce: {  	v4 =	vperm.xlane v3, v0;
	_ =	sdelay $0x1  }
0xcf: {  	v4 =	vadd.s32 v1, v4;
	_ =	sdelay $0x3  }
0xd0: {  	v3 =	vperm.xlane v3, v2  }
0xd1: {  	[tilespmem:s31], [sflag:$0x1] =	stream.indirect_vreg.gather [hbm4b:s2+s3], $0x80, v4, vm0, $0xb8;
	[tilespmem:$0x18400] =	vst v63  }
0xd2: {  	s26 =	simm.s32 $0xC00;
	v3 =	vadd.s32 v1, v3  }
0xd3: {  	[tilespmem:s26], [sflag:$0x1] =	stream.indirect_vreg.gather [hbm4b:s5+s3], $0x80, v4, vm0, $0xb8;
	[tilespmem:$0x18400] =	vst v63  }
0xd4: {  	s0 =	simm.s32 $0x1400  }
0xd5: {  	[tilespmem:s0], [sflag:$0x1] =	stream.indirect_vreg.gather [hbm4b:s6+s3], $0x80, v4, vm0, $0xb8;
	[tilespmem:$0x18400] =	vst v63  }
0xd6: {  	s9 =	simm.s32 $0x1C00  }
0xd7: {  	[tilespmem:s9], [sflag:$0x1] =	stream.indirect_vreg.gather [hbm4b:s2+s3], $0x80, v3, vm0, $0xb8;
	[tilespmem:$0x18400] =	vst v63  }
0xd8: {  	s15 =	simm.s32 $0x2400  }
0xd9: {  	[tilespmem:s15], [sflag:$0x1] =	stream.indirect_vreg.gather [hbm4b:s5+s3], $0x80, v3, vm0, $0xb8;
	[tilespmem:$0x18400] =	vst v63  }
0xda: {  	s16 =	simm.s32 $0x2C00  }
0xdb: {  	[tilespmem:s16], [sflag:$0x1] =	stream.indirect_vreg.gather [hbm4b:s6+s3], $0x80, v3, vm0, $0xb8;
	[tilespmem:$0x18400] =	vst v63  }
0xdc: {  	v3 =	vld [tilespmem:$0x90];
	_ =	sdelay $0x4  }
0xdd: {  	v9 =	vshrl.u32 v3, $0x3  }
0xde: {  	v4 =	vmul.u32 $0x30, v9  }
0xdf: {  	v3 =	vand.u32 $0x7, v3  }
0xe0: {  	v3 =	vor.u32 v3, v4  }
0xe1: {  	v4 =	vperm.xlane v3, v0;
	_ =	sdelay $0x1  }
0xe2: {  	v4 =	vadd.s32 v1, v4;
	_ =	sdelay $0x3  }
0xe3: {  	s17 =	simm.s32 $0x3400;
	v3 =	vperm.xlane v3, v2  }
0xe4: {  	[tilespmem:s17], [sflag:$0x1] =	stream.indirect_vreg.gather [hbm4b:s2+s3], $0x80, v4, vm0, $0xb8;
	[tilespmem:$0x18400] =	vst v63  }
0xe5: {  	s16 =	simm.s32 $0x3C00;
	v3 =	vadd.s32 v1, v3  }
0xe6: {  	[tilespmem:s16], [sflag:$0x1] =	stream.indirect_vreg.gather [hbm4b:s5+s3], $0x80, v4, vm0, $0xb8;
	[tilespmem:$0x18400] =	vst v63  }
0xe7: {  	s17 =	simm.s32 $0x4400  }
0xe8: {  	[tilespmem:s17], [sflag:$0x1] =	stream.indirect_vreg.gather [hbm4b:s6+s3], $0x80, v4, vm0, $0xb8;
	[tilespmem:$0x18400] =	vst v63  }
0xe9: {  	s18 =	simm.s32 $0x4C00  }
0xea: {  	[tilespmem:s18], [sflag:$0x1] =	stream.indirect_vreg.gather [hbm4b:s2+s3], $0x80, v3, vm0, $0xb8;
	[tilespmem:$0x18400] =	vst v63  }
0xeb: {  	s19 =	simm.s32 $0x5400  }
0xec: {  	[tilespmem:s19], [sflag:$0x1] =	stream.indirect_vreg.gather [hbm4b:s5+s3], $0x80, v3, vm0, $0xb8;
	[tilespmem:$0x18400] =	vst v63  }
0xed: {  	s20 =	simm.s32 $0x5C00  }
0xee: {  	[tilespmem:s20], [sflag:$0x1] =	stream.indirect_vreg.gather [hbm4b:s6+s3], $0x80, v3, vm0, $0xb8;
	[tilespmem:$0x18400] =	vst v63  }
0xef: {  	v3 =	vld [tilespmem:$0xA0];
	_ =	sdelay $0x4  }
0xf0: {  	v10 =	vshrl.u32 v3, $0x3  }
0xf1: {  	v4 =	vmul.u32 $0x30, v10  }
0xf2: {  	v3 =	vand.u32 $0x7, v3  }
0xf3: {  	v3 =	vor.u32 v3, v4  }
0xf4: {  	v4 =	vperm.xlane v3, v0;
	_ =	sdelay $0x1  }
0xf5: {  	v4 =	vadd.s32 v1, v4;
	_ =	sdelay $0x3  }
0xf6: {  	s21 =	simm.s32 $0x6400;
	v3 =	vperm.xlane v3, v2  }
0xf7: {  	[tilespmem:s21], [sflag:$0x1] =	stream.indirect_vreg.gather [hbm4b:s2+s3], $0x80, v4, vm0, $0xb8;
	[tilespmem:$0x18400] =	vst v63  }
0xf8: {  	s20 =	simm.s32 $0x6C00;
	v3 =	vadd.s32 v1, v3  }
0xf9: {  	[tilespmem:s20], [sflag:$0x1] =	stream.indirect_vreg.gather [hbm4b:s5+s3], $0x80, v4, vm0, $0xb8;
	[tilespmem:$0x18400] =	vst v63  }
0xfa: {  	s21 =	simm.s32 $0x7400  }
0xfb: {  	[tilespmem:s21], [sflag:$0x1] =	stream.indirect_vreg.gather [hbm4b:s6+s3], $0x80, v4, vm0, $0xb8;
	[tilespmem:$0x18400] =	vst v63  }
0xfc: {  	s22 =	simm.s32 $0x7C00  }
0xfd: {  	[tilespmem:s22], [sflag:$0x1] =	stream.indirect_vreg.gather [hbm4b:s2+s3], $0x80, v3, vm0, $0xb8;
	[tilespmem:$0x18400] =	vst v63  }
0xfe: {  	s23 =	simm.s32 $0x8400  }
0xff: {  	[tilespmem:s23], [sflag:$0x1] =	stream.indirect_vreg.gather [hbm4b:s5+s3], $0x80, v3, vm0, $0xb8;
	[tilespmem:$0x18400] =	vst v63  }
0x100: {  	s24 =	simm.s32 $0x8C00  }
0x101: {  	[tilespmem:s24], [sflag:$0x1] =	stream.indirect_vreg.gather [hbm4b:s6+s3], $0x80, v3, vm0, $0xb8;
	[tilespmem:$0x18400] =	vst v63  }
0x102: {  	v3 =	vld [tilespmem:$0xB0];
	_ =	sdelay $0x4  }
0x103: {  	v11 =	vshrl.u32 v3, $0x3  }
0x104: {  	v4 =	vmul.u32 $0x30, v11  }
0x105: {  	v3 =	vand.u32 $0x7, v3  }
0x106: {  	v3 =	vor.u32 v3, v4  }
0x107: {  	v4 =	vperm.xlane v3, v0;
	_ =	sdelay $0x1  }
0x108: {  	v4 =	vadd.s32 v1, v4;
	_ =	sdelay $0x3  }
0x109: {  	s25 =	simm.s32 $0x9400;
	v3 =	vperm.xlane v3, v2  }
0x10a: {  	[tilespmem:s25], [sflag:$0x1] =	stream.indirect_vreg.gather [hbm4b:s2+s3], $0x80, v4, vm0, $0xb8;
	[tilespmem:$0x18400] =	vst v63  }
0x10b: {  	s24 =	simm.s32 $0x9C00;
	v3 =	vadd.s32 v1, v3  }
0x10c: {  	[tilespmem:s24], [sflag:$0x1] =	stream.indirect_vreg.gather [hbm4b:s5+s3], $0x80, v4, vm0, $0xb8;
	[tilespmem:$0x18400] =	vst v63  }
0x10d: {  	s25 =	simm.s32 $0xA400  }
0x10e: {  	[tilespmem:s25], [sflag:$0x1] =	stream.indirect_vreg.gather [hbm4b:s6+s3], $0x80, v4, vm0, $0xb8;
	[tilespmem:$0x18400] =	vst v63  }
0x10f: {  	s28 =	simm.s32 $0xAC00  }
0x110: {  	[tilespmem:s28], [sflag:$0x1] =	stream.indirect_vreg.gather [hbm4b:s2+s3], $0x80, v3, vm0, $0xb8;
	[tilespmem:$0x18400] =	vst v63  }
0x111: {  	s29 =	simm.s32 $0xB400  }
0x112: {  	[tilespmem:s29], [sflag:$0x1] =	stream.indirect_vreg.gather [hbm4b:s5+s3], $0x80, v3, vm0, $0xb8;
	[tilespmem:$0x18400] =	vst v63  }
0x113: {  	s30 =	simm.s32 $0xBC00  }
0x114: {  	[tilespmem:s30], [sflag:$0x1] =	stream.indirect_vreg.gather [hbm4b:s6+s3], $0x80, v3, vm0, $0xb8;
	[tilespmem:$0x18400] =	vst v63  }
0x115: {  	_ =	swait.ge [sflag:s11], $0xC000  }
0x116: {  	[sflag:s11] =	ssyncset.done $0x0  }
0x117: {  	s26 =	rddreg [dreg:$0x6];
	[sflag:s11] =	ssyncadd.s32 $0xFFFF4000  }
0x118: {  	[hbm4b:s26+s3] =	stream.linear.scatter [tilespmem:s4], [sflag:$0x4], $0xC000, $0x38;
	[tilespmem:$0x18400] =	vst v63  }
0x119: {  	_ =	swait.ge [sflag:s10], $0xC000  }
0x11a: {  	[sflag:s10] =	ssyncset.done $0x0  }
0x11b: {  	[sflag:s10] =	ssyncadd.s32 $0xFFFF4000  }
0x11c: {  	v3 =	vld [tilespmem:$0xC0];
	_ =	sdelay $0x4  }
0x11d: {  	v12 =	vshrl.u32 v3, $0x3  }
0x11e: {  	v4 =	vmul.u32 $0x30, v12  }
0x11f: {  	v3 =	vand.u32 $0x7, v3  }
0x120: {  	v3 =	vor.u32 v3, v4  }
0x121: {  	v4 =	vperm.xlane v3, v0;
	_ =	sdelay $0x1  }
0x122: {  	v4 =	vadd.s32 v1, v4;
	_ =	sdelay $0x3  }
0x123: {  	v3 =	vperm.xlane v3, v2  }
0x124: {  	[tilespmem:s4], [sflag:$0x2] =	stream.indirect_vreg.gather [hbm4b:s2+s3], $0x80, v4, vm0, $0xb8;
	[tilespmem:$0x18400] =	vst v63  }
0x125: {  	s26 =	simm.s32 $0xCC00;
	v3 =	vadd.s32 v1, v3  }
0x126: {  	[tilespmem:s26], [sflag:$0x2] =	stream.indirect_vreg.gather [hbm4b:s5+s3], $0x80, v4, vm0, $0xb8;
	[tilespmem:$0x18400] =	vst v63  }
0x127: {  	s13 =	simm.s32 $0xD400  }
0x128: {  	[tilespmem:s13], [sflag:$0x2] =	stream.indirect_vreg.gather [hbm4b:s6+s3], $0x80, v4, vm0, $0xb8;
	[tilespmem:$0x18400] =	vst v63  }
0x129: {  	s7 =	simm.s32 $0xDC00  }
0x12a: {  	[tilespmem:s7], [sflag:$0x2] =	stream.indirect_vreg.gather [hbm4b:s2+s3], $0x80, v3, vm0, $0xb8;
	[tilespmem:$0x18400] =	vst v63  }
0x12b: {  	s13 =	simm.s32 $0xE400  }
0x12c: {  	[tilespmem:s13], [sflag:$0x2] =	stream.indirect_vreg.gather [hbm4b:s5+s3], $0x80, v3, vm0, $0xb8;
	[tilespmem:$0x18400] =	vst v63  }
0x12d: {  	s12 =	simm.s32 $0xEC00  }
0x12e: {  	[tilespmem:s12], [sflag:$0x2] =	stream.indirect_vreg.gather [hbm4b:s6+s3], $0x80, v3, vm0, $0xb8;
	[tilespmem:$0x18400] =	vst v63  }
0x12f: {  	v3 =	vld [tilespmem:$0xD0];
	_ =	sdelay $0x4  }
0x130: {  	v13 =	vshrl.u32 v3, $0x3  }
0x131: {  	v4 =	vmul.u32 $0x30, v13  }
0x132: {  	v3 =	vand.u32 $0x7, v3  }
0x133: {  	v3 =	vor.u32 v3, v4  }
0x134: {  	v4 =	vperm.xlane v3, v0;
	_ =	sdelay $0x1  }
0x135: {  	v4 =	vadd.s32 v1, v4;
	_ =	sdelay $0x3  }
0x136: {  	s12 =	simm.s32 $0xF400;
	v3 =	vperm.xlane v3, v2  }
0x137: {  	[tilespmem:s12], [sflag:$0x2] =	stream.indirect_vreg.gather [hbm4b:s2+s3], $0x80, v4, vm0, $0xb8;
	[tilespmem:$0x18400] =	vst v63  }
0x138: {  	s14 =	simm.s32 $0xFC00;
	v3 =	vadd.s32 v1, v3  }
0x139: {  	[tilespmem:s14], [sflag:$0x2] =	stream.indirect_vreg.gather [hbm4b:s5+s3], $0x80, v4, vm0, $0xb8;
	[tilespmem:$0x18400] =	vst v63  }
0x13a: {  	s12 =	simm.s32 $0x10400  }
0x13b: {  	[tilespmem:s12], [sflag:$0x2] =	stream.indirect_vreg.gather [hbm4b:s6+s3], $0x80, v4, vm0, $0xb8;
	[tilespmem:$0x18400] =	vst v63  }
0x13c: {  	s12 =	simm.s32 $0x10C00  }
0x13d: {  	[tilespmem:s12], [sflag:$0x2] =	stream.indirect_vreg.gather [hbm4b:s2+s3], $0x80, v3, vm0, $0xb8;
	[tilespmem:$0x18400] =	vst v63  }
0x13e: {  	s12 =	simm.s32 $0x11400  }
0x13f: {  	[tilespmem:s12], [sflag:$0x2] =	stream.indirect_vreg.gather [hbm4b:s5+s3], $0x80, v3, vm0, $0xb8;
	[tilespmem:$0x18400] =	vst v63  }
0x140: {  	s12 =	simm.s32 $0x11C00  }
0x141: {  	[tilespmem:s12], [sflag:$0x2] =	stream.indirect_vreg.gather [hbm4b:s6+s3], $0x80, v3, vm0, $0xb8;
	[tilespmem:$0x18400] =	vst v63  }
0x142: {  	v3 =	vld [tilespmem:$0xE0];
	_ =	sdelay $0x4  }
0x143: {  	v14 =	vshrl.u32 v3, $0x3  }
0x144: {  	v4 =	vmul.u32 $0x30, v14  }
0x145: {  	v3 =	vand.u32 $0x7, v3  }
0x146: {  	v3 =	vor.u32 v3, v4  }
0x147: {  	v4 =	vperm.xlane v3, v0;
	_ =	sdelay $0x1  }
0x148: {  	v4 =	vadd.s32 v1, v4;
	_ =	sdelay $0x3  }
0x149: {  	s12 =	simm.s32 $0x12400;
	v3 =	vperm.xlane v3, v2  }
0x14a: {  	[tilespmem:s12], [sflag:$0x2] =	stream.indirect_vreg.gather [hbm4b:s2+s3], $0x80, v4, vm0, $0xb8;
	[tilespmem:$0x18400] =	vst v63  }
0x14b: {  	v3 =	vadd.s32 v1, v3;
	s12 =	simm.s32 $0x12C00  }
0x14c: {  	[tilespmem:s12], [sflag:$0x2] =	stream.indirect_vreg.gather [hbm4b:s5+s3], $0x80, v4, vm0, $0xb8;
	[tilespmem:$0x18400] =	vst v63  }
0x14d: {  	s12 =	simm.s32 $0x13400  }
0x14e: {  	[tilespmem:s12], [sflag:$0x2] =	stream.indirect_vreg.gather [hbm4b:s6+s3], $0x80, v4, vm0, $0xb8;
	[tilespmem:$0x18400] =	vst v63  }
0x14f: {  	s12 =	simm.s32 $0x13C00  }
0x150: {  	[tilespmem:s12], [sflag:$0x2] =	stream.indirect_vreg.gather [hbm4b:s2+s3], $0x80, v3, vm0, $0xb8;
	[tilespmem:$0x18400] =	vst v63  }
0x151: {  	s12 =	simm.s32 $0x14400  }
0x152: {  	[tilespmem:s12], [sflag:$0x2] =	stream.indirect_vreg.gather [hbm4b:s5+s3], $0x80, v3, vm0, $0xb8;
	[tilespmem:$0x18400] =	vst v63  }
0x153: {  	s12 =	simm.s32 $0x14C00  }
0x154: {  	[tilespmem:s12], [sflag:$0x2] =	stream.indirect_vreg.gather [hbm4b:s6+s3], $0x80, v3, vm0, $0xb8;
	[tilespmem:$0x18400] =	vst v63  }
0x155: {  	v3 =	vld [tilespmem:$0xF0];
	_ =	sdelay $0x4  }
0x156: {  	v15 =	vshrl.u32 v3, $0x3  }
0x157: {  	v4 =	vmul.u32 $0x30, v15  }
0x158: {  	v3 =	vand.u32 $0x7, v3  }
0x159: {  	v3 =	vor.u32 v3, v4  }
0x15a: {  	v4 =	vperm.xlane v3, v0;
	_ =	sdelay $0x1  }
0x15b: {  	v4 =	vadd.s32 v1, v4;
	_ =	sdelay $0x3  }
0x15c: {  	s12 =	simm.s32 $0x15400;
	v3 =	vperm.xlane v3, v2  }
0x15d: {  	[tilespmem:s12], [sflag:$0x2] =	stream.indirect_vreg.gather [hbm4b:s2+s3], $0x80, v4, vm0, $0xb8;
	[tilespmem:$0x18400] =	vst v63  }
0x15e: {  	v3 =	vadd.s32 v1, v3;
	s12 =	simm.s32 $0x15C00  }
0x15f: {  	[tilespmem:s12], [sflag:$0x2] =	stream.indirect_vreg.gather [hbm4b:s5+s3], $0x80, v4, vm0, $0xb8;
	[tilespmem:$0x18400] =	vst v63  }
0x160: {  	s12 =	simm.s32 $0x16400  }
0x161: {  	[tilespmem:s12], [sflag:$0x2] =	stream.indirect_vreg.gather [hbm4b:s6+s3], $0x80, v4, vm0, $0xb8;
	[tilespmem:$0x18400] =	vst v63  }
0x162: {  	s12 =	simm.s32 $0x16C00  }
0x163: {  	[tilespmem:s12], [sflag:$0x2] =	stream.indirect_vreg.gather [hbm4b:s2+s3], $0x80, v3, vm0, $0xb8;
	[tilespmem:$0x18400] =	vst v63  }
0x164: {  	s12 =	simm.s32 $0x17400  }
0x165: {  	[tilespmem:s12], [sflag:$0x2] =	stream.indirect_vreg.gather [hbm4b:s5+s3], $0x80, v3, vm0, $0xb8;
	[tilespmem:$0x18400] =	vst v63  }
0x166: {  	s12 =	simm.s32 $0x17C00  }
0x167: {  	[tilespmem:s12], [sflag:$0x2] =	stream.indirect_vreg.gather [hbm4b:s6+s3], $0x80, v3, vm0, $0xb8;
	[tilespmem:$0x18400] =	vst v63  }
0x168: {  	_ =	swait.ge [sflag:s1], $0xC000  }
0x169: {  	[sflag:s1] =	ssyncset.done $0x0  }
0x16a: {  	s12 =	rddreg [dreg:$0x7];
	[sflag:s1] =	ssyncadd.s32 $0xFFFF4000  }
0x16b: {  	[hbm4b:s12+s3] =	stream.linear.scatter [tilespmem:s31], [sflag:$0x3], $0xC000, $0x38;
	[tilespmem:$0x18400] =	vst v63  }
0x16c: {  	_ =	swait.ge [sflag:s8], $0xC000  }
0x16d: {  	[sflag:s8] =	ssyncset.done $0x0  }
0x16e: {  	[sflag:s8] =	ssyncadd.s32 $0xFFFF4000  }
0x16f: {  	v3 =	vld [tilespmem:$0x100];
	_ =	sdelay $0x4  }
0x170: {  	v16 =	vshrl.u32 v3, $0x3  }
0x171: {  	v4 =	vmul.u32 $0x30, v16  }
0x172: {  	v3 =	vand.u32 $0x7, v3  }
0x173: {  	v3 =	vor.u32 v3, v4  }
0x174: {  	v4 =	vperm.xlane v3, v0;
	_ =	sdelay $0x1  }
0x175: {  	v4 =	vadd.s32 v1, v4;
	_ =	sdelay $0x3  }
0x176: {  	v3 =	vperm.xlane v3, v2  }
0x177: {  	[tilespmem:s31], [sflag:$0x1] =	stream.indirect_vreg.gather [hbm4b:s2+s3], $0x80, v4, vm0, $0xb8;
	[tilespmem:$0x18400] =	vst v63  }
0x178: {  	s12 =	simm.s32 $0xC00;
	v3 =	vadd.s32 v1, v3  }
0x179: {  	[tilespmem:s12], [sflag:$0x1] =	stream.indirect_vreg.gather [hbm4b:s5+s3], $0x80, v4, vm0, $0xb8;
	[tilespmem:$0x18400] =	vst v63  }
0x17a: {  	_ = 	snop  }
0x17b: {  	[tilespmem:s0], [sflag:$0x1] =	stream.indirect_vreg.gather [hbm4b:s6+s3], $0x80, v4, vm0, $0xb8;
	[tilespmem:$0x18400] =	vst v63  }
0x17c: {  	_ = 	snop  }
0x17d: {  	[tilespmem:s9], [sflag:$0x1] =	stream.indirect_vreg.gather [hbm4b:s2+s3], $0x80, v3, vm0, $0xb8;
	[tilespmem:$0x18400] =	vst v63  }
0x17e: {  	_ = 	snop  }
0x17f: {  	[tilespmem:s15], [sflag:$0x1] =	stream.indirect_vreg.gather [hbm4b:s5+s3], $0x80, v3, vm0, $0xb8;
	[tilespmem:$0x18400] =	vst v63  }
0x180: {  	s12 =	simm.s32 $0x2C00  }
0x181: {  	[tilespmem:s12], [sflag:$0x1] =	stream.indirect_vreg.gather [hbm4b:s6+s3], $0x80, v3, vm0, $0xb8;
	[tilespmem:$0x18400] =	vst v63  }
0x182: {  	v3 =	vld [tilespmem:$0x110];
	_ =	sdelay $0x4  }
0x183: {  	v17 =	vshrl.u32 v3, $0x3  }
0x184: {  	v4 =	vmul.u32 $0x30, v17  }
0x185: {  	v3 =	vand.u32 $0x7, v3  }
0x186: {  	v3 =	vor.u32 v3, v4  }
0x187: {  	v4 =	vperm.xlane v3, v0;
	_ =	sdelay $0x1  }
0x188: {  	v4 =	vadd.s32 v1, v4;
	_ =	sdelay $0x3  }
0x189: {  	s12 =	simm.s32 $0x3400;
	v3 =	vperm.xlane v3, v2  }
0x18a: {  	[tilespmem:s12], [sflag:$0x1] =	stream.indirect_vreg.gather [hbm4b:s2+s3], $0x80, v4, vm0, $0xb8;
	[tilespmem:$0x18400] =	vst v63  }
0x18b: {  	v3 =	vadd.s32 v1, v3  }
0x18c: {  	[tilespmem:s16], [sflag:$0x1] =	stream.indirect_vreg.gather [hbm4b:s5+s3], $0x80, v4, vm0, $0xb8;
	[tilespmem:$0x18400] =	vst v63  }
0x18d: {  	_ = 	snop  }
0x18e: {  	[tilespmem:s17], [sflag:$0x1] =	stream.indirect_vreg.gather [hbm4b:s6+s3], $0x80, v4, vm0, $0xb8;
	[tilespmem:$0x18400] =	vst v63  }
0x18f: {  	_ = 	snop  }
0x190: {  	[tilespmem:s18], [sflag:$0x1] =	stream.indirect_vreg.gather [hbm4b:s2+s3], $0x80, v3, vm0, $0xb8;
	[tilespmem:$0x18400] =	vst v63  }
0x191: {  	_ = 	snop  }
0x192: {  	[tilespmem:s19], [sflag:$0x1] =	stream.indirect_vreg.gather [hbm4b:s5+s3], $0x80, v3, vm0, $0xb8;
	[tilespmem:$0x18400] =	vst v63  }
0x193: {  	s12 =	simm.s32 $0x5C00  }
0x194: {  	[tilespmem:s12], [sflag:$0x1] =	stream.indirect_vreg.gather [hbm4b:s6+s3], $0x80, v3, vm0, $0xb8;
	[tilespmem:$0x18400] =	vst v63  }
0x195: {  	v3 =	vld [tilespmem:$0x120];
	_ =	sdelay $0x4  }
0x196: {  	v18 =	vshrl.u32 v3, $0x3  }
0x197: {  	v4 =	vmul.u32 $0x30, v18  }
0x198: {  	v3 =	vand.u32 $0x7, v3  }
0x199: {  	v3 =	vor.u32 v3, v4  }
0x19a: {  	v4 =	vperm.xlane v3, v0;
	_ =	sdelay $0x1  }
0x19b: {  	v4 =	vadd.s32 v1, v4;
	_ =	sdelay $0x3  }
0x19c: {  	s12 =	simm.s32 $0x6400;
	v3 =	vperm.xlane v3, v2  }
0x19d: {  	[tilespmem:s12], [sflag:$0x1] =	stream.indirect_vreg.gather [hbm4b:s2+s3], $0x80, v4, vm0, $0xb8;
	[tilespmem:$0x18400] =	vst v63  }
0x19e: {  	v3 =	vadd.s32 v1, v3  }
0x19f: {  	[tilespmem:s20], [sflag:$0x1] =	stream.indirect_vreg.gather [hbm4b:s5+s3], $0x80, v4, vm0, $0xb8;
	[tilespmem:$0x18400] =	vst v63  }
0x1a0: {  	_ = 	snop  }
0x1a1: {  	[tilespmem:s21], [sflag:$0x1] =	stream.indirect_vreg.gather [hbm4b:s6+s3], $0x80, v4, vm0, $0xb8;
	[tilespmem:$0x18400] =	vst v63  }
0x1a2: {  	_ = 	snop  }
0x1a3: {  	[tilespmem:s22], [sflag:$0x1] =	stream.indirect_vreg.gather [hbm4b:s2+s3], $0x80, v3, vm0, $0xb8;
	[tilespmem:$0x18400] =	vst v63  }
0x1a4: {  	_ = 	snop  }
0x1a5: {  	[tilespmem:s23], [sflag:$0x1] =	stream.indirect_vreg.gather [hbm4b:s5+s3], $0x80, v3, vm0, $0xb8;
	[tilespmem:$0x18400] =	vst v63  }
0x1a6: {  	s22 =	simm.s32 $0x8C00  }
0x1a7: {  	[tilespmem:s22], [sflag:$0x1] =	stream.indirect_vreg.gather [hbm4b:s6+s3], $0x80, v3, vm0, $0xb8;
	[tilespmem:$0x18400] =	vst v63  }
0x1a8: {  	v3 =	vld [tilespmem:$0x130];
	_ =	sdelay $0x4  }
0x1a9: {  	v19 =	vshrl.u32 v3, $0x3  }
0x1aa: {  	v4 =	vmul.u32 $0x30, v19  }
0x1ab: {  	v3 =	vand.u32 $0x7, v3  }
0x1ac: {  	v3 =	vor.u32 v3, v4  }
0x1ad: {  	v4 =	vperm.xlane v3, v0;
	_ =	sdelay $0x1  }
0x1ae: {  	v4 =	vadd.s32 v1, v4;
	_ =	sdelay $0x3  }
0x1af: {  	s22 =	simm.s32 $0x9400;
	v3 =	vperm.xlane v3, v2  }
0x1b0: {  	[tilespmem:s22], [sflag:$0x1] =	stream.indirect_vreg.gather [hbm4b:s2+s3], $0x80, v4, vm0, $0xb8;
	[tilespmem:$0x18400] =	vst v63  }
0x1b1: {  	v3 =	vadd.s32 v1, v3  }
0x1b2: {  	[tilespmem:s24], [sflag:$0x1] =	stream.indirect_vreg.gather [hbm4b:s5+s3], $0x80, v4, vm0, $0xb8;
	[tilespmem:$0x18400] =	vst v63  }
0x1b3: {  	_ = 	snop  }
0x1b4: {  	[tilespmem:s25], [sflag:$0x1] =	stream.indirect_vreg.gather [hbm4b:s6+s3], $0x80, v4, vm0, $0xb8;
	[tilespmem:$0x18400] =	vst v63  }
0x1b5: {  	_ = 	snop  }
0x1b6: {  	[tilespmem:s28], [sflag:$0x1] =	stream.indirect_vreg.gather [hbm4b:s2+s3], $0x80, v3, vm0, $0xb8;
	[tilespmem:$0x18400] =	vst v63  }
0x1b7: {  	_ = 	snop  }
0x1b8: {  	[tilespmem:s29], [sflag:$0x1] =	stream.indirect_vreg.gather [hbm4b:s5+s3], $0x80, v3, vm0, $0xb8;
	[tilespmem:$0x18400] =	vst v63  }
0x1b9: {  	_ = 	snop  }
0x1ba: {  	[tilespmem:s30], [sflag:$0x1] =	stream.indirect_vreg.gather [hbm4b:s6+s3], $0x80, v3, vm0, $0xb8;
	[tilespmem:$0x18400] =	vst v63  }
0x1bb: {  	_ =	swait.ge [sflag:s11], $0xC000  }
0x1bc: {  	[sflag:s11] =	ssyncset.done $0x0  }
0x1bd: {  	s22 =	rddreg [dreg:$0x8];
	[sflag:s11] =	ssyncadd.s32 $0xFFFF4000  }
0x1be: {  	[hbm4b:s22+s3] =	stream.linear.scatter [tilespmem:s4], [sflag:$0x4], $0xC000, $0x38;
	[tilespmem:$0x18400] =	vst v63  }
0x1bf: {  	_ =	swait.ge [sflag:s10], $0xC000  }
0x1c0: {  	[sflag:s10] =	ssyncset.done $0x0  }
0x1c1: {  	[sflag:s10] =	ssyncadd.s32 $0xFFFF4000  }
0x1c2: {  	v3 =	vld [tilespmem:$0x140];
	_ =	sdelay $0x4  }
0x1c3: {  	v20 =	vshrl.u32 v3, $0x3  }
0x1c4: {  	v4 =	vmul.u32 $0x30, v20  }
0x1c5: {  	v3 =	vand.u32 $0x7, v3  }
0x1c6: {  	v3 =	vor.u32 v3, v4  }
0x1c7: {  	v4 =	vperm.xlane v3, v0;
	_ =	sdelay $0x1  }
0x1c8: {  	v4 =	vadd.s32 v1, v4;
	_ =	sdelay $0x3  }
0x1c9: {  	v3 =	vperm.xlane v3, v2  }
0x1ca: {  	[tilespmem:s4], [sflag:$0x2] =	stream.indirect_vreg.gather [hbm4b:s2+s3], $0x80, v4, vm0, $0xb8;
	[tilespmem:$0x18400] =	vst v63  }
0x1cb: {  	v3 =	vadd.s32 v1, v3  }
0x1cc: {  	[tilespmem:s26], [sflag:$0x2] =	stream.indirect_vreg.gather [hbm4b:s5+s3], $0x80, v4, vm0, $0xb8;
	[tilespmem:$0x18400] =	vst v63  }
0x1cd: {  	s26 =	simm.s32 $0xD400  }
0x1ce: {  	[tilespmem:s26], [sflag:$0x2] =	stream.indirect_vreg.gather [hbm4b:s6+s3], $0x80, v4, vm0, $0xb8;
	[tilespmem:$0x18400] =	vst v63  }
0x1cf: {  	s7 =	simm.s32 $0xDC00  }
0x1d0: {  	[tilespmem:s7], [sflag:$0x2] =	stream.indirect_vreg.gather [hbm4b:s2+s3], $0x80, v3, vm0, $0xb8;
	[tilespmem:$0x18400] =	vst v63  }
0x1d1: {  	s13 =	simm.s32 $0xE400  }
0x1d2: {  	[tilespmem:s13], [sflag:$0x2] =	stream.indirect_vreg.gather [hbm4b:s5+s3], $0x80, v3, vm0, $0xb8;
	[tilespmem:$0x18400] =	vst v63  }
0x1d3: {  	s13 =	simm.s32 $0xEC00  }
0x1d4: {  	[tilespmem:s13], [sflag:$0x2] =	stream.indirect_vreg.gather [hbm4b:s6+s3], $0x80, v3, vm0, $0xb8;
	[tilespmem:$0x18400] =	vst v63  }
0x1d5: {  	v3 =	vld [tilespmem:$0x150];
	_ =	sdelay $0x4  }
0x1d6: {  	v21 =	vshrl.u32 v3, $0x3  }
0x1d7: {  	v4 =	vmul.u32 $0x30, v21  }
0x1d8: {  	v3 =	vand.u32 $0x7, v3  }
0x1d9: {  	v3 =	vor.u32 v3, v4  }
0x1da: {  	v4 =	vperm.xlane v3, v0;
	_ =	sdelay $0x1  }
0x1db: {  	v4 =	vadd.s32 v1, v4;
	_ =	sdelay $0x3  }
0x1dc: {  	s13 =	simm.s32 $0xF400;
	v3 =	vperm.xlane v3, v2  }
0x1dd: {  	[tilespmem:s13], [sflag:$0x2] =	stream.indirect_vreg.gather [hbm4b:s2+s3], $0x80, v4, vm0, $0xb8;
	[tilespmem:$0x18400] =	vst v63  }
0x1de: {  	s14 =	simm.s32 $0xFC00;
	v3 =	vadd.s32 v1, v3  }
0x1df: {  	[tilespmem:s14], [sflag:$0x2] =	stream.indirect_vreg.gather [hbm4b:s5+s3], $0x80, v4, vm0, $0xb8;
	[tilespmem:$0x18400] =	vst v63  }
0x1e0: {  	s14 =	simm.s32 $0x10400  }
0x1e1: {  	[tilespmem:s14], [sflag:$0x2] =	stream.indirect_vreg.gather [hbm4b:s6+s3], $0x80, v4, vm0, $0xb8;
	[tilespmem:$0x18400] =	vst v63  }
0x1e2: {  	s12 =	simm.s32 $0x10C00  }
0x1e3: {  	[tilespmem:s12], [sflag:$0x2] =	stream.indirect_vreg.gather [hbm4b:s2+s3], $0x80, v3, vm0, $0xb8;
	[tilespmem:$0x18400] =	vst v63  }
0x1e4: {  	s12 =	simm.s32 $0x11400  }
0x1e5: {  	[tilespmem:s12], [sflag:$0x2] =	stream.indirect_vreg.gather [hbm4b:s5+s3], $0x80, v3, vm0, $0xb8;
	[tilespmem:$0x18400] =	vst v63  }
0x1e6: {  	s12 =	simm.s32 $0x11C00  }
0x1e7: {  	[tilespmem:s12], [sflag:$0x2] =	stream.indirect_vreg.gather [hbm4b:s6+s3], $0x80, v3, vm0, $0xb8;
	[tilespmem:$0x18400] =	vst v63  }
0x1e8: {  	v3 =	vld [tilespmem:$0x160];
	_ =	sdelay $0x4  }
0x1e9: {  	v22 =	vshrl.u32 v3, $0x3  }
0x1ea: {  	v4 =	vmul.u32 $0x30, v22  }
0x1eb: {  	v3 =	vand.u32 $0x7, v3  }
0x1ec: {  	v3 =	vor.u32 v3, v4  }
0x1ed: {  	v4 =	vperm.xlane v3, v0;
	_ =	sdelay $0x1  }
0x1ee: {  	v4 =	vadd.s32 v1, v4;
	_ =	sdelay $0x3  }
0x1ef: {  	s12 =	simm.s32 $0x12400;
	v3 =	vperm.xlane v3, v2  }
0x1f0: {  	[tilespmem:s12], [sflag:$0x2] =	stream.indirect_vreg.gather [hbm4b:s2+s3], $0x80, v4, vm0, $0xb8;
	[tilespmem:$0x18400] =	vst v63  }
0x1f1: {  	v3 =	vadd.s32 v1, v3;
	s12 =	simm.s32 $0x12C00  }
0x1f2: {  	[tilespmem:s12], [sflag:$0x2] =	stream.indirect_vreg.gather [hbm4b:s5+s3], $0x80, v4, vm0, $0xb8;
	[tilespmem:$0x18400] =	vst v63  }
0x1f3: {  	s12 =	simm.s32 $0x13400  }
0x1f4: {  	[tilespmem:s12], [sflag:$0x2] =	stream.indirect_vreg.gather [hbm4b:s6+s3], $0x80, v4, vm0, $0xb8;
	[tilespmem:$0x18400] =	vst v63  }
0x1f5: {  	s12 =	simm.s32 $0x13C00  }
0x1f6: {  	[tilespmem:s12], [sflag:$0x2] =	stream.indirect_vreg.gather [hbm4b:s2+s3], $0x80, v3, vm0, $0xb8;
	[tilespmem:$0x18400] =	vst v63  }
0x1f7: {  	s12 =	simm.s32 $0x14400  }
0x1f8: {  	[tilespmem:s12], [sflag:$0x2] =	stream.indirect_vreg.gather [hbm4b:s5+s3], $0x80, v3, vm0, $0xb8;
	[tilespmem:$0x18400] =	vst v63  }
0x1f9: {  	s12 =	simm.s32 $0x14C00  }
0x1fa: {  	[tilespmem:s12], [sflag:$0x2] =	stream.indirect_vreg.gather [hbm4b:s6+s3], $0x80, v3, vm0, $0xb8;
	[tilespmem:$0x18400] =	vst v63  }
0x1fb: {  	v3 =	vld [tilespmem:$0x170];
	_ =	sdelay $0x4  }
0x1fc: {  	v23 =	vshrl.u32 v3, $0x3  }
0x1fd: {  	v4 =	vmul.u32 $0x30, v23  }
0x1fe: {  	v3 =	vand.u32 $0x7, v3  }
0x1ff: {  	v3 =	vor.u32 v3, v4  }
0x200: {  	v4 =	vperm.xlane v3, v0;
	_ =	sdelay $0x1  }
0x201: {  	v4 =	vadd.s32 v1, v4;
	_ =	sdelay $0x3  }
0x202: {  	s12 =	simm.s32 $0x15400;
	v3 =	vperm.xlane v3, v2  }
0x203: {  	[tilespmem:s12], [sflag:$0x2] =	stream.indirect_vreg.gather [hbm4b:s2+s3], $0x80, v4, vm0, $0xb8;
	[tilespmem:$0x18400] =	vst v63  }
0x204: {  	v3 =	vadd.s32 v1, v3;
	s12 =	simm.s32 $0x15C00  }
0x205: {  	[tilespmem:s12], [sflag:$0x2] =	stream.indirect_vreg.gather [hbm4b:s5+s3], $0x80, v4, vm0, $0xb8;
	[tilespmem:$0x18400] =	vst v63  }
0x206: {  	s12 =	simm.s32 $0x16400  }
0x207: {  	[tilespmem:s12], [sflag:$0x2] =	stream.indirect_vreg.gather [hbm4b:s6+s3], $0x80, v4, vm0, $0xb8;
	[tilespmem:$0x18400] =	vst v63  }
0x208: {  	s12 =	simm.s32 $0x16C00  }
0x209: {  	[tilespmem:s12], [sflag:$0x2] =	stream.indirect_vreg.gather [hbm4b:s2+s3], $0x80, v3, vm0, $0xb8;
	[tilespmem:$0x18400] =	vst v63  }
0x20a: {  	s12 =	simm.s32 $0x17400  }
0x20b: {  	[tilespmem:s12], [sflag:$0x2] =	stream.indirect_vreg.gather [hbm4b:s5+s3], $0x80, v3, vm0, $0xb8;
	[tilespmem:$0x18400] =	vst v63  }
0x20c: {  	s12 =	simm.s32 $0x17C00  }
0x20d: {  	[tilespmem:s12], [sflag:$0x2] =	stream.indirect_vreg.gather [hbm4b:s6+s3], $0x80, v3, vm0, $0xb8;
	[tilespmem:$0x18400] =	vst v63  }
0x20e: {  	_ =	swait.ge [sflag:s1], $0xC000  }
0x20f: {  	[sflag:s1] =	ssyncset.done $0x0  }
0x210: {  	s12 =	rddreg [dreg:$0x9];
	[sflag:s1] =	ssyncadd.s32 $0xFFFF4000  }
0x211: {  	[hbm4b:s12+s3] =	stream.linear.scatter [tilespmem:s31], [sflag:$0x3], $0xC000, $0x38;
	[tilespmem:$0x18400] =	vst v63  }
0x212: {  	_ =	swait.ge [sflag:s8], $0xC000  }
0x213: {  	[sflag:s8] =	ssyncset.done $0x0  }
0x214: {  	[sflag:s8] =	ssyncadd.s32 $0xFFFF4000  }
0x215: {  	v3 =	vld [tilespmem:$0x180];
	_ =	sdelay $0x4  }
0x216: {  	v24 =	vshrl.u32 v3, $0x3  }
0x217: {  	v4 =	vmul.u32 $0x30, v24  }
0x218: {  	v3 =	vand.u32 $0x7, v3  }
0x219: {  	v3 =	vor.u32 v3, v4  }
0x21a: {  	v4 =	vperm.xlane v3, v0;
	_ =	sdelay $0x1  }
0x21b: {  	v4 =	vadd.s32 v1, v4;
	_ =	sdelay $0x3  }
0x21c: {  	v3 =	vperm.xlane v3, v2  }
0x21d: {  	[tilespmem:s31], [sflag:$0x1] =	stream.indirect_vreg.gather [hbm4b:s2+s3], $0x80, v4, vm0, $0xb8;
	[tilespmem:$0x18400] =	vst v63  }
0x21e: {  	s12 =	simm.s32 $0xC00;
	v3 =	vadd.s32 v1, v3  }
0x21f: {  	[tilespmem:s12], [sflag:$0x1] =	stream.indirect_vreg.gather [hbm4b:s5+s3], $0x80, v4, vm0, $0xb8;
	[tilespmem:$0x18400] =	vst v63  }
0x220: {  	s0 =	simm.s32 $0x1400  }
0x221: {  	[tilespmem:s0], [sflag:$0x1] =	stream.indirect_vreg.gather [hbm4b:s6+s3], $0x80, v4, vm0, $0xb8;
	[tilespmem:$0x18400] =	vst v63  }
0x222: {  	s9 =	simm.s32 $0x1C00  }
0x223: {  	[tilespmem:s9], [sflag:$0x1] =	stream.indirect_vreg.gather [hbm4b:s2+s3], $0x80, v3, vm0, $0xb8;
	[tilespmem:$0x18400] =	vst v63  }
0x224: {  	s15 =	simm.s32 $0x2400  }
0x225: {  	[tilespmem:s15], [sflag:$0x1] =	stream.indirect_vreg.gather [hbm4b:s5+s3], $0x80, v3, vm0, $0xb8;
	[tilespmem:$0x18400] =	vst v63  }
0x226: {  	s12 =	simm.s32 $0x2C00  }
0x227: {  	[tilespmem:s12], [sflag:$0x1] =	stream.indirect_vreg.gather [hbm4b:s6+s3], $0x80, v3, vm0, $0xb8;
	[tilespmem:$0x18400] =	vst v63  }
0x228: {  	v3 =	vld [tilespmem:$0x190];
	_ =	sdelay $0x4  }
0x229: {  	v25 =	vshrl.u32 v3, $0x3  }
0x22a: {  	v4 =	vmul.u32 $0x30, v25  }
0x22b: {  	v3 =	vand.u32 $0x7, v3  }
0x22c: {  	v3 =	vor.u32 v3, v4  }
0x22d: {  	v4 =	vperm.xlane v3, v0;
	_ =	sdelay $0x1  }
0x22e: {  	v4 =	vadd.s32 v1, v4;
	_ =	sdelay $0x3  }
0x22f: {  	s12 =	simm.s32 $0x3400;
	v3 =	vperm.xlane v3, v2  }
0x230: {  	[tilespmem:s12], [sflag:$0x1] =	stream.indirect_vreg.gather [hbm4b:s2+s3], $0x80, v4, vm0, $0xb8;
	[tilespmem:$0x18400] =	vst v63  }
0x231: {  	s16 =	simm.s32 $0x3C00;
	v3 =	vadd.s32 v1, v3  }
0x232: {  	[tilespmem:s16], [sflag:$0x1] =	stream.indirect_vreg.gather [hbm4b:s5+s3], $0x80, v4, vm0, $0xb8;
	[tilespmem:$0x18400] =	vst v63  }
0x233: {  	s17 =	simm.s32 $0x4400  }
0x234: {  	[tilespmem:s17], [sflag:$0x1] =	stream.indirect_vreg.gather [hbm4b:s6+s3], $0x80, v4, vm0, $0xb8;
	[tilespmem:$0x18400] =	vst v63  }
0x235: {  	s18 =	simm.s32 $0x4C00  }
0x236: {  	[tilespmem:s18], [sflag:$0x1] =	stream.indirect_vreg.gather [hbm4b:s2+s3], $0x80, v3, vm0, $0xb8;
	[tilespmem:$0x18400] =	vst v63  }
0x237: {  	s19 =	simm.s32 $0x5400  }
0x238: {  	[tilespmem:s19], [sflag:$0x1] =	stream.indirect_vreg.gather [hbm4b:s5+s3], $0x80, v3, vm0, $0xb8;
	[tilespmem:$0x18400] =	vst v63  }
0x239: {  	s12 =	simm.s32 $0x5C00  }
0x23a: {  	[tilespmem:s12], [sflag:$0x1] =	stream.indirect_vreg.gather [hbm4b:s6+s3], $0x80, v3, vm0, $0xb8;
	[tilespmem:$0x18400] =	vst v63  }
0x23b: {  	v3 =	vld [tilespmem:$0x1A0];
	_ =	sdelay $0x4  }
0x23c: {  	v26 =	vshrl.u32 v3, $0x3  }
0x23d: {  	v4 =	vmul.u32 $0x30, v26  }
0x23e: {  	v3 =	vand.u32 $0x7, v3  }
0x23f: {  	v3 =	vor.u32 v3, v4  }
0x240: {  	v4 =	vperm.xlane v3, v0;
	_ =	sdelay $0x1  }
0x241: {  	v4 =	vadd.s32 v1, v4;
	_ =	sdelay $0x3  }
0x242: {  	s12 =	simm.s32 $0x6400;
	v3 =	vperm.xlane v3, v2  }
0x243: {  	[tilespmem:s12], [sflag:$0x1] =	stream.indirect_vreg.gather [hbm4b:s2+s3], $0x80, v4, vm0, $0xb8;
	[tilespmem:$0x18400] =	vst v63  }
0x244: {  	s20 =	simm.s32 $0x6C00;
	v3 =	vadd.s32 v1, v3  }
0x245: {  	[tilespmem:s20], [sflag:$0x1] =	stream.indirect_vreg.gather [hbm4b:s5+s3], $0x80, v4, vm0, $0xb8;
	[tilespmem:$0x18400] =	vst v63  }
0x246: {  	s21 =	simm.s32 $0x7400  }
0x247: {  	[tilespmem:s21], [sflag:$0x1] =	stream.indirect_vreg.gather [hbm4b:s6+s3], $0x80, v4, vm0, $0xb8;
	[tilespmem:$0x18400] =	vst v63  }
0x248: {  	s12 =	simm.s32 $0x7C00  }
0x249: {  	[tilespmem:s12], [sflag:$0x1] =	stream.indirect_vreg.gather [hbm4b:s2+s3], $0x80, v3, vm0, $0xb8;
	[tilespmem:$0x18400] =	vst v63  }
0x24a: {  	s23 =	simm.s32 $0x8400  }
0x24b: {  	[tilespmem:s23], [sflag:$0x1] =	stream.indirect_vreg.gather [hbm4b:s5+s3], $0x80, v3, vm0, $0xb8;
	[tilespmem:$0x18400] =	vst v63  }
0x24c: {  	s12 =	simm.s32 $0x8C00  }
0x24d: {  	[tilespmem:s12], [sflag:$0x1] =	stream.indirect_vreg.gather [hbm4b:s6+s3], $0x80, v3, vm0, $0xb8;
	[tilespmem:$0x18400] =	vst v63  }
0x24e: {  	v3 =	vld [tilespmem:$0x1B0];
	_ =	sdelay $0x4  }
0x24f: {  	v27 =	vshrl.u32 v3, $0x3  }
0x250: {  	v4 =	vmul.u32 $0x30, v27  }
0x251: {  	v3 =	vand.u32 $0x7, v3  }
0x252: {  	v3 =	vor.u32 v3, v4  }
0x253: {  	v4 =	vperm.xlane v3, v0;
	_ =	sdelay $0x1  }
0x254: {  	v4 =	vadd.s32 v1, v4;
	_ =	sdelay $0x3  }
0x255: {  	s12 =	simm.s32 $0x9400;
	v3 =	vperm.xlane v3, v2  }
0x256: {  	[tilespmem:s12], [sflag:$0x1] =	stream.indirect_vreg.gather [hbm4b:s2+s3], $0x80, v4, vm0, $0xb8;
	[tilespmem:$0x18400] =	vst v63  }
0x257: {  	s24 =	simm.s32 $0x9C00;
	v3 =	vadd.s32 v1, v3  }
0x258: {  	[tilespmem:s24], [sflag:$0x1] =	stream.indirect_vreg.gather [hbm4b:s5+s3], $0x80, v4, vm0, $0xb8;
	[tilespmem:$0x18400] =	vst v63  }
0x259: {  	s25 =	simm.s32 $0xA400  }
0x25a: {  	[tilespmem:s25], [sflag:$0x1] =	stream.indirect_vreg.gather [hbm4b:s6+s3], $0x80, v4, vm0, $0xb8;
	[tilespmem:$0x18400] =	vst v63  }
0x25b: {  	s28 =	simm.s32 $0xAC00  }
0x25c: {  	[tilespmem:s28], [sflag:$0x1] =	stream.indirect_vreg.gather [hbm4b:s2+s3], $0x80, v3, vm0, $0xb8;
	[tilespmem:$0x18400] =	vst v63  }
0x25d: {  	s29 =	simm.s32 $0xB400  }
0x25e: {  	[tilespmem:s29], [sflag:$0x1] =	stream.indirect_vreg.gather [hbm4b:s5+s3], $0x80, v3, vm0, $0xb8;
	[tilespmem:$0x18400] =	vst v63  }
0x25f: {  	s30 =	simm.s32 $0xBC00  }
0x260: {  	[tilespmem:s30], [sflag:$0x1] =	stream.indirect_vreg.gather [hbm4b:s6+s3], $0x80, v3, vm0, $0xb8;
	[tilespmem:$0x18400] =	vst v63  }
0x261: {  	_ =	swait.ge [sflag:s11], $0xC000  }
0x262: {  	[sflag:s11] =	ssyncset.done $0x0  }
0x263: {  	s12 =	rddreg [dreg:$0xa];
	[sflag:s11] =	ssyncadd.s32 $0xFFFF4000  }
0x264: {  	[hbm4b:s12+s3] =	stream.linear.scatter [tilespmem:s4], [sflag:$0x4], $0xC000, $0x38;
	[tilespmem:$0x18400] =	vst v63  }
0x265: {  	_ =	swait.ge [sflag:s10], $0xC000  }
0x266: {  	[sflag:s10] =	ssyncset.done $0x0  }
0x267: {  	[sflag:s10] =	ssyncadd.s32 $0xFFFF4000  }
0x268: {  	v3 =	vld [tilespmem:$0x1C0];
	_ =	sdelay $0x4  }
0x269: {  	v28 =	vshrl.u32 v3, $0x3  }
0x26a: {  	v4 =	vmul.u32 $0x30, v28  }
0x26b: {  	v3 =	vand.u32 $0x7, v3  }
0x26c: {  	v3 =	vor.u32 v3, v4  }
0x26d: {  	v4 =	vperm.xlane v3, v0;
	_ =	sdelay $0x1  }
0x26e: {  	v4 =	vadd.s32 v1, v4;
	_ =	sdelay $0x3  }
0x26f: {  	v3 =	vperm.xlane v3, v2  }
0x270: {  	[tilespmem:s4], [sflag:$0x2] =	stream.indirect_vreg.gather [hbm4b:s2+s3], $0x80, v4, vm0, $0xb8;
	[tilespmem:$0x18400] =	vst v63  }
0x271: {  	s22 =	simm.s32 $0xCC00;
	v3 =	vadd.s32 v1, v3  }
0x272: {  	[tilespmem:s22], [sflag:$0x2] =	stream.indirect_vreg.gather [hbm4b:s5+s3], $0x80, v4, vm0, $0xb8;
	[tilespmem:$0x18400] =	vst v63  }
0x273: {  	s12 =	simm.s32 $0xD400  }
0x274: {  	[tilespmem:s12], [sflag:$0x2] =	stream.indirect_vreg.gather [hbm4b:s6+s3], $0x80, v4, vm0, $0xb8;
	[tilespmem:$0x18400] =	vst v63  }
0x275: {  	s26 =	simm.s32 $0xDC00  }
0x276: {  	[tilespmem:s26], [sflag:$0x2] =	stream.indirect_vreg.gather [hbm4b:s2+s3], $0x80, v3, vm0, $0xb8;
	[tilespmem:$0x18400] =	vst v63  }
0x277: {  	s7 =	simm.s32 $0xE400  }
0x278: {  	[tilespmem:s7], [sflag:$0x2] =	stream.indirect_vreg.gather [hbm4b:s5+s3], $0x80, v3, vm0, $0xb8;
	[tilespmem:$0x18400] =	vst v63  }
0x279: {  	s12 =	simm.s32 $0xEC00  }
0x27a: {  	[tilespmem:s12], [sflag:$0x2] =	stream.indirect_vreg.gather [hbm4b:s6+s3], $0x80, v3, vm0, $0xb8;
	[tilespmem:$0x18400] =	vst v63  }
0x27b: {  	v3 =	vld [tilespmem:$0x1D0];
	_ =	sdelay $0x4  }
0x27c: {  	v29 =	vshrl.u32 v3, $0x3  }
0x27d: {  	v4 =	vmul.u32 $0x30, v29  }
0x27e: {  	v3 =	vand.u32 $0x7, v3  }
0x27f: {  	v3 =	vor.u32 v3, v4  }
0x280: {  	v4 =	vperm.xlane v3, v0;
	_ =	sdelay $0x1  }
0x281: {  	v4 =	vadd.s32 v1, v4;
	_ =	sdelay $0x3  }
0x282: {  	s12 =	simm.s32 $0xF400;
	v3 =	vperm.xlane v3, v2  }
0x283: {  	[tilespmem:s12], [sflag:$0x2] =	stream.indirect_vreg.gather [hbm4b:s2+s3], $0x80, v4, vm0, $0xb8;
	[tilespmem:$0x18400] =	vst v63  }
0x284: {  	s13 =	simm.s32 $0xFC00;
	v3 =	vadd.s32 v1, v3  }
0x285: {  	[tilespmem:s13], [sflag:$0x2] =	stream.indirect_vreg.gather [hbm4b:s5+s3], $0x80, v4, vm0, $0xb8;
	[tilespmem:$0x18400] =	vst v63  }
0x286: {  	s14 =	simm.s32 $0x10400  }
0x287: {  	[tilespmem:s14], [sflag:$0x2] =	stream.indirect_vreg.gather [hbm4b:s6+s3], $0x80, v4, vm0, $0xb8;
	[tilespmem:$0x18400] =	vst v63  }
0x288: {  	s12 =	simm.s32 $0x10C00  }
0x289: {  	[tilespmem:s12], [sflag:$0x2] =	stream.indirect_vreg.gather [hbm4b:s2+s3], $0x80, v3, vm0, $0xb8;
	[tilespmem:$0x18400] =	vst v63  }
0x28a: {  	s12 =	simm.s32 $0x11400  }
0x28b: {  	[tilespmem:s12], [sflag:$0x2] =	stream.indirect_vreg.gather [hbm4b:s5+s3], $0x80, v3, vm0, $0xb8;
	[tilespmem:$0x18400] =	vst v63  }
0x28c: {  	s12 =	simm.s32 $0x11C00  }
0x28d: {  	[tilespmem:s12], [sflag:$0x2] =	stream.indirect_vreg.gather [hbm4b:s6+s3], $0x80, v3, vm0, $0xb8;
	[tilespmem:$0x18400] =	vst v63  }
0x28e: {  	v3 =	vld [tilespmem:$0x1E0];
	_ =	sdelay $0x4  }
0x28f: {  	v30 =	vshrl.u32 v3, $0x3  }
0x290: {  	v4 =	vmul.u32 $0x30, v30  }
0x291: {  	v3 =	vand.u32 $0x7, v3  }
0x292: {  	v3 =	vor.u32 v3, v4  }
0x293: {  	v4 =	vperm.xlane v3, v0;
	_ =	sdelay $0x1  }
0x294: {  	v4 =	vadd.s32 v1, v4;
	_ =	sdelay $0x3  }
0x295: {  	s12 =	simm.s32 $0x12400;
	v3 =	vperm.xlane v3, v2  }
0x296: {  	[tilespmem:s12], [sflag:$0x2] =	stream.indirect_vreg.gather [hbm4b:s2+s3], $0x80, v4, vm0, $0xb8;
	[tilespmem:$0x18400] =	vst v63  }
0x297: {  	v3 =	vadd.s32 v1, v3;
	s12 =	simm.s32 $0x12C00  }
0x298: {  	[tilespmem:s12], [sflag:$0x2] =	stream.indirect_vreg.gather [hbm4b:s5+s3], $0x80, v4, vm0, $0xb8;
	[tilespmem:$0x18400] =	vst v63  }
0x299: {  	s12 =	simm.s32 $0x13400  }
0x29a: {  	[tilespmem:s12], [sflag:$0x2] =	stream.indirect_vreg.gather [hbm4b:s6+s3], $0x80, v4, vm0, $0xb8;
	[tilespmem:$0x18400] =	vst v63  }
0x29b: {  	s12 =	simm.s32 $0x13C00  }
0x29c: {  	[tilespmem:s12], [sflag:$0x2] =	stream.indirect_vreg.gather [hbm4b:s2+s3], $0x80, v3, vm0, $0xb8;
	[tilespmem:$0x18400] =	vst v63  }
0x29d: {  	s12 =	simm.s32 $0x14400  }
0x29e: {  	[tilespmem:s12], [sflag:$0x2] =	stream.indirect_vreg.gather [hbm4b:s5+s3], $0x80, v3, vm0, $0xb8;
	[tilespmem:$0x18400] =	vst v63  }
0x29f: {  	s12 =	simm.s32 $0x14C00  }
0x2a0: {  	[tilespmem:s12], [sflag:$0x2] =	stream.indirect_vreg.gather [hbm4b:s6+s3], $0x80, v3, vm0, $0xb8;
	[tilespmem:$0x18400] =	vst v63  }
0x2a1: {  	v3 =	vld [tilespmem:$0x1F0];
	_ =	sdelay $0x4  }
0x2a2: {  	v31 =	vshrl.u32 v3, $0x3  }
0x2a3: {  	v4 =	vmul.u32 $0x30, v31  }
0x2a4: {  	v3 =	vand.u32 $0x7, v3  }
0x2a5: {  	v3 =	vor.u32 v3, v4  }
0x2a6: {  	v4 =	vperm.xlane v3, v0;
	_ =	sdelay $0x1  }
0x2a7: {  	v4 =	vadd.s32 v1, v4;
	_ =	sdelay $0x3  }
0x2a8: {  	s12 =	simm.s32 $0x15400;
	v3 =	vperm.xlane v3, v2  }
0x2a9: {  	[tilespmem:s12], [sflag:$0x2] =	stream.indirect_vreg.gather [hbm4b:s2+s3], $0x80, v4, vm0, $0xb8;
	[tilespmem:$0x18400] =	vst v63  }
0x2aa: {  	v3 =	vadd.s32 v1, v3;
	s12 =	simm.s32 $0x15C00  }
0x2ab: {  	[tilespmem:s12], [sflag:$0x2] =	stream.indirect_vreg.gather [hbm4b:s5+s3], $0x80, v4, vm0, $0xb8;
	[tilespmem:$0x18400] =	vst v63  }
0x2ac: {  	s12 =	simm.s32 $0x16400  }
0x2ad: {  	[tilespmem:s12], [sflag:$0x2] =	stream.indirect_vreg.gather [hbm4b:s6+s3], $0x80, v4, vm0, $0xb8;
	[tilespmem:$0x18400] =	vst v63  }
0x2ae: {  	s12 =	simm.s32 $0x16C00  }
0x2af: {  	[tilespmem:s12], [sflag:$0x2] =	stream.indirect_vreg.gather [hbm4b:s2+s3], $0x80, v3, vm0, $0xb8;
	[tilespmem:$0x18400] =	vst v63  }
0x2b0: {  	s12 =	simm.s32 $0x17400  }
0x2b1: {  	[tilespmem:s12], [sflag:$0x2] =	stream.indirect_vreg.gather [hbm4b:s5+s3], $0x80, v3, vm0, $0xb8;
	[tilespmem:$0x18400] =	vst v63  }
0x2b2: {  	s12 =	simm.s32 $0x17C00  }
0x2b3: {  	[tilespmem:s12], [sflag:$0x2] =	stream.indirect_vreg.gather [hbm4b:s6+s3], $0x80, v3, vm0, $0xb8;
	[tilespmem:$0x18400] =	vst v63  }
0x2b4: {  	_ =	swait.ge [sflag:s1], $0xC000  }
0x2b5: {  	[sflag:s1] =	ssyncset.done $0x0  }
0x2b6: {  	s12 =	rddreg [dreg:$0xb];
	[sflag:s1] =	ssyncadd.s32 $0xFFFF4000  }
0x2b7: {  	[hbm4b:s12+s3] =	stream.linear.scatter [tilespmem:s31], [sflag:$0x3], $0xC000, $0x38;
	[tilespmem:$0x18400] =	vst v63  }
0x2b8: {  	_ =	swait.ge [sflag:s8], $0xC000  }
0x2b9: {  	[sflag:s8] =	ssyncset.done $0x0  }
0x2ba: {  	[sflag:s8] =	ssyncadd.s32 $0xFFFF4000  }
0x2bb: {  	v3 =	vld [tilespmem:$0x200];
	_ =	sdelay $0x4  }
0x2bc: {  	v32 =	vshrl.u32 v3, $0x3  }
0x2bd: {  	v4 =	vmul.u32 $0x30, v32  }
0x2be: {  	v3 =	vand.u32 $0x7, v3  }
0x2bf: {  	v3 =	vor.u32 v3, v4  }
0x2c0: {  	v4 =	vperm.xlane v3, v0;
	_ =	sdelay $0x1  }
0x2c1: {  	v4 =	vadd.s32 v1, v4;
	_ =	sdelay $0x3  }
0x2c2: {  	v3 =	vperm.xlane v3, v2  }
0x2c3: {  	[tilespmem:s31], [sflag:$0x1] =	stream.indirect_vreg.gather [hbm4b:s2+s3], $0x80, v4, vm0, $0xb8;
	[tilespmem:$0x18400] =	vst v63  }
0x2c4: {  	s12 =	simm.s32 $0xC00;
	v3 =	vadd.s32 v1, v3  }
0x2c5: {  	[tilespmem:s12], [sflag:$0x1] =	stream.indirect_vreg.gather [hbm4b:s5+s3], $0x80, v4, vm0, $0xb8;
	[tilespmem:$0x18400] =	vst v63  }
0x2c6: {  	s12 =	simm.s32 $0x1400  }
0x2c7: {  	[tilespmem:s12], [sflag:$0x1] =	stream.indirect_vreg.gather [hbm4b:s6+s3], $0x80, v4, vm0, $0xb8;
	[tilespmem:$0x18400] =	vst v63  }
0x2c8: {  	s0 =	simm.s32 $0x1C00  }
0x2c9: {  	[tilespmem:s0], [sflag:$0x1] =	stream.indirect_vreg.gather [hbm4b:s2+s3], $0x80, v3, vm0, $0xb8;
	[tilespmem:$0x18400] =	vst v63  }
0x2ca: {  	s15 =	simm.s32 $0x2400  }
0x2cb: {  	[tilespmem:s15], [sflag:$0x1] =	stream.indirect_vreg.gather [hbm4b:s5+s3], $0x80, v3, vm0, $0xb8;
	[tilespmem:$0x18400] =	vst v63  }
0x2cc: {  	s12 =	simm.s32 $0x2C00  }
0x2cd: {  	[tilespmem:s12], [sflag:$0x1] =	stream.indirect_vreg.gather [hbm4b:s6+s3], $0x80, v3, vm0, $0xb8;
	[tilespmem:$0x18400] =	vst v63  }
0x2ce: {  	v3 =	vld [tilespmem:$0x210];
	_ =	sdelay $0x4  }
0x2cf: {  	v33 =	vshrl.u32 v3, $0x3  }
0x2d0: {  	v4 =	vmul.u32 $0x30, v33  }
0x2d1: {  	v3 =	vand.u32 $0x7, v3  }
0x2d2: {  	v3 =	vor.u32 v3, v4  }
0x2d3: {  	v4 =	vperm.xlane v3, v0;
	_ =	sdelay $0x1  }
0x2d4: {  	v4 =	vadd.s32 v1, v4;
	_ =	sdelay $0x3  }
0x2d5: {  	s12 =	simm.s32 $0x3400;
	v3 =	vperm.xlane v3, v2  }
0x2d6: {  	[tilespmem:s12], [sflag:$0x1] =	stream.indirect_vreg.gather [hbm4b:s2+s3], $0x80, v4, vm0, $0xb8;
	[tilespmem:$0x18400] =	vst v63  }
0x2d7: {  	s16 =	simm.s32 $0x3C00;
	v3 =	vadd.s32 v1, v3  }
0x2d8: {  	[tilespmem:s16], [sflag:$0x1] =	stream.indirect_vreg.gather [hbm4b:s5+s3], $0x80, v4, vm0, $0xb8;
	[tilespmem:$0x18400] =	vst v63  }
0x2d9: {  	s17 =	simm.s32 $0x4400  }
0x2da: {  	[tilespmem:s17], [sflag:$0x1] =	stream.indirect_vreg.gather [hbm4b:s6+s3], $0x80, v4, vm0, $0xb8;
	[tilespmem:$0x18400] =	vst v63  }
0x2db: {  	s18 =	simm.s32 $0x4C00  }
0x2dc: {  	[tilespmem:s18], [sflag:$0x1] =	stream.indirect_vreg.gather [hbm4b:s2+s3], $0x80, v3, vm0, $0xb8;
	[tilespmem:$0x18400] =	vst v63  }
0x2dd: {  	s19 =	simm.s32 $0x5400  }
0x2de: {  	[tilespmem:s19], [sflag:$0x1] =	stream.indirect_vreg.gather [hbm4b:s5+s3], $0x80, v3, vm0, $0xb8;
	[tilespmem:$0x18400] =	vst v63  }
0x2df: {  	s12 =	simm.s32 $0x5C00  }
0x2e0: {  	[tilespmem:s12], [sflag:$0x1] =	stream.indirect_vreg.gather [hbm4b:s6+s3], $0x80, v3, vm0, $0xb8;
	[tilespmem:$0x18400] =	vst v63  }
0x2e1: {  	v3 =	vld [tilespmem:$0x220];
	_ =	sdelay $0x4  }
0x2e2: {  	v34 =	vshrl.u32 v3, $0x3  }
0x2e3: {  	v4 =	vmul.u32 $0x30, v34  }
0x2e4: {  	v3 =	vand.u32 $0x7, v3  }
0x2e5: {  	v3 =	vor.u32 v3, v4  }
0x2e6: {  	v4 =	vperm.xlane v3, v0;
	_ =	sdelay $0x1  }
0x2e7: {  	v4 =	vadd.s32 v1, v4;
	_ =	sdelay $0x3  }
0x2e8: {  	s12 =	simm.s32 $0x6400;
	v3 =	vperm.xlane v3, v2  }
0x2e9: {  	[tilespmem:s12], [sflag:$0x1] =	stream.indirect_vreg.gather [hbm4b:s2+s3], $0x80, v4, vm0, $0xb8;
	[tilespmem:$0x18400] =	vst v63  }
0x2ea: {  	s20 =	simm.s32 $0x6C00;
	v3 =	vadd.s32 v1, v3  }
0x2eb: {  	[tilespmem:s20], [sflag:$0x1] =	stream.indirect_vreg.gather [hbm4b:s5+s3], $0x80, v4, vm0, $0xb8;
	[tilespmem:$0x18400] =	vst v63  }
0x2ec: {  	s21 =	simm.s32 $0x7400  }
0x2ed: {  	[tilespmem:s21], [sflag:$0x1] =	stream.indirect_vreg.gather [hbm4b:s6+s3], $0x80, v4, vm0, $0xb8;
	[tilespmem:$0x18400] =	vst v63  }
0x2ee: {  	s9 =	simm.s32 $0x7C00  }
0x2ef: {  	[tilespmem:s9], [sflag:$0x1] =	stream.indirect_vreg.gather [hbm4b:s2+s3], $0x80, v3, vm0, $0xb8;
	[tilespmem:$0x18400] =	vst v63  }
0x2f0: {  	s23 =	simm.s32 $0x8400  }
0x2f1: {  	[tilespmem:s23], [sflag:$0x1] =	stream.indirect_vreg.gather [hbm4b:s5+s3], $0x80, v3, vm0, $0xb8;
	[tilespmem:$0x18400] =	vst v63  }
0x2f2: {  	s12 =	simm.s32 $0x8C00  }
0x2f3: {  	[tilespmem:s12], [sflag:$0x1] =	stream.indirect_vreg.gather [hbm4b:s6+s3], $0x80, v3, vm0, $0xb8;
	[tilespmem:$0x18400] =	vst v63  }
0x2f4: {  	v3 =	vld [tilespmem:$0x230];
	_ =	sdelay $0x4  }
0x2f5: {  	v35 =	vshrl.u32 v3, $0x3  }
0x2f6: {  	v4 =	vmul.u32 $0x30, v35  }
0x2f7: {  	v3 =	vand.u32 $0x7, v3  }
0x2f8: {  	v3 =	vor.u32 v3, v4  }
0x2f9: {  	v4 =	vperm.xlane v3, v0;
	_ =	sdelay $0x1  }
0x2fa: {  	v4 =	vadd.s32 v1, v4;
	_ =	sdelay $0x3  }
0x2fb: {  	s12 =	simm.s32 $0x9400;
	v3 =	vperm.xlane v3, v2  }
0x2fc: {  	[tilespmem:s12], [sflag:$0x1] =	stream.indirect_vreg.gather [hbm4b:s2+s3], $0x80, v4, vm0, $0xb8;
	[tilespmem:$0x18400] =	vst v63  }
0x2fd: {  	s24 =	simm.s32 $0x9C00;
	v3 =	vadd.s32 v1, v3  }
0x2fe: {  	[tilespmem:s24], [sflag:$0x1] =	stream.indirect_vreg.gather [hbm4b:s5+s3], $0x80, v4, vm0, $0xb8;
	[tilespmem:$0x18400] =	vst v63  }
0x2ff: {  	s25 =	simm.s32 $0xA400  }
0x300: {  	[tilespmem:s25], [sflag:$0x1] =	stream.indirect_vreg.gather [hbm4b:s6+s3], $0x80, v4, vm0, $0xb8;
	[tilespmem:$0x18400] =	vst v63  }
0x301: {  	s28 =	simm.s32 $0xAC00  }
0x302: {  	[tilespmem:s28], [sflag:$0x1] =	stream.indirect_vreg.gather [hbm4b:s2+s3], $0x80, v3, vm0, $0xb8;
	[tilespmem:$0x18400] =	vst v63  }
0x303: {  	s29 =	simm.s32 $0xB400  }
0x304: {  	[tilespmem:s29], [sflag:$0x1] =	stream.indirect_vreg.gather [hbm4b:s5+s3], $0x80, v3, vm0, $0xb8;
	[tilespmem:$0x18400] =	vst v63  }
0x305: {  	s30 =	simm.s32 $0xBC00  }
0x306: {  	[tilespmem:s30], [sflag:$0x1] =	stream.indirect_vreg.gather [hbm4b:s6+s3], $0x80, v3, vm0, $0xb8;
	[tilespmem:$0x18400] =	vst v63  }
0x307: {  	_ =	swait.ge [sflag:s11], $0xC000  }
0x308: {  	[sflag:s11] =	ssyncset.done $0x0  }
0x309: {  	s12 =	rddreg [dreg:$0xc];
	[sflag:s11] =	ssyncadd.s32 $0xFFFF4000  }
0x30a: {  	[hbm4b:s12+s3] =	stream.linear.scatter [tilespmem:s4], [sflag:$0x4], $0xC000, $0x38;
	[tilespmem:$0x18400] =	vst v63  }
0x30b: {  	_ =	swait.ge [sflag:s10], $0xC000  }
0x30c: {  	[sflag:s10] =	ssyncset.done $0x0  }
0x30d: {  	[sflag:s10] =	ssyncadd.s32 $0xFFFF4000  }
0x30e: {  	v3 =	vld [tilespmem:$0x240];
	_ =	sdelay $0x4  }
0x30f: {  	v36 =	vshrl.u32 v3, $0x3  }
0x310: {  	v4 =	vmul.u32 $0x30, v36  }
0x311: {  	v3 =	vand.u32 $0x7, v3  }
0x312: {  	v3 =	vor.u32 v3, v4  }
0x313: {  	v4 =	vperm.xlane v3, v0;
	_ =	sdelay $0x1  }
0x314: {  	v4 =	vadd.s32 v1, v4;
	_ =	sdelay $0x3  }
0x315: {  	v3 =	vperm.xlane v3, v2  }
0x316: {  	[tilespmem:s4], [sflag:$0x2] =	stream.indirect_vreg.gather [hbm4b:s2+s3], $0x80, v4, vm0, $0xb8;
	[tilespmem:$0x18400] =	vst v63  }
0x317: {  	s22 =	simm.s32 $0xCC00;
	v3 =	vadd.s32 v1, v3  }
0x318: {  	[tilespmem:s22], [sflag:$0x2] =	stream.indirect_vreg.gather [hbm4b:s5+s3], $0x80, v4, vm0, $0xb8;
	[tilespmem:$0x18400] =	vst v63  }
0x319: {  	s12 =	simm.s32 $0xD400  }
0x31a: {  	[tilespmem:s12], [sflag:$0x2] =	stream.indirect_vreg.gather [hbm4b:s6+s3], $0x80, v4, vm0, $0xb8;
	[tilespmem:$0x18400] =	vst v63  }
0x31b: {  	s26 =	simm.s32 $0xDC00  }
0x31c: {  	[tilespmem:s26], [sflag:$0x2] =	stream.indirect_vreg.gather [hbm4b:s2+s3], $0x80, v3, vm0, $0xb8;
	[tilespmem:$0x18400] =	vst v63  }
0x31d: {  	s7 =	simm.s32 $0xE400  }
0x31e: {  	[tilespmem:s7], [sflag:$0x2] =	stream.indirect_vreg.gather [hbm4b:s5+s3], $0x80, v3, vm0, $0xb8;
	[tilespmem:$0x18400] =	vst v63  }
0x31f: {  	s12 =	simm.s32 $0xEC00  }
0x320: {  	[tilespmem:s12], [sflag:$0x2] =	stream.indirect_vreg.gather [hbm4b:s6+s3], $0x80, v3, vm0, $0xb8;
	[tilespmem:$0x18400] =	vst v63  }
0x321: {  	v3 =	vld [tilespmem:$0x250];
	_ =	sdelay $0x4  }
0x322: {  	v37 =	vshrl.u32 v3, $0x3  }
0x323: {  	v4 =	vmul.u32 $0x30, v37  }
0x324: {  	v3 =	vand.u32 $0x7, v3  }
0x325: {  	v3 =	vor.u32 v3, v4  }
0x326: {  	v4 =	vperm.xlane v3, v0;
	_ =	sdelay $0x1  }
0x327: {  	v4 =	vadd.s32 v1, v4;
	_ =	sdelay $0x3  }
0x328: {  	s12 =	simm.s32 $0xF400;
	v3 =	vperm.xlane v3, v2  }
0x329: {  	[tilespmem:s12], [sflag:$0x2] =	stream.indirect_vreg.gather [hbm4b:s2+s3], $0x80, v4, vm0, $0xb8;
	[tilespmem:$0x18400] =	vst v63  }
0x32a: {  	s13 =	simm.s32 $0xFC00;
	v3 =	vadd.s32 v1, v3  }
0x32b: {  	[tilespmem:s13], [sflag:$0x2] =	stream.indirect_vreg.gather [hbm4b:s5+s3], $0x80, v4, vm0, $0xb8;
	[tilespmem:$0x18400] =	vst v63  }
0x32c: {  	s14 =	simm.s32 $0x10400  }
0x32d: {  	[tilespmem:s14], [sflag:$0x2] =	stream.indirect_vreg.gather [hbm4b:s6+s3], $0x80, v4, vm0, $0xb8;
	[tilespmem:$0x18400] =	vst v63  }
0x32e: {  	s12 =	simm.s32 $0x10C00  }
0x32f: {  	[tilespmem:s12], [sflag:$0x2] =	stream.indirect_vreg.gather [hbm4b:s2+s3], $0x80, v3, vm0, $0xb8;
	[tilespmem:$0x18400] =	vst v63  }
0x330: {  	s12 =	simm.s32 $0x11400  }
0x331: {  	[tilespmem:s12], [sflag:$0x2] =	stream.indirect_vreg.gather [hbm4b:s5+s3], $0x80, v3, vm0, $0xb8;
	[tilespmem:$0x18400] =	vst v63  }
0x332: {  	s12 =	simm.s32 $0x11C00  }
0x333: {  	[tilespmem:s12], [sflag:$0x2] =	stream.indirect_vreg.gather [hbm4b:s6+s3], $0x80, v3, vm0, $0xb8;
	[tilespmem:$0x18400] =	vst v63  }
0x334: {  	v3 =	vld [tilespmem:$0x260];
	_ =	sdelay $0x4  }
0x335: {  	v38 =	vshrl.u32 v3, $0x3  }
0x336: {  	v4 =	vmul.u32 $0x30, v38  }
0x337: {  	v3 =	vand.u32 $0x7, v3  }
0x338: {  	v3 =	vor.u32 v3, v4  }
0x339: {  	v4 =	vperm.xlane v3, v0;
	_ =	sdelay $0x1  }
0x33a: {  	v4 =	vadd.s32 v1, v4;
	_ =	sdelay $0x3  }
0x33b: {  	s12 =	simm.s32 $0x12400;
	v3 =	vperm.xlane v3, v2  }
0x33c: {  	[tilespmem:s12], [sflag:$0x2] =	stream.indirect_vreg.gather [hbm4b:s2+s3], $0x80, v4, vm0, $0xb8;
	[tilespmem:$0x18400] =	vst v63  }
0x33d: {  	v3 =	vadd.s32 v1, v3;
	s12 =	simm.s32 $0x12C00  }
0x33e: {  	[tilespmem:s12], [sflag:$0x2] =	stream.indirect_vreg.gather [hbm4b:s5+s3], $0x80, v4, vm0, $0xb8;
	[tilespmem:$0x18400] =	vst v63  }
0x33f: {  	s12 =	simm.s32 $0x13400  }
0x340: {  	[tilespmem:s12], [sflag:$0x2] =	stream.indirect_vreg.gather [hbm4b:s6+s3], $0x80, v4, vm0, $0xb8;
	[tilespmem:$0x18400] =	vst v63  }
0x341: {  	s12 =	simm.s32 $0x13C00  }
0x342: {  	[tilespmem:s12], [sflag:$0x2] =	stream.indirect_vreg.gather [hbm4b:s2+s3], $0x80, v3, vm0, $0xb8;
	[tilespmem:$0x18400] =	vst v63  }
0x343: {  	s12 =	simm.s32 $0x14400  }
0x344: {  	[tilespmem:s12], [sflag:$0x2] =	stream.indirect_vreg.gather [hbm4b:s5+s3], $0x80, v3, vm0, $0xb8;
	[tilespmem:$0x18400] =	vst v63  }
0x345: {  	s12 =	simm.s32 $0x14C00  }
0x346: {  	[tilespmem:s12], [sflag:$0x2] =	stream.indirect_vreg.gather [hbm4b:s6+s3], $0x80, v3, vm0, $0xb8;
	[tilespmem:$0x18400] =	vst v63  }
0x347: {  	v3 =	vld [tilespmem:$0x270];
	_ =	sdelay $0x4  }
0x348: {  	v39 =	vshrl.u32 v3, $0x3  }
0x349: {  	v4 =	vmul.u32 $0x30, v39  }
0x34a: {  	v3 =	vand.u32 $0x7, v3  }
0x34b: {  	v3 =	vor.u32 v3, v4  }
0x34c: {  	v4 =	vperm.xlane v3, v0;
	_ =	sdelay $0x1  }
0x34d: {  	v4 =	vadd.s32 v1, v4;
	_ =	sdelay $0x3  }
0x34e: {  	s12 =	simm.s32 $0x15400;
	v3 =	vperm.xlane v3, v2  }
0x34f: {  	[tilespmem:s12], [sflag:$0x2] =	stream.indirect_vreg.gather [hbm4b:s2+s3], $0x80, v4, vm0, $0xb8;
	[tilespmem:$0x18400] =	vst v63  }
0x350: {  	v3 =	vadd.s32 v1, v3;
	s12 =	simm.s32 $0x15C00  }
0x351: {  	[tilespmem:s12], [sflag:$0x2] =	stream.indirect_vreg.gather [hbm4b:s5+s3], $0x80, v4, vm0, $0xb8;
	[tilespmem:$0x18400] =	vst v63  }
0x352: {  	s12 =	simm.s32 $0x16400  }
0x353: {  	[tilespmem:s12], [sflag:$0x2] =	stream.indirect_vreg.gather [hbm4b:s6+s3], $0x80, v4, vm0, $0xb8;
	[tilespmem:$0x18400] =	vst v63  }
0x354: {  	s12 =	simm.s32 $0x16C00  }
0x355: {  	[tilespmem:s12], [sflag:$0x2] =	stream.indirect_vreg.gather [hbm4b:s2+s3], $0x80, v3, vm0, $0xb8;
	[tilespmem:$0x18400] =	vst v63  }
0x356: {  	s12 =	simm.s32 $0x17400  }
0x357: {  	[tilespmem:s12], [sflag:$0x2] =	stream.indirect_vreg.gather [hbm4b:s5+s3], $0x80, v3, vm0, $0xb8;
	[tilespmem:$0x18400] =	vst v63  }
0x358: {  	s12 =	simm.s32 $0x17C00  }
0x359: {  	[tilespmem:s12], [sflag:$0x2] =	stream.indirect_vreg.gather [hbm4b:s6+s3], $0x80, v3, vm0, $0xb8;
	[tilespmem:$0x18400] =	vst v63  }
0x35a: {  	_ =	swait.ge [sflag:s1], $0xC000  }
0x35b: {  	[sflag:s1] =	ssyncset.done $0x0  }
0x35c: {  	s12 =	rddreg [dreg:$0xd];
	[sflag:s1] =	ssyncadd.s32 $0xFFFF4000  }
0x35d: {  	[hbm4b:s12+s3] =	stream.linear.scatter [tilespmem:s31], [sflag:$0x3], $0xC000, $0x38;
	[tilespmem:$0x18400] =	vst v63  }
0x35e: {  	_ =	swait.ge [sflag:s8], $0xC000  }
0x35f: {  	[sflag:s8] =	ssyncset.done $0x0  }
0x360: {  	[sflag:s8] =	ssyncadd.s32 $0xFFFF4000  }
0x361: {  	v3 =	vld [tilespmem:$0x280];
	_ =	sdelay $0x4  }
0x362: {  	v40 =	vshrl.u32 v3, $0x3  }
0x363: {  	v4 =	vmul.u32 $0x30, v40  }
0x364: {  	v3 =	vand.u32 $0x7, v3  }
0x365: {  	v3 =	vor.u32 v3, v4  }
0x366: {  	v4 =	vperm.xlane v3, v0;
	_ =	sdelay $0x1  }
0x367: {  	v4 =	vadd.s32 v1, v4;
	_ =	sdelay $0x3  }
0x368: {  	v3 =	vperm.xlane v3, v2  }
0x369: {  	[tilespmem:s31], [sflag:$0x1] =	stream.indirect_vreg.gather [hbm4b:s2+s3], $0x80, v4, vm0, $0xb8;
	[tilespmem:$0x18400] =	vst v63  }
0x36a: {  	s12 =	simm.s32 $0xC00;
	v3 =	vadd.s32 v1, v3  }
0x36b: {  	[tilespmem:s12], [sflag:$0x1] =	stream.indirect_vreg.gather [hbm4b:s5+s3], $0x80, v4, vm0, $0xb8;
	[tilespmem:$0x18400] =	vst v63  }
0x36c: {  	s12 =	simm.s32 $0x1400  }
0x36d: {  	[tilespmem:s12], [sflag:$0x1] =	stream.indirect_vreg.gather [hbm4b:s6+s3], $0x80, v4, vm0, $0xb8;
	[tilespmem:$0x18400] =	vst v63  }
0x36e: {  	s0 =	simm.s32 $0x1C00  }
0x36f: {  	[tilespmem:s0], [sflag:$0x1] =	stream.indirect_vreg.gather [hbm4b:s2+s3], $0x80, v3, vm0, $0xb8;
	[tilespmem:$0x18400] =	vst v63  }
0x370: {  	s15 =	simm.s32 $0x2400  }
0x371: {  	[tilespmem:s15], [sflag:$0x1] =	stream.indirect_vreg.gather [hbm4b:s5+s3], $0x80, v3, vm0, $0xb8;
	[tilespmem:$0x18400] =	vst v63  }
0x372: {  	s12 =	simm.s32 $0x2C00  }
0x373: {  	[tilespmem:s12], [sflag:$0x1] =	stream.indirect_vreg.gather [hbm4b:s6+s3], $0x80, v3, vm0, $0xb8;
	[tilespmem:$0x18400] =	vst v63  }
0x374: {  	v3 =	vld [tilespmem:$0x290];
	_ =	sdelay $0x4  }
0x375: {  	v41 =	vshrl.u32 v3, $0x3  }
0x376: {  	v4 =	vmul.u32 $0x30, v41  }
0x377: {  	v3 =	vand.u32 $0x7, v3  }
0x378: {  	v3 =	vor.u32 v3, v4  }
0x379: {  	v4 =	vperm.xlane v3, v0;
	_ =	sdelay $0x1  }
0x37a: {  	v4 =	vadd.s32 v1, v4;
	_ =	sdelay $0x3  }
0x37b: {  	s12 =	simm.s32 $0x3400;
	v3 =	vperm.xlane v3, v2  }
0x37c: {  	[tilespmem:s12], [sflag:$0x1] =	stream.indirect_vreg.gather [hbm4b:s2+s3], $0x80, v4, vm0, $0xb8;
	[tilespmem:$0x18400] =	vst v63  }
0x37d: {  	s16 =	simm.s32 $0x3C00;
	v3 =	vadd.s32 v1, v3  }
0x37e: {  	[tilespmem:s16], [sflag:$0x1] =	stream.indirect_vreg.gather [hbm4b:s5+s3], $0x80, v4, vm0, $0xb8;
	[tilespmem:$0x18400] =	vst v63  }
0x37f: {  	s17 =	simm.s32 $0x4400  }
0x380: {  	[tilespmem:s17], [sflag:$0x1] =	stream.indirect_vreg.gather [hbm4b:s6+s3], $0x80, v4, vm0, $0xb8;
	[tilespmem:$0x18400] =	vst v63  }
0x381: {  	s18 =	simm.s32 $0x4C00  }
0x382: {  	[tilespmem:s18], [sflag:$0x1] =	stream.indirect_vreg.gather [hbm4b:s2+s3], $0x80, v3, vm0, $0xb8;
	[tilespmem:$0x18400] =	vst v63  }
0x383: {  	s19 =	simm.s32 $0x5400  }
0x384: {  	[tilespmem:s19], [sflag:$0x1] =	stream.indirect_vreg.gather [hbm4b:s5+s3], $0x80, v3, vm0, $0xb8;
	[tilespmem:$0x18400] =	vst v63  }
0x385: {  	s12 =	simm.s32 $0x5C00  }
0x386: {  	[tilespmem:s12], [sflag:$0x1] =	stream.indirect_vreg.gather [hbm4b:s6+s3], $0x80, v3, vm0, $0xb8;
	[tilespmem:$0x18400] =	vst v63  }
0x387: {  	v3 =	vld [tilespmem:$0x2A0];
	_ =	sdelay $0x4  }
0x388: {  	v42 =	vshrl.u32 v3, $0x3  }
0x389: {  	v4 =	vmul.u32 $0x30, v42  }
0x38a: {  	v3 =	vand.u32 $0x7, v3  }
0x38b: {  	v3 =	vor.u32 v3, v4  }
0x38c: {  	v4 =	vperm.xlane v3, v0;
	_ =	sdelay $0x1  }
0x38d: {  	v4 =	vadd.s32 v1, v4;
	_ =	sdelay $0x3  }
0x38e: {  	s12 =	simm.s32 $0x6400;
	v3 =	vperm.xlane v3, v2  }
0x38f: {  	[tilespmem:s12], [sflag:$0x1] =	stream.indirect_vreg.gather [hbm4b:s2+s3], $0x80, v4, vm0, $0xb8;
	[tilespmem:$0x18400] =	vst v63  }
0x390: {  	s20 =	simm.s32 $0x6C00;
	v3 =	vadd.s32 v1, v3  }
0x391: {  	[tilespmem:s20], [sflag:$0x1] =	stream.indirect_vreg.gather [hbm4b:s5+s3], $0x80, v4, vm0, $0xb8;
	[tilespmem:$0x18400] =	vst v63  }
0x392: {  	s21 =	simm.s32 $0x7400  }
0x393: {  	[tilespmem:s21], [sflag:$0x1] =	stream.indirect_vreg.gather [hbm4b:s6+s3], $0x80, v4, vm0, $0xb8;
	[tilespmem:$0x18400] =	vst v63  }
0x394: {  	s9 =	simm.s32 $0x7C00  }
0x395: {  	[tilespmem:s9], [sflag:$0x1] =	stream.indirect_vreg.gather [hbm4b:s2+s3], $0x80, v3, vm0, $0xb8;
	[tilespmem:$0x18400] =	vst v63  }
0x396: {  	s23 =	simm.s32 $0x8400  }
0x397: {  	[tilespmem:s23], [sflag:$0x1] =	stream.indirect_vreg.gather [hbm4b:s5+s3], $0x80, v3, vm0, $0xb8;
	[tilespmem:$0x18400] =	vst v63  }
0x398: {  	s12 =	simm.s32 $0x8C00  }
0x399: {  	[tilespmem:s12], [sflag:$0x1] =	stream.indirect_vreg.gather [hbm4b:s6+s3], $0x80, v3, vm0, $0xb8;
	[tilespmem:$0x18400] =	vst v63  }
0x39a: {  	v3 =	vld [tilespmem:$0x2B0];
	_ =	sdelay $0x4  }
0x39b: {  	v43 =	vshrl.u32 v3, $0x3  }
0x39c: {  	v4 =	vmul.u32 $0x30, v43  }
0x39d: {  	v3 =	vand.u32 $0x7, v3  }
0x39e: {  	v3 =	vor.u32 v3, v4  }
0x39f: {  	v4 =	vperm.xlane v3, v0;
	_ =	sdelay $0x1  }
0x3a0: {  	v4 =	vadd.s32 v1, v4;
	_ =	sdelay $0x3  }
0x3a1: {  	s12 =	simm.s32 $0x9400;
	v3 =	vperm.xlane v3, v2  }
0x3a2: {  	[tilespmem:s12], [sflag:$0x1] =	stream.indirect_vreg.gather [hbm4b:s2+s3], $0x80, v4, vm0, $0xb8;
	[tilespmem:$0x18400] =	vst v63  }
0x3a3: {  	s24 =	simm.s32 $0x9C00;
	v3 =	vadd.s32 v1, v3  }
0x3a4: {  	[tilespmem:s24], [sflag:$0x1] =	stream.indirect_vreg.gather [hbm4b:s5+s3], $0x80, v4, vm0, $0xb8;
	[tilespmem:$0x18400] =	vst v63  }
0x3a5: {  	s25 =	simm.s32 $0xA400  }
0x3a6: {  	[tilespmem:s25], [sflag:$0x1] =	stream.indirect_vreg.gather [hbm4b:s6+s3], $0x80, v4, vm0, $0xb8;
	[tilespmem:$0x18400] =	vst v63  }
0x3a7: {  	s28 =	simm.s32 $0xAC00  }
0x3a8: {  	[tilespmem:s28], [sflag:$0x1] =	stream.indirect_vreg.gather [hbm4b:s2+s3], $0x80, v3, vm0, $0xb8;
	[tilespmem:$0x18400] =	vst v63  }
0x3a9: {  	s29 =	simm.s32 $0xB400  }
0x3aa: {  	[tilespmem:s29], [sflag:$0x1] =	stream.indirect_vreg.gather [hbm4b:s5+s3], $0x80, v3, vm0, $0xb8;
	[tilespmem:$0x18400] =	vst v63  }
0x3ab: {  	s30 =	simm.s32 $0xBC00  }
0x3ac: {  	[tilespmem:s30], [sflag:$0x1] =	stream.indirect_vreg.gather [hbm4b:s6+s3], $0x80, v3, vm0, $0xb8;
	[tilespmem:$0x18400] =	vst v63  }
0x3ad: {  	_ =	swait.ge [sflag:s11], $0xC000  }
0x3ae: {  	[sflag:s11] =	ssyncset.done $0x0  }
0x3af: {  	s0 =	rddreg [dreg:$0xe];
	[sflag:s11] =	ssyncadd.s32 $0xFFFF4000  }
0x3b0: {  	[hbm4b:s0+s3] =	stream.linear.scatter [tilespmem:s4], [sflag:$0x4], $0xC000, $0x38;
	[tilespmem:$0x18400] =	vst v63  }
0x3b1: {  	_ =	swait.ge [sflag:s10], $0xC000  }
0x3b2: {  	[sflag:s10] =	ssyncset.done $0x0  }
0x3b3: {  	[sflag:s10] =	ssyncadd.s32 $0xFFFF4000  }
0x3b4: {  	v3 =	vld [tilespmem:$0x2C0];
	_ =	sdelay $0x4  }
0x3b5: {  	v44 =	vshrl.u32 v3, $0x3  }
0x3b6: {  	v4 =	vmul.u32 $0x30, v44  }
0x3b7: {  	v3 =	vand.u32 $0x7, v3  }
0x3b8: {  	v3 =	vor.u32 v3, v4  }
0x3b9: {  	v4 =	vperm.xlane v3, v0;
	_ =	sdelay $0x1  }
0x3ba: {  	v4 =	vadd.s32 v1, v4;
	_ =	sdelay $0x3  }
0x3bb: {  	v3 =	vperm.xlane v3, v2  }
0x3bc: {  	[tilespmem:s4], [sflag:$0x2] =	stream.indirect_vreg.gather [hbm4b:s2+s3], $0x80, v4, vm0, $0xb8;
	[tilespmem:$0x18400] =	vst v63  }
0x3bd: {  	s22 =	simm.s32 $0xCC00;
	v3 =	vadd.s32 v1, v3  }
0x3be: {  	[tilespmem:s22], [sflag:$0x2] =	stream.indirect_vreg.gather [hbm4b:s5+s3], $0x80, v4, vm0, $0xb8;
	[tilespmem:$0x18400] =	vst v63  }
0x3bf: {  	s12 =	simm.s32 $0xD400  }
0x3c0: {  	[tilespmem:s12], [sflag:$0x2] =	stream.indirect_vreg.gather [hbm4b:s6+s3], $0x80, v4, vm0, $0xb8;
	[tilespmem:$0x18400] =	vst v63  }
0x3c1: {  	s26 =	simm.s32 $0xDC00  }
0x3c2: {  	[tilespmem:s26], [sflag:$0x2] =	stream.indirect_vreg.gather [hbm4b:s2+s3], $0x80, v3, vm0, $0xb8;
	[tilespmem:$0x18400] =	vst v63  }
0x3c3: {  	s7 =	simm.s32 $0xE400  }
0x3c4: {  	[tilespmem:s7], [sflag:$0x2] =	stream.indirect_vreg.gather [hbm4b:s5+s3], $0x80, v3, vm0, $0xb8;
	[tilespmem:$0x18400] =	vst v63  }
0x3c5: {  	s12 =	simm.s32 $0xEC00  }
0x3c6: {  	[tilespmem:s12], [sflag:$0x2] =	stream.indirect_vreg.gather [hbm4b:s6+s3], $0x80, v3, vm0, $0xb8;
	[tilespmem:$0x18400] =	vst v63  }
0x3c7: {  	v3 =	vld [tilespmem:$0x2D0];
	_ =	sdelay $0x4  }
0x3c8: {  	v45 =	vshrl.u32 v3, $0x3  }
0x3c9: {  	v4 =	vmul.u32 $0x30, v45  }
0x3ca: {  	v3 =	vand.u32 $0x7, v3  }
0x3cb: {  	v3 =	vor.u32 v3, v4  }
0x3cc: {  	v4 =	vperm.xlane v3, v0;
	_ =	sdelay $0x1  }
0x3cd: {  	v4 =	vadd.s32 v1, v4;
	_ =	sdelay $0x3  }
0x3ce: {  	s7 =	simm.s32 $0xF400;
	v3 =	vperm.xlane v3, v2  }
0x3cf: {  	[tilespmem:s7], [sflag:$0x2] =	stream.indirect_vreg.gather [hbm4b:s2+s3], $0x80, v4, vm0, $0xb8;
	[tilespmem:$0x18400] =	vst v63  }
0x3d0: {  	s13 =	simm.s32 $0xFC00;
	v3 =	vadd.s32 v1, v3  }
0x3d1: {  	[tilespmem:s13], [sflag:$0x2] =	stream.indirect_vreg.gather [hbm4b:s5+s3], $0x80, v4, vm0, $0xb8;
	[tilespmem:$0x18400] =	vst v63  }
0x3d2: {  	s14 =	simm.s32 $0x10400  }
0x3d3: {  	[tilespmem:s14], [sflag:$0x2] =	stream.indirect_vreg.gather [hbm4b:s6+s3], $0x80, v4, vm0, $0xb8;
	[tilespmem:$0x18400] =	vst v63  }
0x3d4: {  	s12 =	simm.s32 $0x10C00  }
0x3d5: {  	[tilespmem:s12], [sflag:$0x2] =	stream.indirect_vreg.gather [hbm4b:s2+s3], $0x80, v3, vm0, $0xb8;
	[tilespmem:$0x18400] =	vst v63  }
0x3d6: {  	s13 =	simm.s32 $0x11400  }
0x3d7: {  	[tilespmem:s13], [sflag:$0x2] =	stream.indirect_vreg.gather [hbm4b:s5+s3], $0x80, v3, vm0, $0xb8;
	[tilespmem:$0x18400] =	vst v63  }
0x3d8: {  	s14 =	simm.s32 $0x11C00  }
0x3d9: {  	[tilespmem:s14], [sflag:$0x2] =	stream.indirect_vreg.gather [hbm4b:s6+s3], $0x80, v3, vm0, $0xb8;
	[tilespmem:$0x18400] =	vst v63  }
0x3da: {  	v3 =	vld [tilespmem:$0x2E0];
	_ =	sdelay $0x4  }
0x3db: {  	v46 =	vshrl.u32 v3, $0x3  }
0x3dc: {  	v4 =	vmul.u32 $0x30, v46  }
0x3dd: {  	v3 =	vand.u32 $0x7, v3  }
0x3de: {  	v3 =	vor.u32 v3, v4  }
0x3df: {  	v4 =	vperm.xlane v3, v0;
	_ =	sdelay $0x1  }
0x3e0: {  	v4 =	vadd.s32 v1, v4;
	_ =	sdelay $0x3  }
0x3e1: {  	s7 =	simm.s32 $0x12400;
	v3 =	vperm.xlane v3, v2  }
0x3e2: {  	[tilespmem:s7], [sflag:$0x2] =	stream.indirect_vreg.gather [hbm4b:s2+s3], $0x80, v4, vm0, $0xb8;
	[tilespmem:$0x18400] =	vst v63  }
0x3e3: {  	s12 =	simm.s32 $0x12C00;
	v3 =	vadd.s32 v1, v3  }
0x3e4: {  	[tilespmem:s12], [sflag:$0x2] =	stream.indirect_vreg.gather [hbm4b:s5+s3], $0x80, v4, vm0, $0xb8;
	[tilespmem:$0x18400] =	vst v63  }
0x3e5: {  	s13 =	simm.s32 $0x13400  }
0x3e6: {  	[tilespmem:s13], [sflag:$0x2] =	stream.indirect_vreg.gather [hbm4b:s6+s3], $0x80, v4, vm0, $0xb8;
	[tilespmem:$0x18400] =	vst v63  }
0x3e7: {  	s14 =	simm.s32 $0x13C00  }
0x3e8: {  	[tilespmem:s14], [sflag:$0x2] =	stream.indirect_vreg.gather [hbm4b:s2+s3], $0x80, v3, vm0, $0xb8;
	[tilespmem:$0x18400] =	vst v63  }
0x3e9: {  	s7 =	simm.s32 $0x14400  }
0x3ea: {  	[tilespmem:s7], [sflag:$0x2] =	stream.indirect_vreg.gather [hbm4b:s5+s3], $0x80, v3, vm0, $0xb8;
	[tilespmem:$0x18400] =	vst v63  }
0x3eb: {  	s12 =	simm.s32 $0x14C00  }
0x3ec: {  	[tilespmem:s12], [sflag:$0x2] =	stream.indirect_vreg.gather [hbm4b:s6+s3], $0x80, v3, vm0, $0xb8;
	[tilespmem:$0x18400] =	vst v63  }
0x3ed: {  	v3 =	vld [tilespmem:$0x2F0];
	_ =	sdelay $0x4  }
0x3ee: {  	v47 =	vshrl.u32 v3, $0x3  }
0x3ef: {  	v4 =	vmul.u32 $0x30, v47  }
0x3f0: {  	v3 =	vand.u32 $0x7, v3  }
0x3f1: {  	v3 =	vor.u32 v3, v4  }
0x3f2: {  	v4 =	vperm.xlane v3, v0;
	_ =	sdelay $0x1  }
0x3f3: {  	v4 =	vadd.s32 v1, v4;
	_ =	sdelay $0x3  }
0x3f4: {  	s13 =	simm.s32 $0x15400;
	v3 =	vperm.xlane v3, v2  }
0x3f5: {  	[tilespmem:s13], [sflag:$0x2] =	stream.indirect_vreg.gather [hbm4b:s2+s3], $0x80, v4, vm0, $0xb8;
	[tilespmem:$0x18400] =	vst v63  }
0x3f6: {  	s14 =	simm.s32 $0x15C00;
	v3 =	vadd.s32 v1, v3  }
0x3f7: {  	[tilespmem:s14], [sflag:$0x2] =	stream.indirect_vreg.gather [hbm4b:s5+s3], $0x80, v4, vm0, $0xb8;
	[tilespmem:$0x18400] =	vst v63  }
0x3f8: {  	s7 =	simm.s32 $0x16400  }
0x3f9: {  	[tilespmem:s7], [sflag:$0x2] =	stream.indirect_vreg.gather [hbm4b:s6+s3], $0x80, v4, vm0, $0xb8;
	[tilespmem:$0x18400] =	vst v63  }
0x3fa: {  	s12 =	simm.s32 $0x16C00  }
0x3fb: {  	[tilespmem:s12], [sflag:$0x2] =	stream.indirect_vreg.gather [hbm4b:s2+s3], $0x80, v3, vm0, $0xb8;
	[tilespmem:$0x18400] =	vst v63  }
0x3fc: {  	s13 =	simm.s32 $0x17400  }
0x3fd: {  	[tilespmem:s13], [sflag:$0x2] =	stream.indirect_vreg.gather [hbm4b:s5+s3], $0x80, v3, vm0, $0xb8;
	[tilespmem:$0x18400] =	vst v63  }
0x3fe: {  	s14 =	simm.s32 $0x17C00  }
0x3ff: {  	[tilespmem:s14], [sflag:$0x2] =	stream.indirect_vreg.gather [hbm4b:s6+s3], $0x80, v3, vm0, $0xb8;
	[tilespmem:$0x18400] =	vst v63  }
0x400: {  	_ =	swait.ge [sflag:s1], $0xC000  }
0x401: {  	[sflag:s1] =	ssyncset.done $0x0  }
0x402: {  	s0 =	rddreg [dreg:$0xf];
	[sflag:s1] =	ssyncadd.s32 $0xFFFF4000  }
0x403: {  	[hbm4b:s0+s3] =	stream.linear.scatter [tilespmem:s31], [sflag:$0x3], $0xC000, $0x38;
	[tilespmem:$0x18400] =	vst v63  }
0x404: {  	_ =	swait.ge [sflag:s8], $0xC000  }
0x405: {  	[sflag:s8] =	ssyncset.done $0x0  }
0x406: {  	[sflag:s8] =	ssyncadd.s32 $0xFFFF4000  }
0x407: {  	v3 =	vld [tilespmem:$0x300];
	_ =	sdelay $0x4  }
0x408: {  	v48 =	vshrl.u32 v3, $0x3  }
0x409: {  	v4 =	vmul.u32 $0x30, v48  }
0x40a: {  	v3 =	vand.u32 $0x7, v3  }
0x40b: {  	v3 =	vor.u32 v3, v4  }
0x40c: {  	v4 =	vperm.xlane v3, v0;
	_ =	sdelay $0x1  }
0x40d: {  	v4 =	vadd.s32 v1, v4;
	_ =	sdelay $0x3  }
0x40e: {  	v3 =	vperm.xlane v3, v2  }
0x40f: {  	[tilespmem:s31], [sflag:$0x1] =	stream.indirect_vreg.gather [hbm4b:s2+s3], $0x80, v4, vm0, $0xb8;
	[tilespmem:$0x18400] =	vst v63  }
0x410: {  	s7 =	simm.s32 $0xC00;
	v3 =	vadd.s32 v1, v3  }
0x411: {  	[tilespmem:s7], [sflag:$0x1] =	stream.indirect_vreg.gather [hbm4b:s5+s3], $0x80, v4, vm0, $0xb8;
	[tilespmem:$0x18400] =	vst v63  }
0x412: {  	s12 =	simm.s32 $0x1400  }
0x413: {  	[tilespmem:s12], [sflag:$0x1] =	stream.indirect_vreg.gather [hbm4b:s6+s3], $0x80, v4, vm0, $0xb8;
	[tilespmem:$0x18400] =	vst v63  }
0x414: {  	s13 =	simm.s32 $0x1C00  }
0x415: {  	[tilespmem:s13], [sflag:$0x1] =	stream.indirect_vreg.gather [hbm4b:s2+s3], $0x80, v3, vm0, $0xb8;
	[tilespmem:$0x18400] =	vst v63  }
0x416: {  	s15 =	simm.s32 $0x2400  }
0x417: {  	[tilespmem:s15], [sflag:$0x1] =	stream.indirect_vreg.gather [hbm4b:s5+s3], $0x80, v3, vm0, $0xb8;
	[tilespmem:$0x18400] =	vst v63  }
0x418: {  	s14 =	simm.s32 $0x2C00  }
0x419: {  	[tilespmem:s14], [sflag:$0x1] =	stream.indirect_vreg.gather [hbm4b:s6+s3], $0x80, v3, vm0, $0xb8;
	[tilespmem:$0x18400] =	vst v63  }
0x41a: {  	v3 =	vld [tilespmem:$0x310];
	_ =	sdelay $0x4  }
0x41b: {  	v49 =	vshrl.u32 v3, $0x3  }
0x41c: {  	v4 =	vmul.u32 $0x30, v49  }
0x41d: {  	v3 =	vand.u32 $0x7, v3  }
0x41e: {  	v3 =	vor.u32 v3, v4  }
0x41f: {  	v4 =	vperm.xlane v3, v0;
	_ =	sdelay $0x1  }
0x420: {  	v4 =	vadd.s32 v1, v4;
	_ =	sdelay $0x3  }
0x421: {  	s15 =	simm.s32 $0x3400;
	v3 =	vperm.xlane v3, v2  }
0x422: {  	[tilespmem:s15], [sflag:$0x1] =	stream.indirect_vreg.gather [hbm4b:s2+s3], $0x80, v4, vm0, $0xb8;
	[tilespmem:$0x18400] =	vst v63  }
0x423: {  	s16 =	simm.s32 $0x3C00;
	v3 =	vadd.s32 v1, v3  }
0x424: {  	[tilespmem:s16], [sflag:$0x1] =	stream.indirect_vreg.gather [hbm4b:s5+s3], $0x80, v4, vm0, $0xb8;
	[tilespmem:$0x18400] =	vst v63  }
0x425: {  	s17 =	simm.s32 $0x4400  }
0x426: {  	[tilespmem:s17], [sflag:$0x1] =	stream.indirect_vreg.gather [hbm4b:s6+s3], $0x80, v4, vm0, $0xb8;
	[tilespmem:$0x18400] =	vst v63  }
0x427: {  	s18 =	simm.s32 $0x4C00  }
0x428: {  	[tilespmem:s18], [sflag:$0x1] =	stream.indirect_vreg.gather [hbm4b:s2+s3], $0x80, v3, vm0, $0xb8;
	[tilespmem:$0x18400] =	vst v63  }
0x429: {  	s19 =	simm.s32 $0x5400  }
0x42a: {  	[tilespmem:s19], [sflag:$0x1] =	stream.indirect_vreg.gather [hbm4b:s5+s3], $0x80, v3, vm0, $0xb8;
	[tilespmem:$0x18400] =	vst v63  }
0x42b: {  	s14 =	simm.s32 $0x5C00  }
0x42c: {  	[tilespmem:s14], [sflag:$0x1] =	stream.indirect_vreg.gather [hbm4b:s6+s3], $0x80, v3, vm0, $0xb8;
	[tilespmem:$0x18400] =	vst v63  }
0x42d: {  	v3 =	vld [tilespmem:$0x320];
	_ =	sdelay $0x4  }
0x42e: {  	v50 =	vshrl.u32 v3, $0x3  }
0x42f: {  	v4 =	vmul.u32 $0x30, v50  }
0x430: {  	v3 =	vand.u32 $0x7, v3  }
0x431: {  	v3 =	vor.u32 v3, v4  }
0x432: {  	v4 =	vperm.xlane v3, v0;
	_ =	sdelay $0x1  }
0x433: {  	v4 =	vadd.s32 v1, v4;
	_ =	sdelay $0x3  }
0x434: {  	s19 =	simm.s32 $0x6400;
	v3 =	vperm.xlane v3, v2  }
0x435: {  	[tilespmem:s19], [sflag:$0x1] =	stream.indirect_vreg.gather [hbm4b:s2+s3], $0x80, v4, vm0, $0xb8;
	[tilespmem:$0x18400] =	vst v63  }
0x436: {  	s20 =	simm.s32 $0x6C00;
	v3 =	vadd.s32 v1, v3  }
0x437: {  	[tilespmem:s20], [sflag:$0x1] =	stream.indirect_vreg.gather [hbm4b:s5+s3], $0x80, v4, vm0, $0xb8;
	[tilespmem:$0x18400] =	vst v63  }
0x438: {  	s21 =	simm.s32 $0x7400  }
0x439: {  	[tilespmem:s21], [sflag:$0x1] =	stream.indirect_vreg.gather [hbm4b:s6+s3], $0x80, v4, vm0, $0xb8;
	[tilespmem:$0x18400] =	vst v63  }
0x43a: {  	s9 =	simm.s32 $0x7C00  }
0x43b: {  	[tilespmem:s9], [sflag:$0x1] =	stream.indirect_vreg.gather [hbm4b:s2+s3], $0x80, v3, vm0, $0xb8;
	[tilespmem:$0x18400] =	vst v63  }
0x43c: {  	s23 =	simm.s32 $0x8400  }
0x43d: {  	[tilespmem:s23], [sflag:$0x1] =	stream.indirect_vreg.gather [hbm4b:s5+s3], $0x80, v3, vm0, $0xb8;
	[tilespmem:$0x18400] =	vst v63  }
0x43e: {  	s21 =	simm.s32 $0x8C00  }
0x43f: {  	[tilespmem:s21], [sflag:$0x1] =	stream.indirect_vreg.gather [hbm4b:s6+s3], $0x80, v3, vm0, $0xb8;
	[tilespmem:$0x18400] =	vst v63  }
0x440: {  	v3 =	vld [tilespmem:$0x330];
	_ =	sdelay $0x4  }
0x441: {  	v51 =	vshrl.u32 v3, $0x3  }
0x442: {  	v4 =	vmul.u32 $0x30, v51  }
0x443: {  	v3 =	vand.u32 $0x7, v3  }
0x444: {  	v3 =	vor.u32 v3, v4  }
0x445: {  	v4 =	vperm.xlane v3, v0;
	_ =	sdelay $0x1  }
0x446: {  	v4 =	vadd.s32 v1, v4;
	_ =	sdelay $0x3  }
0x447: {  	s23 =	simm.s32 $0x9400;
	v3 =	vperm.xlane v3, v2  }
0x448: {  	[tilespmem:s23], [sflag:$0x1] =	stream.indirect_vreg.gather [hbm4b:s2+s3], $0x80, v4, vm0, $0xb8;
	[tilespmem:$0x18400] =	vst v63  }
0x449: {  	s24 =	simm.s32 $0x9C00;
	v3 =	vadd.s32 v1, v3  }
0x44a: {  	[tilespmem:s24], [sflag:$0x1] =	stream.indirect_vreg.gather [hbm4b:s5+s3], $0x80, v4, vm0, $0xb8;
	[tilespmem:$0x18400] =	vst v63  }
0x44b: {  	s25 =	simm.s32 $0xA400  }
0x44c: {  	[tilespmem:s25], [sflag:$0x1] =	stream.indirect_vreg.gather [hbm4b:s6+s3], $0x80, v4, vm0, $0xb8;
	[tilespmem:$0x18400] =	vst v63  }
0x44d: {  	s28 =	simm.s32 $0xAC00  }
0x44e: {  	[tilespmem:s28], [sflag:$0x1] =	stream.indirect_vreg.gather [hbm4b:s2+s3], $0x80, v3, vm0, $0xb8;
	[tilespmem:$0x18400] =	vst v63  }
0x44f: {  	s29 =	simm.s32 $0xB400  }
0x450: {  	[tilespmem:s29], [sflag:$0x1] =	stream.indirect_vreg.gather [hbm4b:s5+s3], $0x80, v3, vm0, $0xb8;
	[tilespmem:$0x18400] =	vst v63  }
0x451: {  	s30 =	simm.s32 $0xBC00  }
0x452: {  	[tilespmem:s30], [sflag:$0x1] =	stream.indirect_vreg.gather [hbm4b:s6+s3], $0x80, v3, vm0, $0xb8;
	[tilespmem:$0x18400] =	vst v63  }
0x453: {  	_ =	swait.ge [sflag:s11], $0xC000  }
0x454: {  	[sflag:s11] =	ssyncset.done $0x0  }
0x455: {  	s21 =	rddreg [dreg:$0x10];
	[sflag:s11] =	ssyncadd.s32 $0xFFFF4000  }
0x456: {  	[hbm4b:s21+s3] =	stream.linear.scatter [tilespmem:s4], [sflag:$0x4], $0xC000, $0x38;
	[tilespmem:$0x18400] =	vst v63  }
0x457: {  	_ =	swait.ge [sflag:s10], $0xC000  }
0x458: {  	[sflag:s10] =	ssyncset.done $0x0  }
0x459: {  	[sflag:s10] =	ssyncadd.s32 $0xFFFF4000  }
0x45a: {  	v3 =	vld [tilespmem:$0x340];
	_ =	sdelay $0x4  }
0x45b: {  	v52 =	vshrl.u32 v3, $0x3  }
0x45c: {  	v4 =	vmul.u32 $0x30, v52  }
0x45d: {  	v3 =	vand.u32 $0x7, v3  }
0x45e: {  	v3 =	vor.u32 v3, v4  }
0x45f: {  	v4 =	vperm.xlane v3, v0;
	_ =	sdelay $0x1  }
0x460: {  	v4 =	vadd.s32 v1, v4;
	_ =	sdelay $0x3  }
0x461: {  	v3 =	vperm.xlane v3, v2  }
0x462: {  	[tilespmem:s4], [sflag:$0x2] =	stream.indirect_vreg.gather [hbm4b:s2+s3], $0x80, v4, vm0, $0xb8;
	[tilespmem:$0x18400] =	vst v63  }
0x463: {  	s22 =	simm.s32 $0xCC00;
	v3 =	vadd.s32 v1, v3  }
0x464: {  	[tilespmem:s22], [sflag:$0x2] =	stream.indirect_vreg.gather [hbm4b:s5+s3], $0x80, v4, vm0, $0xb8;
	[tilespmem:$0x18400] =	vst v63  }
0x465: {  	s30 =	simm.s32 $0xD400  }
0x466: {  	[tilespmem:s30], [sflag:$0x2] =	stream.indirect_vreg.gather [hbm4b:s6+s3], $0x80, v4, vm0, $0xb8;
	[tilespmem:$0x18400] =	vst v63  }
0x467: {  	s22 =	simm.s32 $0xDC00  }
0x468: {  	[tilespmem:s22], [sflag:$0x2] =	stream.indirect_vreg.gather [hbm4b:s2+s3], $0x80, v3, vm0, $0xb8;
	[tilespmem:$0x18400] =	vst v63  }
0x469: {  	s26 =	simm.s32 $0xE400  }
0x46a: {  	[tilespmem:s26], [sflag:$0x2] =	stream.indirect_vreg.gather [hbm4b:s5+s3], $0x80, v3, vm0, $0xb8;
	[tilespmem:$0x18400] =	vst v63  }
0x46b: {  	s26 =	simm.s32 $0xEC00  }
0x46c: {  	[tilespmem:s26], [sflag:$0x2] =	stream.indirect_vreg.gather [hbm4b:s6+s3], $0x80, v3, vm0, $0xb8;
	[tilespmem:$0x18400] =	vst v63  }
0x46d: {  	v3 =	vld [tilespmem:$0x350];
	_ =	sdelay $0x4  }
0x46e: {  	v53 =	vshrl.u32 v3, $0x3  }
0x46f: {  	v4 =	vmul.u32 $0x30, v53  }
0x470: {  	v3 =	vand.u32 $0x7, v3  }
0x471: {  	v3 =	vor.u32 v3, v4  }
0x472: {  	v4 =	vperm.xlane v3, v0;
	_ =	sdelay $0x1  }
0x473: {  	v4 =	vadd.s32 v1, v4;
	_ =	sdelay $0x3  }
0x474: {  	s26 =	simm.s32 $0xF400;
	v3 =	vperm.xlane v3, v2  }
0x475: {  	[tilespmem:s26], [sflag:$0x2] =	stream.indirect_vreg.gather [hbm4b:s2+s3], $0x80, v4, vm0, $0xb8;
	[tilespmem:$0x18400] =	vst v63  }
0x476: {  	v3 =	vadd.s32 v1, v3;
	s26 =	simm.s32 $0xFC00  }
0x477: {  	[tilespmem:s26], [sflag:$0x2] =	stream.indirect_vreg.gather [hbm4b:s5+s3], $0x80, v4, vm0, $0xb8;
	[tilespmem:$0x18400] =	vst v63  }
0x478: {  	s12 =	simm.s32 $0x10400  }
0x479: {  	[tilespmem:s12], [sflag:$0x2] =	stream.indirect_vreg.gather [hbm4b:s6+s3], $0x80, v4, vm0, $0xb8;
	[tilespmem:$0x18400] =	vst v63  }
0x47a: {  	s12 =	simm.s32 $0x10C00  }
0x47b: {  	[tilespmem:s12], [sflag:$0x2] =	stream.indirect_vreg.gather [hbm4b:s2+s3], $0x80, v3, vm0, $0xb8;
	[tilespmem:$0x18400] =	vst v63  }
0x47c: {  	s12 =	simm.s32 $0x11400  }
0x47d: {  	[tilespmem:s12], [sflag:$0x2] =	stream.indirect_vreg.gather [hbm4b:s5+s3], $0x80, v3, vm0, $0xb8;
	[tilespmem:$0x18400] =	vst v63  }
0x47e: {  	s12 =	simm.s32 $0x11C00  }
0x47f: {  	[tilespmem:s12], [sflag:$0x2] =	stream.indirect_vreg.gather [hbm4b:s6+s3], $0x80, v3, vm0, $0xb8;
	[tilespmem:$0x18400] =	vst v63  }
0x480: {  	v3 =	vld [tilespmem:$0x360];
	_ =	sdelay $0x4  }
0x481: {  	v54 =	vshrl.u32 v3, $0x3  }
0x482: {  	v4 =	vmul.u32 $0x30, v54  }
0x483: {  	v3 =	vand.u32 $0x7, v3  }
0x484: {  	v3 =	vor.u32 v3, v4  }
0x485: {  	v4 =	vperm.xlane v3, v0;
	_ =	sdelay $0x1  }
0x486: {  	v4 =	vadd.s32 v1, v4;
	_ =	sdelay $0x3  }
0x487: {  	s12 =	simm.s32 $0x12400;
	v3 =	vperm.xlane v3, v2  }
0x488: {  	[tilespmem:s12], [sflag:$0x2] =	stream.indirect_vreg.gather [hbm4b:s2+s3], $0x80, v4, vm0, $0xb8;
	[tilespmem:$0x18400] =	vst v63  }
0x489: {  	v3 =	vadd.s32 v1, v3;
	s12 =	simm.s32 $0x12C00  }
0x48a: {  	[tilespmem:s12], [sflag:$0x2] =	stream.indirect_vreg.gather [hbm4b:s5+s3], $0x80, v4, vm0, $0xb8;
	[tilespmem:$0x18400] =	vst v63  }
0x48b: {  	s12 =	simm.s32 $0x13400  }
0x48c: {  	[tilespmem:s12], [sflag:$0x2] =	stream.indirect_vreg.gather [hbm4b:s6+s3], $0x80, v4, vm0, $0xb8;
	[tilespmem:$0x18400] =	vst v63  }
0x48d: {  	s12 =	simm.s32 $0x13C00  }
0x48e: {  	[tilespmem:s12], [sflag:$0x2] =	stream.indirect_vreg.gather [hbm4b:s2+s3], $0x80, v3, vm0, $0xb8;
	[tilespmem:$0x18400] =	vst v63  }
0x48f: {  	s12 =	simm.s32 $0x14400  }
0x490: {  	[tilespmem:s12], [sflag:$0x2] =	stream.indirect_vreg.gather [hbm4b:s5+s3], $0x80, v3, vm0, $0xb8;
	[tilespmem:$0x18400] =	vst v63  }
0x491: {  	s12 =	simm.s32 $0x14C00  }
0x492: {  	[tilespmem:s12], [sflag:$0x2] =	stream.indirect_vreg.gather [hbm4b:s6+s3], $0x80, v3, vm0, $0xb8;
	[tilespmem:$0x18400] =	vst v63  }
0x493: {  	v3 =	vld [tilespmem:$0x370];
	_ =	sdelay $0x4  }
0x494: {  	v55 =	vshrl.u32 v3, $0x3  }
0x495: {  	v4 =	vmul.u32 $0x30, v55  }
0x496: {  	v3 =	vand.u32 $0x7, v3  }
0x497: {  	v3 =	vor.u32 v3, v4  }
0x498: {  	v4 =	vperm.xlane v3, v0;
	_ =	sdelay $0x1  }
0x499: {  	v4 =	vadd.s32 v1, v4;
	_ =	sdelay $0x3  }
0x49a: {  	s12 =	simm.s32 $0x15400;
	v3 =	vperm.xlane v3, v2  }
0x49b: {  	[tilespmem:s12], [sflag:$0x2] =	stream.indirect_vreg.gather [hbm4b:s2+s3], $0x80, v4, vm0, $0xb8;
	[tilespmem:$0x18400] =	vst v63  }
0x49c: {  	v3 =	vadd.s32 v1, v3;
	s12 =	simm.s32 $0x15C00  }
0x49d: {  	[tilespmem:s12], [sflag:$0x2] =	stream.indirect_vreg.gather [hbm4b:s5+s3], $0x80, v4, vm0, $0xb8;
	[tilespmem:$0x18400] =	vst v63  }
0x49e: {  	s12 =	simm.s32 $0x16400  }
0x49f: {  	[tilespmem:s12], [sflag:$0x2] =	stream.indirect_vreg.gather [hbm4b:s6+s3], $0x80, v4, vm0, $0xb8;
	[tilespmem:$0x18400] =	vst v63  }
0x4a0: {  	s12 =	simm.s32 $0x16C00  }
0x4a1: {  	[tilespmem:s12], [sflag:$0x2] =	stream.indirect_vreg.gather [hbm4b:s2+s3], $0x80, v3, vm0, $0xb8;
	[tilespmem:$0x18400] =	vst v63  }
0x4a2: {  	s12 =	simm.s32 $0x17400  }
0x4a3: {  	[tilespmem:s12], [sflag:$0x2] =	stream.indirect_vreg.gather [hbm4b:s5+s3], $0x80, v3, vm0, $0xb8;
	[tilespmem:$0x18400] =	vst v63  }
0x4a4: {  	s12 =	simm.s32 $0x17C00  }
0x4a5: {  	[tilespmem:s12], [sflag:$0x2] =	stream.indirect_vreg.gather [hbm4b:s6+s3], $0x80, v3, vm0, $0xb8;
	[tilespmem:$0x18400] =	vst v63  }
0x4a6: {  	_ =	swait.ge [sflag:s1], $0xC000  }
0x4a7: {  	[sflag:s1] =	ssyncset.done $0x0  }
0x4a8: {  	s12 =	rddreg [dreg:$0x11];
	[sflag:s1] =	ssyncadd.s32 $0xFFFF4000  }
0x4a9: {  	[hbm4b:s12+s3] =	stream.linear.scatter [tilespmem:s31], [sflag:$0x3], $0xC000, $0x38;
	[tilespmem:$0x18400] =	vst v63  }
0x4aa: {  	_ =	swait.ge [sflag:s8], $0xC000  }
0x4ab: {  	[sflag:s8] =	ssyncset.done $0x0  }
0x4ac: {  	[sflag:s8] =	ssyncadd.s32 $0xFFFF4000  }
0x4ad: {  	v3 =	vld [tilespmem:$0x380];
	_ =	sdelay $0x4  }
0x4ae: {  	v56 =	vshrl.u32 v3, $0x3  }
0x4af: {  	v4 =	vmul.u32 $0x30, v56  }
0x4b0: {  	v3 =	vand.u32 $0x7, v3  }
0x4b1: {  	v3 =	vor.u32 v3, v4  }
0x4b2: {  	v4 =	vperm.xlane v3, v0;
	_ =	sdelay $0x1  }
0x4b3: {  	v4 =	vadd.s32 v1, v4;
	_ =	sdelay $0x3  }
0x4b4: {  	v3 =	vperm.xlane v3, v2  }
0x4b5: {  	[tilespmem:s31], [sflag:$0x1] =	stream.indirect_vreg.gather [hbm4b:s2+s3], $0x80, v4, vm0, $0xb8;
	[tilespmem:$0x18400] =	vst v63  }
0x4b6: {  	s12 =	simm.s32 $0xC00;
	v3 =	vadd.s32 v1, v3  }
0x4b7: {  	[tilespmem:s12], [sflag:$0x1] =	stream.indirect_vreg.gather [hbm4b:s5+s3], $0x80, v4, vm0, $0xb8;
	[tilespmem:$0x18400] =	vst v63  }
0x4b8: {  	s0 =	simm.s32 $0x1400  }
0x4b9: {  	[tilespmem:s0], [sflag:$0x1] =	stream.indirect_vreg.gather [hbm4b:s6+s3], $0x80, v4, vm0, $0xb8;
	[tilespmem:$0x18400] =	vst v63  }
0x4ba: {  	s7 =	simm.s32 $0x1C00  }
0x4bb: {  	[tilespmem:s7], [sflag:$0x1] =	stream.indirect_vreg.gather [hbm4b:s2+s3], $0x80, v3, vm0, $0xb8;
	[tilespmem:$0x18400] =	vst v63  }
0x4bc: {  	s13 =	simm.s32 $0x2400  }
0x4bd: {  	[tilespmem:s13], [sflag:$0x1] =	stream.indirect_vreg.gather [hbm4b:s5+s3], $0x80, v3, vm0, $0xb8;
	[tilespmem:$0x18400] =	vst v63  }
0x4be: {  	s12 =	simm.s32 $0x2C00  }
0x4bf: {  	[tilespmem:s12], [sflag:$0x1] =	stream.indirect_vreg.gather [hbm4b:s6+s3], $0x80, v3, vm0, $0xb8;
	[tilespmem:$0x18400] =	vst v63  }
0x4c0: {  	v3 =	vld [tilespmem:$0x390];
	_ =	sdelay $0x4  }
0x4c1: {  	v57 =	vshrl.u32 v3, $0x3  }
0x4c2: {  	v4 =	vmul.u32 $0x30, v57  }
0x4c3: {  	v3 =	vand.u32 $0x7, v3  }
0x4c4: {  	v3 =	vor.u32 v3, v4  }
0x4c5: {  	v4 =	vperm.xlane v3, v0;
	_ =	sdelay $0x1  }
0x4c6: {  	v4 =	vadd.s32 v1, v4;
	_ =	sdelay $0x3  }
0x4c7: {  	s13 =	simm.s32 $0x3400;
	v3 =	vperm.xlane v3, v2  }
0x4c8: {  	[tilespmem:s13], [sflag:$0x1] =	stream.indirect_vreg.gather [hbm4b:s2+s3], $0x80, v4, vm0, $0xb8;
	[tilespmem:$0x18400] =	vst v63  }
0x4c9: {  	s15 =	simm.s32 $0x3C00;
	v3 =	vadd.s32 v1, v3  }
0x4ca: {  	[tilespmem:s15], [sflag:$0x1] =	stream.indirect_vreg.gather [hbm4b:s5+s3], $0x80, v4, vm0, $0xb8;
	[tilespmem:$0x18400] =	vst v63  }
0x4cb: {  	s16 =	simm.s32 $0x4400  }
0x4cc: {  	[tilespmem:s16], [sflag:$0x1] =	stream.indirect_vreg.gather [hbm4b:s6+s3], $0x80, v4, vm0, $0xb8;
	[tilespmem:$0x18400] =	vst v63  }
0x4cd: {  	s17 =	simm.s32 $0x4C00  }
0x4ce: {  	[tilespmem:s17], [sflag:$0x1] =	stream.indirect_vreg.gather [hbm4b:s2+s3], $0x80, v3, vm0, $0xb8;
	[tilespmem:$0x18400] =	vst v63  }
0x4cf: {  	s18 =	simm.s32 $0x5400  }
0x4d0: {  	[tilespmem:s18], [sflag:$0x1] =	stream.indirect_vreg.gather [hbm4b:s5+s3], $0x80, v3, vm0, $0xb8;
	[tilespmem:$0x18400] =	vst v63  }
0x4d1: {  	s17 =	simm.s32 $0x5C00  }
0x4d2: {  	[tilespmem:s17], [sflag:$0x1] =	stream.indirect_vreg.gather [hbm4b:s6+s3], $0x80, v3, vm0, $0xb8;
	[tilespmem:$0x18400] =	vst v63  }
0x4d3: {  	v3 =	vld [tilespmem:$0x3A0];
	_ =	sdelay $0x4  }
0x4d4: {  	v58 =	vshrl.u32 v3, $0x3  }
0x4d5: {  	v4 =	vmul.u32 $0x30, v58  }
0x4d6: {  	v3 =	vand.u32 $0x7, v3  }
0x4d7: {  	v3 =	vor.u32 v3, v4  }
0x4d8: {  	v4 =	vperm.xlane v3, v0;
	_ =	sdelay $0x1  }
0x4d9: {  	v4 =	vadd.s32 v1, v4;
	_ =	sdelay $0x3  }
0x4da: {  	s18 =	simm.s32 $0x6400;
	v3 =	vperm.xlane v3, v2  }
0x4db: {  	[tilespmem:s18], [sflag:$0x1] =	stream.indirect_vreg.gather [hbm4b:s2+s3], $0x80, v4, vm0, $0xb8;
	[tilespmem:$0x18400] =	vst v63  }
0x4dc: {  	s19 =	simm.s32 $0x6C00;
	v3 =	vadd.s32 v1, v3  }
0x4dd: {  	[tilespmem:s19], [sflag:$0x1] =	stream.indirect_vreg.gather [hbm4b:s5+s3], $0x80, v4, vm0, $0xb8;
	[tilespmem:$0x18400] =	vst v63  }
0x4de: {  	s20 =	simm.s32 $0x7400  }
0x4df: {  	[tilespmem:s20], [sflag:$0x1] =	stream.indirect_vreg.gather [hbm4b:s6+s3], $0x80, v4, vm0, $0xb8;
	[tilespmem:$0x18400] =	vst v63  }
0x4e0: {  	s9 =	simm.s32 $0x7C00  }
0x4e1: {  	[tilespmem:s9], [sflag:$0x1] =	stream.indirect_vreg.gather [hbm4b:s2+s3], $0x80, v3, vm0, $0xb8;
	[tilespmem:$0x18400] =	vst v63  }
0x4e2: {  	s14 =	simm.s32 $0x8400  }
0x4e3: {  	[tilespmem:s14], [sflag:$0x1] =	stream.indirect_vreg.gather [hbm4b:s5+s3], $0x80, v3, vm0, $0xb8;
	[tilespmem:$0x18400] =	vst v63  }
0x4e4: {  	s19 =	simm.s32 $0x8C00  }
0x4e5: {  	[tilespmem:s19], [sflag:$0x1] =	stream.indirect_vreg.gather [hbm4b:s6+s3], $0x80, v3, vm0, $0xb8;
	[tilespmem:$0x18400] =	vst v63  }
0x4e6: {  	v3 =	vld [tilespmem:$0x3B0];
	_ =	sdelay $0x4  }
0x4e7: {  	v59 =	vshrl.u32 v3, $0x3  }
0x4e8: {  	v4 =	vmul.u32 $0x30, v59  }
0x4e9: {  	v3 =	vand.u32 $0x7, v3  }
0x4ea: {  	v3 =	vor.u32 v3, v4  }
0x4eb: {  	v4 =	vperm.xlane v3, v0;
	_ =	sdelay $0x1  }
0x4ec: {  	v4 =	vadd.s32 v1, v4;
	_ =	sdelay $0x3  }
0x4ed: {  	s20 =	simm.s32 $0x9400;
	v3 =	vperm.xlane v3, v2  }
0x4ee: {  	[tilespmem:s20], [sflag:$0x1] =	stream.indirect_vreg.gather [hbm4b:s2+s3], $0x80, v4, vm0, $0xb8;
	[tilespmem:$0x18400] =	vst v63  }
0x4ef: {  	s23 =	simm.s32 $0x9C00;
	v3 =	vadd.s32 v1, v3  }
0x4f0: {  	[tilespmem:s23], [sflag:$0x1] =	stream.indirect_vreg.gather [hbm4b:s5+s3], $0x80, v4, vm0, $0xb8;
	[tilespmem:$0x18400] =	vst v63  }
0x4f1: {  	s24 =	simm.s32 $0xA400  }
0x4f2: {  	[tilespmem:s24], [sflag:$0x1] =	stream.indirect_vreg.gather [hbm4b:s6+s3], $0x80, v4, vm0, $0xb8;
	[tilespmem:$0x18400] =	vst v63  }
0x4f3: {  	s25 =	simm.s32 $0xAC00  }
0x4f4: {  	[tilespmem:s25], [sflag:$0x1] =	stream.indirect_vreg.gather [hbm4b:s2+s3], $0x80, v3, vm0, $0xb8;
	[tilespmem:$0x18400] =	vst v63  }
0x4f5: {  	s28 =	simm.s32 $0xB400  }
0x4f6: {  	[tilespmem:s28], [sflag:$0x1] =	stream.indirect_vreg.gather [hbm4b:s5+s3], $0x80, v3, vm0, $0xb8;
	[tilespmem:$0x18400] =	vst v63  }
0x4f7: {  	s29 =	simm.s32 $0xBC00  }
0x4f8: {  	[tilespmem:s29], [sflag:$0x1] =	stream.indirect_vreg.gather [hbm4b:s6+s3], $0x80, v3, vm0, $0xb8;
	[tilespmem:$0x18400] =	vst v63  }
0x4f9: {  	_ =	swait.ge [sflag:s11], $0xC000  }
0x4fa: {  	[sflag:s11] =	ssyncset.done $0x0  }
0x4fb: {  	s28 =	rddreg [dreg:$0x12];
	[sflag:s11] =	ssyncadd.s32 $0xFFFF4000  }
0x4fc: {  	[hbm4b:s28+s3] =	stream.linear.scatter [tilespmem:s4], [sflag:$0x4], $0xC000, $0x38;
	[tilespmem:$0x18400] =	vst v63  }
0x4fd: {  	_ =	swait.ge [sflag:s10], $0xC000  }
0x4fe: {  	[sflag:s10] =	ssyncset.done $0x0  }
0x4ff: {  	[sflag:s10] =	ssyncadd.s32 $0xFFFF4000  }
0x500: {  	v3 =	vld [tilespmem:$0x3C0];
	_ =	sdelay $0x4  }
0x501: {  	v60 =	vshrl.u32 v3, $0x3  }
0x502: {  	v4 =	vmul.u32 $0x30, v60  }
0x503: {  	v3 =	vand.u32 $0x7, v3  }
0x504: {  	v3 =	vor.u32 v3, v4  }
0x505: {  	v4 =	vperm.xlane v3, v0;
	_ =	sdelay $0x1  }
0x506: {  	v4 =	vadd.s32 v1, v4;
	_ =	sdelay $0x3  }
0x507: {  	v3 =	vperm.xlane v3, v2  }
0x508: {  	[tilespmem:s4], [sflag:$0x2] =	stream.indirect_vreg.gather [hbm4b:s2+s3], $0x80, v4, vm0, $0xb8;
	[tilespmem:$0x18400] =	vst v63  }
0x509: {  	s21 =	simm.s32 $0xCC00;
	v3 =	vadd.s32 v1, v3  }
0x50a: {  	[tilespmem:s21], [sflag:$0x2] =	stream.indirect_vreg.gather [hbm4b:s5+s3], $0x80, v4, vm0, $0xb8;
	[tilespmem:$0x18400] =	vst v63  }
0x50b: {  	s29 =	simm.s32 $0xD400  }
0x50c: {  	[tilespmem:s29], [sflag:$0x2] =	stream.indirect_vreg.gather [hbm4b:s6+s3], $0x80, v4, vm0, $0xb8;
	[tilespmem:$0x18400] =	vst v63  }
0x50d: {  	s30 =	simm.s32 $0xDC00  }
0x50e: {  	[tilespmem:s30], [sflag:$0x2] =	stream.indirect_vreg.gather [hbm4b:s2+s3], $0x80, v3, vm0, $0xb8;
	[tilespmem:$0x18400] =	vst v63  }
0x50f: {  	s22 =	simm.s32 $0xE400  }
0x510: {  	[tilespmem:s22], [sflag:$0x2] =	stream.indirect_vreg.gather [hbm4b:s5+s3], $0x80, v3, vm0, $0xb8;
	[tilespmem:$0x18400] =	vst v63  }
0x511: {  	s30 =	simm.s32 $0xEC00  }
0x512: {  	[tilespmem:s30], [sflag:$0x2] =	stream.indirect_vreg.gather [hbm4b:s6+s3], $0x80, v3, vm0, $0xb8;
	[tilespmem:$0x18400] =	vst v63  }
0x513: {  	v3 =	vld [tilespmem:$0x3D0];
	_ =	sdelay $0x4  }
0x514: {  	v61 =	vshrl.u32 v3, $0x3  }
0x515: {  	v4 =	vmul.u32 $0x30, v61  }
0x516: {  	v3 =	vand.u32 $0x7, v3  }
0x517: {  	v3 =	vor.u32 v3, v4  }
0x518: {  	v4 =	vperm.xlane v3, v0;
	_ =	sdelay $0x1  }
0x519: {  	v4 =	vadd.s32 v1, v4;
	_ =	sdelay $0x3  }
0x51a: {  	s7 =	simm.s32 $0xF400;
	v3 =	vperm.xlane v3, v2  }
0x51b: {  	[tilespmem:s7], [sflag:$0x2] =	stream.indirect_vreg.gather [hbm4b:s2+s3], $0x80, v4, vm0, $0xb8;
	[tilespmem:$0x18400] =	vst v63  }
0x51c: {  	s26 =	simm.s32 $0xFC00;
	v3 =	vadd.s32 v1, v3  }
0x51d: {  	[tilespmem:s26], [sflag:$0x2] =	stream.indirect_vreg.gather [hbm4b:s5+s3], $0x80, v4, vm0, $0xb8;
	[tilespmem:$0x18400] =	vst v63  }
0x51e: {  	s12 =	simm.s32 $0x10400  }
0x51f: {  	[tilespmem:s12], [sflag:$0x2] =	stream.indirect_vreg.gather [hbm4b:s6+s3], $0x80, v4, vm0, $0xb8;
	[tilespmem:$0x18400] =	vst v63  }
0x520: {  	s13 =	simm.s32 $0x10C00  }
0x521: {  	[tilespmem:s13], [sflag:$0x2] =	stream.indirect_vreg.gather [hbm4b:s2+s3], $0x80, v3, vm0, $0xb8;
	[tilespmem:$0x18400] =	vst v63  }
0x522: {  	s14 =	simm.s32 $0x11400  }
0x523: {  	[tilespmem:s14], [sflag:$0x2] =	stream.indirect_vreg.gather [hbm4b:s5+s3], $0x80, v3, vm0, $0xb8;
	[tilespmem:$0x18400] =	vst v63  }
0x524: {  	s15 =	simm.s32 $0x11C00  }
0x525: {  	[tilespmem:s15], [sflag:$0x2] =	stream.indirect_vreg.gather [hbm4b:s6+s3], $0x80, v3, vm0, $0xb8;
	[tilespmem:$0x18400] =	vst v63  }
0x526: {  	v3 =	vld [tilespmem:$0x3E0];
	_ =	sdelay $0x4  }
0x527: {  	v62 =	vshrl.u32 v3, $0x3  }
0x528: {  	v4 =	vmul.u32 $0x30, v62  }
0x529: {  	v3 =	vand.u32 $0x7, v3  }
0x52a: {  	v3 =	vor.u32 v3, v4  }
0x52b: {  	v4 =	vperm.xlane v3, v0;
	_ =	sdelay $0x1  }
0x52c: {  	v4 =	vadd.s32 v1, v4;
	_ =	sdelay $0x3  }
0x52d: {  	s16 =	simm.s32 $0x12400;
	v3 =	vperm.xlane v3, v2  }
0x52e: {  	[tilespmem:s16], [sflag:$0x2] =	stream.indirect_vreg.gather [hbm4b:s2+s3], $0x80, v4, vm0, $0xb8;
	[tilespmem:$0x18400] =	vst v63  }
0x52f: {  	s17 =	simm.s32 $0x12C00;
	v3 =	vadd.s32 v1, v3  }
0x530: {  	[tilespmem:s17], [sflag:$0x2] =	stream.indirect_vreg.gather [hbm4b:s5+s3], $0x80, v4, vm0, $0xb8;
	[tilespmem:$0x18400] =	vst v63  }
0x531: {  	s18 =	simm.s32 $0x13400  }
0x532: {  	[tilespmem:s18], [sflag:$0x2] =	stream.indirect_vreg.gather [hbm4b:s6+s3], $0x80, v4, vm0, $0xb8;
	[tilespmem:$0x18400] =	vst v63  }
0x533: {  	s19 =	simm.s32 $0x13C00  }
0x534: {  	[tilespmem:s19], [sflag:$0x2] =	stream.indirect_vreg.gather [hbm4b:s2+s3], $0x80, v3, vm0, $0xb8;
	[tilespmem:$0x18400] =	vst v63  }
0x535: {  	s20 =	simm.s32 $0x14400  }
0x536: {  	[tilespmem:s20], [sflag:$0x2] =	stream.indirect_vreg.gather [hbm4b:s5+s3], $0x80, v3, vm0, $0xb8;
	[tilespmem:$0x18400] =	vst v63  }
0x537: {  	s21 =	simm.s32 $0x14C00  }
0x538: {  	[tilespmem:s21], [sflag:$0x2] =	stream.indirect_vreg.gather [hbm4b:s6+s3], $0x80, v3, vm0, $0xb8;
	[tilespmem:$0x18400] =	vst v63  }
0x539: {  	v3 =	vld [tilespmem:$0x3F0];
	_ =	sdelay $0x4  }
0x53a: {  	v63 =	vshrl.u32 v3, $0x3  }
0x53b: {  	v4 =	vmul.u32 $0x30, v63  }
0x53c: {  	v3 =	vand.u32 $0x7, v3  }
0x53d: {  	v3 =	vor.u32 v3, v4  }
0x53e: {  	v4 =	vperm.xlane v3, v0;
	_ =	sdelay $0x1  }
0x53f: {  	v4 =	vadd.s32 v1, v4;
	_ =	sdelay $0x3  }
0x540: {  	s22 =	simm.s32 $0x15400;
	v3 =	vperm.xlane v3, v2  }
0x541: {  	[tilespmem:s22], [sflag:$0x2] =	stream.indirect_vreg.gather [hbm4b:s2+s3], $0x80, v4, vm0, $0xb8;
	[tilespmem:$0x18400] =	vst v63  }
0x542: {  	s23 =	simm.s32 $0x15C00;
	v3 =	vadd.s32 v1, v3  }
0x543: {  	[tilespmem:s23], [sflag:$0x2] =	stream.indirect_vreg.gather [hbm4b:s5+s3], $0x80, v4, vm0, $0xb8;
	[tilespmem:$0x18400] =	vst v63  }
0x544: {  	s24 =	simm.s32 $0x16400  }
0x545: {  	[tilespmem:s24], [sflag:$0x2] =	stream.indirect_vreg.gather [hbm4b:s6+s3], $0x80, v4, vm0, $0xb8;
	[tilespmem:$0x18400] =	vst v63  }
0x546: {  	s25 =	simm.s32 $0x16C00  }
0x547: {  	[tilespmem:s25], [sflag:$0x2] =	stream.indirect_vreg.gather [hbm4b:s2+s3], $0x80, v3, vm0, $0xb8;
	[tilespmem:$0x18400] =	vst v63  }
0x548: {  	s26 =	simm.s32 $0x17400  }
0x549: {  	[tilespmem:s26], [sflag:$0x2] =	stream.indirect_vreg.gather [hbm4b:s5+s3], $0x80, v3, vm0, $0xb8;
	[tilespmem:$0x18400] =	vst v63  }
0x54a: {  	s28 =	simm.s32 $0x17C00  }
0x54b: {  	[tilespmem:s28], [sflag:$0x2] =	stream.indirect_vreg.gather [hbm4b:s6+s3], $0x80, v3, vm0, $0xb8;
	[tilespmem:$0x18400] =	vst v63  }
0x54c: {  	s9 =	rddreg [dreg:$0x17];
	_ =	swait.ge [sflag:s1], $0xC000  }
0x54d: {  	[sflag:s1] =	ssyncset.done $0x0  }
0x54e: {  	s29 =	rddreg [dreg:$0x13];
	[sflag:s1] =	ssyncadd.s32 $0xFFFF4000  }
0x54f: {  	[hbm4b:s29+s3] =	stream.linear.scatter [tilespmem:s31], [sflag:$0x3], $0xC000, $0x38;
	[tilespmem:$0x18400] =	vst v63  }
0x550: {  	_ =	swait.ge [sflag:s11], $0xC000  }
0x551: {  	[sflag:s11] =	ssyncset.done $0x0  }
0x552: {  	s30 =	rddreg [dreg:$0x14];
	[sflag:s11] =	ssyncadd.s32 $0xFFFF4000  }
0x553: {  	[hbm4b:s30+s3] =	stream.linear.scatter [tilespmem:s4], [sflag:$0x4], $0xC000, $0x38;
	[tilespmem:$0x18400] =	vst v63  }
0x554: {  	p0 =	sne.s32 s9, $0x1;
	_ =	swait.ge [sflag:s8], $0xC000  }
.Ltmp0:
0x555: {  	[sflag:s8] =	ssyncset.done $0x0;
	(pc) =	sbr.rel @p0 .LBB2_1-.Ltmp0, $4  }
0x556: {  	[sflag:s8] =	ssyncadd.s32 $0xFFFF4000  }
0x557: {  	_ =	swait.ge [sflag:s10], $0xC000  }
0x558: {  	[sflag:s10] =	ssyncset.done $0x0  }
0x559: {  	s7 =	sadd.s32 $0xFFFFFFFF, s9;
	[sflag:s10] =	ssyncadd.s32 $0xFFFF4000  }
0x55a: {  	_ =	sfence.sel $0x180000  }
0x55b: {  	[bflag:$0x0] =	sbarrier.arrive $0xFFFF  }
0x55c: {  	_ =	strace $0x90000047  }
0x55d: {  	s0 =	stileid.u32;
	[bflag:$0x2] =	sbarrier.arrive $0xFFFF  }
0x55e: {  	p0 =	sne.s32 s0, $0x0;
	s0 =	rddreg [dreg:$0x3]  }
0x55f: {  	s0 =	sadd.s32 @!p0 $0x100000, s0  }
0x560: {  	[sflag:s0] =	ssyncadd.tile.s32 @!p0 $0x1;
	_ =	shalt  }
.Lfunc_end2:
_tile_overlayer_lowered:
.L_overlay_start_2:
0x561: {  	(tag) =	ssettag $0x2  }
0x562: {  	s0 =	rddreg [dreg:$0x0];
	s2 =	stileid.u32  }
0x563: {  	s1 =	rddreg [dreg:$0x1];
	p0 =	sne.s32 s2, $0x0  }
0x564: {  	s3 =	rddreg [dreg:$0x2];
	[bflag:$0x3] =	sbarrier.arrive $0xFFFF;
	s2 =	simm.s32 @!p0 $0x1C05  }
0x565: {  	[timem:s3], [sflag:s2] =	dma.local @!p0 [hbm:s0], s1  }
0x566: {  	s0 =	simm.s32 @!p0 $0x5  }
0x567: {  	_ =	swait.ge @!p0 [sflag:s0], s1  }
0x568: {  	s1 =	ssub.s32 @!p0 $0x0, s1;
	[sflag:s0] =	ssyncset.done @!p0 $0x0  }
0x569: {  	[sflag:s0] =	ssyncadd.s32 @!p0 s1  }
0x56a: {  	[bflag:$0x3] =	sbarrier.arrive $0xFFFF  }
0x56b: {  	_ =	shalt  }

</sc_bundles>
